<compile_context>
chip_gen: v7x
topology: tpu7x:2x2x1
jax: 0.10.2.dev20260603
libtpu: 0.0.44.dev20260713+nightly
codegen_flags: <defaults>
</compile_context>

<pallas_src>
import functools

import jax
import jax.numpy as jnp
from jax import lax
from jax.experimental import pallas as pl
from jax.experimental.pallas import tpu as pltpu
from jax.experimental.pallas import tpu_sc as plsc

N = 10000
E = 320000
IN = 128
H = 128
OUT = 64

NPAD = 10240
NTILES = 32
ET = E // NTILES
C = 80
RT = NPAD // 16
ROWS_BLK = 2000
GRID = N // ROWS_BLK


def _make_segsum(D):
    mesh = plsc.VectorSubcoreMesh(core_axis_name="c", subcore_axis_name="s")
    out_type = [jax.ShapeDtypeStruct((2, NPAD, D), jnp.float32)]
    scratch = [
        pltpu.VMEM((C,), jnp.int32),
        pltpu.VMEM((C,), jnp.int32),
        pltpu.VMEM((C, D), jnp.float32),
        pltpu.VMEM((C,), jnp.int32),
        pltpu.VMEM((C,), jnp.int32),
        pltpu.VMEM((C, D), jnp.float32),
        pltpu.VMEM_SHARED((NPAD, D), jnp.float32),
        pltpu.SemaphoreType.DMA,
    ]
    NCH = ET // C

    @functools.partial(pl.kernel, mesh=mesh, out_type=out_type,
                       scratch_types=scratch)
    def seg(y, srcr, dstr, z, out,
            src0, dst0, rows0, src1, dst1, rows1, acc, sem):
        c = lax.axis_index("c")
        s = lax.axis_index("s")
        wid = c * 16 + s
        r0 = s * RT
        pltpu.sync_copy(z.at[pl.ds(r0, RT)], acc.at[pl.ds(r0, RT)])
        plsc.subcore_barrier()
        ebase = wid * ET

        def load_idx(e, sv, dv):
            eoff = pl.multiple_of(ebase + e * C, 8)
            pltpu.sync_copy(srcr.at[pl.ds(eoff, C)], sv)
            pltpu.sync_copy(dstr.at[pl.ds(eoff, C)], dv)

        load_idx(0, src0, dst0)
        pltpu.async_copy(y.at[src0], rows0, sem)

        def step(j, carry):
            e2 = 2 * j + 2
            load_idx(2 * j + 1, src1, dst1)
            pltpu.make_async_copy(y.at[src0], rows0, sem).wait()
            pltpu.async_copy(y.at[src1], rows1, sem)
            pltpu.sync_copy(rows0, acc.at[dst0], add=True)
            @pl.when(e2 < NCH)
            def _():
                load_idx(e2, src0, dst0)
            pltpu.make_async_copy(y.at[src1], rows1, sem).wait()

            @pl.when(e2 < NCH)
            def _():
                pltpu.async_copy(y.at[src0], rows0, sem)
            pltpu.sync_copy(rows1, acc.at[dst1], add=True)
            return carry

        lax.fori_loop(0, NCH // 2, step, 0)
        pltpu.make_async_copy(y.at[src0], rows0, sem).wait()
        pltpu.sync_copy(rows0, acc.at[dst0], add=True)
        plsc.subcore_barrier()
        pltpu.sync_copy(acc.at[pl.ds(r0, RT)], out.at[c, pl.ds(r0, RT)])

    return seg


_segsum_h = _make_segsum(H)


def _make_deg():
    mesh = plsc.VectorSubcoreMesh(core_axis_name="c", subcore_axis_name="s")

    @functools.partial(
        pl.kernel, mesh=mesh,
        out_type=[jax.ShapeDtypeStruct((2, NPAD, H), jnp.float32)],
        scratch_types=[
            pltpu.VMEM((C,), jnp.int32),
            pltpu.VMEM((C,), jnp.int32),
            pltpu.VMEM((C, H), jnp.float32),
            pltpu.VMEM_SHARED((NPAD, H), jnp.float32),
        ])
    def deg(dstr, z, o128, out, dst0, dst1, ones_v, dacc):
        c = lax.axis_index("c")
        s = lax.axis_index("s")
        wid = c * 16 + s
        r0 = s * RT
        pltpu.sync_copy(z.at[pl.ds(r0, RT)], dacc.at[pl.ds(r0, RT)])
        pltpu.sync_copy(o128, ones_v)
        plsc.subcore_barrier()
        ebase = wid * ET
        NCH = ET // C

        def load_d(e, dv):
            eoff = pl.multiple_of(ebase + e * C, 8)
            pltpu.sync_copy(dstr.at[pl.ds(eoff, C)], dv)

        load_d(0, dst0)

        def step(j, carry):
            e2 = 2 * j + 2
            load_d(2 * j + 1, dst1)
            pltpu.sync_copy(ones_v, dacc.at[dst0], add=True)

            @pl.when(e2 < NCH)
            def _():
                load_d(e2, dst0)
            pltpu.sync_copy(ones_v, dacc.at[dst1], add=True)
            return carry

        lax.fori_loop(0, NCH // 2, step, 0)
        pltpu.sync_copy(ones_v, dacc.at[dst0], add=True)
        plsc.subcore_barrier()
        pltpu.sync_copy(dacc.at[pl.ds(r0, RT)], out.at[c, pl.ds(r0, RT)])

    return deg


_deg_pass = _make_deg()


def _pre_body(x_ref, wl_ref, wrs_ref, y_ref, s_ref):
    xb = x_ref[...]
    y_ref[...] = jnp.dot(xb, wl_ref[...], preferred_element_type=jnp.float32)
    s_ref[...] = jnp.dot(xb, wrs_ref[...], preferred_element_type=jnp.float32)


def _pre(x, wlT, wrsT):
    D = wlT.shape[1]
    return pl.pallas_call(
        _pre_body,
        grid=(GRID,),
        in_specs=[
            pl.BlockSpec((ROWS_BLK, IN), lambda i: (i, 0)),
            pl.BlockSpec((IN, D), lambda i: (0, 0)),
            pl.BlockSpec((IN, D), lambda i: (0, 0)),
        ],
        out_specs=[
            pl.BlockSpec((ROWS_BLK, D), lambda i: (i, 0)),
            pl.BlockSpec((ROWS_BLK, D), lambda i: (i, 0)),
        ],
        out_shape=[
            jax.ShapeDtypeStruct((N, D), jnp.float32),
            jax.ShapeDtypeStruct((N, D), jnp.float32),
        ],
    )(x, wlT, wrsT)


def _epilogue_math(agg_ref, deg_ref, s_ref, bl_ref, g_ref, b_ref):
    W = s_ref.shape[1]
    agg = (agg_ref[0] + agg_ref[1])[:, :W]
    deg = (deg_ref[0] + deg_ref[1])[:, :W]
    mean = agg / jnp.maximum(deg, 1.0)
    pre = mean + bl_ref[...] + s_ref[...]
    mu = jnp.mean(pre, axis=1, keepdims=True)
    var = jnp.mean((pre - mu) ** 2, axis=1, keepdims=True)
    h = (pre - mu) * lax.rsqrt(var + 1e-5) * g_ref[...] + b_ref[...]
    return jnp.maximum(h, 0.0)


def _mid_body(agg_ref, deg_ref, s_ref, bl_ref, g_ref, b_ref,
              wl_ref, wrs_ref, y_ref, s2_ref):
    h = _epilogue_math(agg_ref, deg_ref, s_ref, bl_ref, g_ref, b_ref)
    y_ref[...] = jnp.dot(h, wl_ref[...], preferred_element_type=jnp.float32)
    s2_ref[...] = jnp.dot(h, wrs_ref[...], preferred_element_type=jnp.float32)


def _mid(agg, degp, s, bl, g, b, wlT, wrsT):
    D = s.shape[1]
    Dy = wlT.shape[1]
    Ds = wrsT.shape[1]
    return pl.pallas_call(
        _mid_body,
        grid=(GRID,),
        in_specs=[
            pl.BlockSpec((2, ROWS_BLK, H), lambda i: (0, i, 0)),
            pl.BlockSpec((2, ROWS_BLK, H), lambda i: (0, i, 0)),
            pl.BlockSpec((ROWS_BLK, D), lambda i: (i, 0)),
            pl.BlockSpec((1, D), lambda i: (0, 0)),
            pl.BlockSpec((1, D), lambda i: (0, 0)),
            pl.BlockSpec((1, D), lambda i: (0, 0)),
            pl.BlockSpec((D, Dy), lambda i: (0, 0)),
            pl.BlockSpec((D, Ds), lambda i: (0, 0)),
        ],
        out_specs=[
            pl.BlockSpec((ROWS_BLK, Dy), lambda i: (i, 0)),
            pl.BlockSpec((ROWS_BLK, Ds), lambda i: (i, 0)),
        ],
        out_shape=[
            jax.ShapeDtypeStruct((N, Dy), jnp.float32),
            jax.ShapeDtypeStruct((N, Ds), jnp.float32),
        ],
    )(agg, degp, s, bl, g, b, wlT, wrsT)


def _final_body(agg_ref, deg_ref, s_ref, bl_ref, g_ref, b_ref, h_ref):
    h_ref[...] = _epilogue_math(agg_ref, deg_ref, s_ref, bl_ref, g_ref, b_ref)


def _final(agg, degp, s, bl, g, b):
    D = s.shape[1]
    return pl.pallas_call(
        _final_body,
        grid=(GRID,),
        in_specs=[
            pl.BlockSpec((2, ROWS_BLK, H), lambda i: (0, i, 0)),
            pl.BlockSpec((2, ROWS_BLK, H), lambda i: (0, i, 0)),
            pl.BlockSpec((ROWS_BLK, D), lambda i: (i, 0)),
            pl.BlockSpec((1, D), lambda i: (0, 0)),
            pl.BlockSpec((1, D), lambda i: (0, 0)),
            pl.BlockSpec((1, D), lambda i: (0, 0)),
        ],
        out_specs=pl.BlockSpec((ROWS_BLK, D), lambda i: (i, 0)),
        out_shape=jax.ShapeDtypeStruct((N, D), jnp.float32),
    )(agg, degp, s, bl, g, b)


def kernel(x, edge_index, Wl1, bl1, Wr1, Ws1, g1, b1,
           Wl2, bl2, Wr2, Ws2, g2, b2, Wl3, bl3, Wr3, Ws3, g3, b3):
    src = edge_index[0]
    dst = edge_index[1]
    zH = jnp.zeros((NPAD, H), jnp.float32)
    Wl3Tp = jnp.concatenate([Wl3.T, jnp.zeros((H, H - OUT), jnp.float32)], 1)

    o128 = jnp.ones((C, H), jnp.float32)
    (dpart,) = _deg_pass(dst, zH, o128)
    y1, s1 = _pre(x, Wl1.T, (Wr1 + Ws1).T)
    (agg1,) = _segsum_h(y1, src, dst, zH)
    y2, s2 = _mid(agg1, dpart, s1, bl1.reshape(1, -1), g1.reshape(1, -1),
                  b1.reshape(1, -1), Wl2.T, (Wr2 + Ws2).T)
    (agg2,) = _segsum_h(y2, src, dst, zH)
    y3, s3 = _mid(agg2, dpart, s2, bl2.reshape(1, -1), g2.reshape(1, -1),
                  b2.reshape(1, -1), Wl3Tp, (Wr3 + Ws3).T)
    (agg3,) = _segsum_h(y3, src, dst, zH)
    return _final(agg3, dpart, s3, bl3.reshape(1, -1), g3.reshape(1, -1),
                  b3.reshape(1, -1))

# --- scband reference (transcript-rebuilt; emitter-appended) ---
"""Pipeline reference for scband-graph-sageencoder-83485574299694 (READ-ONLY COPY).

The authoritative reference and input builder live on the scoring server;
editing this copy changes nothing except your own understanding.
"""

import jax, jax.numpy as jnp
import numpy as np

N = 10000
E = 320000
IN = 128
H = 128
OUT = 64


def setup_inputs(seed: int = 0) -> dict:
    key = jax.random.key(seed)
    ks = jax.random.split(key, 24)
    inp = {}
    inp['x'] = jax.random.normal(ks[0], (N, IN), dtype=jnp.float32)
    inp['edge_index'] = jax.random.randint(ks[1], (2, E), 0, N, dtype=jnp.int32)
    def lin(k, out_d, in_d):
        return jax.random.normal(k, (out_d, in_d), dtype=jnp.float32) * (1.0 / np.sqrt(in_d))
    # layer 1: IN -> H
    inp['Wl1'] = lin(ks[2], H, IN)
    inp['bl1'] = jnp.zeros((H,), dtype=jnp.float32)
    inp['Wr1'] = lin(ks[3], H, IN)
    inp['Ws1'] = lin(ks[4], H, IN)
    inp['g1'] = jnp.ones((H,), dtype=jnp.float32)
    inp['b1'] = jnp.zeros((H,), dtype=jnp.float32)
    # layer 2: H -> H
    inp['Wl2'] = lin(ks[5], H, H)
    inp['bl2'] = jnp.zeros((H,), dtype=jnp.float32)
    inp['Wr2'] = lin(ks[6], H, H)
    inp['Ws2'] = lin(ks[7], H, H)
    inp['g2'] = jnp.ones((H,), dtype=jnp.float32)
    inp['b2'] = jnp.zeros((H,), dtype=jnp.float32)
    # layer 3: H -> OUT
    inp['Wl3'] = lin(ks[8], OUT, H)
    inp['bl3'] = jnp.zeros((OUT,), dtype=jnp.float32)
    inp['Wr3'] = lin(ks[9], OUT, H)
    inp['Ws3'] = lin(ks[10], OUT, H)
    inp['g3'] = jnp.ones((OUT,), dtype=jnp.float32)
    inp['b3'] = jnp.zeros((OUT,), dtype=jnp.float32)
    return inp


def _sage_conv(x, edge_index, Wl, bl, Wr):
    # PyG-style SAGEConv with mean aggregation:
    # out = lin_l(mean_{j in N(i)} x_j) + lin_r(x_i)
    src = edge_index[0]
    dst = edge_index[1]
    n = x.shape[0]
    agg = jax.ops.segment_sum(x[src], dst, num_segments=n)
    deg = jax.ops.segment_sum(jnp.ones((edge_index.shape[1],), dtype=x.dtype), dst, num_segments=n)
    mean = agg / jnp.maximum(deg, 1.0)[:, None]
    return mean @ Wl.T + bl + x @ Wr.T


def _layer_norm(h, g, b, eps=1e-5):
    mu = jnp.mean(h, axis=-1, keepdims=True)
    var = jnp.mean((h - mu) ** 2, axis=-1, keepdims=True)
    return (h - mu) / jnp.sqrt(var + eps) * g + b


def reference(x, edge_index, Wl1, bl1, Wr1, Ws1, g1, b1, Wl2, bl2, Wr2, Ws2, g2, b2, Wl3, bl3, Wr3, Ws3, g3, b3):
    # dropout is identity in eval mode
    h1 = jax.nn.relu(_layer_norm(_sage_conv(x, edge_index, Wl1, bl1, Wr1) + x @ Ws1.T, g1, b1))
    h2 = jax.nn.relu(_layer_norm(_sage_conv(h1, edge_index, Wl2, bl2, Wr2) + h1 @ Ws2.T, g2, b2))
    h3 = jax.nn.relu(_layer_norm(_sage_conv(h2, edge_index, Wl3, bl3, Wr3) + h2 @ Ws3.T, g3, b3))
    return h3

if __name__ == "__main__":
    import jax
    _d = setup_inputs()
    print(jax.jit(kernel)(*tuple(_d.values())))

</pallas_src>

<mosaic_0001>
#map = affine_map<(d0, d1) -> (0, 0)>
#map1 = affine_map<(d0, d1) -> (0)>
#map2 = affine_map<(d0, d1) -> (0, 0, 0)>
module attributes {stable_mosaic.version = 14 : i64} {
  func.func @seg(%arg0: i32, %arg1: i32, %arg2: memref<10000x128xf32, #tpu.memory_space<hbm>>, %arg3: memref<320000xi32, #tpu.memory_space<hbm>>, %arg4: memref<320000xi32, #tpu.memory_space<hbm>>, %arg5: memref<10240x128xf32, #tpu.memory_space<hbm>>, %arg6: memref<2x10240x128xf32, #tpu.memory_space<hbm>>, %arg7: memref<80xi32, #tpu.memory_space<vmem>>, %arg8: memref<80xi32, #tpu.memory_space<vmem>>, %arg9: memref<80x128xf32, #tpu.memory_space<vmem>>, %arg10: memref<80xi32, #tpu.memory_space<vmem>>, %arg11: memref<80xi32, #tpu.memory_space<vmem>>, %arg12: memref<80x128xf32, #tpu.memory_space<vmem>>, %arg13: memref<10240x128xf32, #tpu.memory_space<vmem_shared>>, %arg14: memref<!tpu.dma_semaphore, #tpu.memory_space<semaphore_mem>>) attributes {dimension_semantics = [#tpu.dimension_semantics<core_parallel>, #tpu.dimension_semantics<subcore_parallel>], iteration_bounds = array<i64: 2, 16>, scalar_prefetch = 0 : i64, scratch_operands = 8 : i64, tpu.core_type = #tpu.core_type<sc_vector_subcore>, window_params = [{transform_indices = #map}, {transform_indices = #map1}, {transform_indices = #map1}, {transform_indices = #map}, {transform_indices = #map2}]} {
    %mul3A = arith.constant 16 : i32
    %mul3A_0 = arith.muli %arg0, %mul3A : i32
    %add3A = arith.addi %mul3A_0, %arg1 : i32
    %mul3A_1 = arith.constant 640 : i32
    %mul3A_2 = arith.muli %arg1, %mul3A_1 : i32
    "tpu.region"() ({
      %run_scoped3A = tpu.sem_alloc : memref<!tpu.dma_semaphore, #tpu.memory_space<semaphore_mem>>
      %dma_start3A_17 = arith.constant 0 : i32
      %dma_start3A_18 = tpu.memref_slice %arg13[%mul3A_2, %dma_start3A_17] : memref<10240x128xf32, #tpu.memory_space<vmem_shared>> -> memref<640x128xf32, #tpu.memory_space<vmem_shared>>
      %dma_start3A_19 = arith.constant 0 : i32
      %dma_start3A_20 = tpu.memref_slice %arg5[%mul3A_2, %dma_start3A_19] : memref<10240x128xf32, #tpu.memory_space<hbm>> -> memref<640x128xf32, #tpu.memory_space<hbm>>
      tpu.enqueue_dma source(%dma_start3A_20 : memref<640x128xf32, #tpu.memory_space<hbm>>) target(%dma_start3A_18 : memref<640x128xf32, #tpu.memory_space<vmem_shared>>) target_semaphore(%run_scoped3A : memref<!tpu.dma_semaphore, #tpu.memory_space<semaphore_mem>>)
      %dma_wait3A_21 = arith.constant 0 : i32
      %dma_wait3A_22 = tpu.memref_slice %arg13[%mul3A_2, %dma_wait3A_21] : memref<10240x128xf32, #tpu.memory_space<vmem_shared>> -> memref<640x128xf32, #tpu.memory_space<vmem_shared>>
      %dma_wait3A_23 = arith.constant 0 : i32
      %dma_wait3A_24 = tpu.memref_slice %arg5[%mul3A_2, %dma_wait3A_23] : memref<10240x128xf32, #tpu.memory_space<hbm>> -> memref<640x128xf32, #tpu.memory_space<hbm>>
      tpu.wait_dma2 semaphore(%run_scoped3A : memref<!tpu.dma_semaphore, #tpu.memory_space<semaphore_mem>>) src(%dma_wait3A_24 : memref<640x128xf32, #tpu.memory_space<hbm>>) dst(%dma_wait3A_22 : memref<640x128xf32, #tpu.memory_space<vmem_shared>>)
      tpu.yield
    }) : () -> ()
    %barrier3A = arith.constant 0 : index
    tpu.barrier barrier_id(%barrier3A)
    %mul3A_3 = arith.constant 10000 : i32
    %mul3A_4 = arith.muli %add3A, %mul3A_3 : i32
    %add3A_5 = arith.constant 0 : i32
    %add3A_6 = arith.addi %mul3A_4, %add3A_5 : i32
    %multiple_of3A = tpu.assume_multiple %add3A_6, 8 : i32
    "tpu.region"() ({
      %run_scoped3A = tpu.sem_alloc : memref<!tpu.dma_semaphore, #tpu.memory_space<semaphore_mem>>
      %dma_start3A_17 = tpu.memref_slice %arg3[%multiple_of3A] : memref<320000xi32, #tpu.memory_space<hbm>> -> memref<80xi32, #tpu.memory_space<hbm>>
      %dma_start3A_18 = tpu.memref_slice %arg3[%multiple_of3A] : memref<320000xi32, #tpu.memory_space<hbm>> -> memref<80xi32, #tpu.memory_space<hbm>>
      tpu.enqueue_dma source(%dma_start3A_18 : memref<80xi32, #tpu.memory_space<hbm>>) target(%arg7 : memref<80xi32, #tpu.memory_space<vmem>>) target_semaphore(%run_scoped3A : memref<!tpu.dma_semaphore, #tpu.memory_space<semaphore_mem>>)
      %dma_wait3A_19 = tpu.memref_slice %arg3[%multiple_of3A] : memref<320000xi32, #tpu.memory_space<hbm>> -> memref<80xi32, #tpu.memory_space<hbm>>
      %dma_wait3A_20 = tpu.memref_slice %arg3[%multiple_of3A] : memref<320000xi32, #tpu.memory_space<hbm>> -> memref<80xi32, #tpu.memory_space<hbm>>
      tpu.wait_dma2 semaphore(%run_scoped3A : memref<!tpu.dma_semaphore, #tpu.memory_space<semaphore_mem>>) src(%dma_wait3A_20 : memref<80xi32, #tpu.memory_space<hbm>>) dst(%arg7 : memref<80xi32, #tpu.memory_space<vmem>>)
      tpu.yield
    }) : () -> ()
    "tpu.region"() ({
      %run_scoped3A = tpu.sem_alloc : memref<!tpu.dma_semaphore, #tpu.memory_space<semaphore_mem>>
      %dma_start3A_17 = tpu.memref_slice %arg4[%multiple_of3A] : memref<320000xi32, #tpu.memory_space<hbm>> -> memref<80xi32, #tpu.memory_space<hbm>>
      %dma_start3A_18 = tpu.memref_slice %arg4[%multiple_of3A] : memref<320000xi32, #tpu.memory_space<hbm>> -> memref<80xi32, #tpu.memory_space<hbm>>
      tpu.enqueue_dma source(%dma_start3A_18 : memref<80xi32, #tpu.memory_space<hbm>>) target(%arg8 : memref<80xi32, #tpu.memory_space<vmem>>) target_semaphore(%run_scoped3A : memref<!tpu.dma_semaphore, #tpu.memory_space<semaphore_mem>>)
      %dma_wait3A_19 = tpu.memref_slice %arg4[%multiple_of3A] : memref<320000xi32, #tpu.memory_space<hbm>> -> memref<80xi32, #tpu.memory_space<hbm>>
      %dma_wait3A_20 = tpu.memref_slice %arg4[%multiple_of3A] : memref<320000xi32, #tpu.memory_space<hbm>> -> memref<80xi32, #tpu.memory_space<hbm>>
      tpu.wait_dma2 semaphore(%run_scoped3A : memref<!tpu.dma_semaphore, #tpu.memory_space<semaphore_mem>>) src(%dma_wait3A_20 : memref<80xi32, #tpu.memory_space<hbm>>) dst(%arg8 : memref<80xi32, #tpu.memory_space<vmem>>)
      tpu.yield
    }) : () -> ()
    %dma_start3A = arith.constant 0 : i32
    %dma_start3A_7 = arith.constant 0 : i32
    %dma_start3A_8 = tpu.memref_slice %arg2[%dma_start3A, %dma_start3A_7] : memref<10000x128xf32, #tpu.memory_space<hbm>> -> memref<10000x128xf32, #tpu.memory_space<hbm>>
    tpu.enqueue_indirect_dma source(%dma_start3A_8 : memref<10000x128xf32, #tpu.memory_space<hbm>>) target(%arg9 : memref<80x128xf32, #tpu.memory_space<vmem>>) offsets(%arg7 : memref<80xi32, #tpu.memory_space<vmem>>) semaphore(%arg14 : memref<!tpu.dma_semaphore, #tpu.memory_space<semaphore_mem>>)
    %scan3A = arith.constant 0 : i32
    %scan3A_9 = arith.constant 0 : i32
    %scan3A_10 = arith.constant 62 : i32
    %scan3A_11 = arith.addi %scan3A_9, %scan3A_10 : i32
    %scan3A_12 = arith.constant 1 : i32
    scf.for %scan3A_17 = %scan3A_9 to %scan3A_11 step %scan3A_12  : i32 {
      %mul3A_18 = arith.constant 2 : i32
      %mul3A_19 = arith.muli %mul3A_18, %scan3A_17 : i32
      %add3A_20 = arith.constant 2 : i32
      %add3A_21 = arith.addi %mul3A_19, %add3A_20 : i32
      %mul3A_22 = arith.constant 2 : i32
      %mul3A_23 = arith.muli %mul3A_22, %scan3A_17 : i32
      %add3A_24 = arith.constant 1 : i32
      %add3A_25 = arith.addi %mul3A_23, %add3A_24 : i32
      %mul3A_26 = arith.constant 80 : i32
      %mul3A_27 = arith.muli %add3A_25, %mul3A_26 : i32
      %add3A_28 = arith.addi %mul3A_4, %mul3A_27 : i32
      %multiple_of3A_29 = tpu.assume_multiple %add3A_28, 8 : i32
      "tpu.region"() ({
        %run_scoped3A = tpu.sem_alloc : memref<!tpu.dma_semaphore, #tpu.memory_space<semaphore_mem>>
        %dma_start3A_46 = tpu.memref_slice %arg3[%multiple_of3A_29] : memref<320000xi32, #tpu.memory_space<hbm>> -> memref<80xi32, #tpu.memory_space<hbm>>
        %dma_start3A_47 = tpu.memref_slice %arg3[%multiple_of3A_29] : memref<320000xi32, #tpu.memory_space<hbm>> -> memref<80xi32, #tpu.memory_space<hbm>>
        tpu.enqueue_dma source(%dma_start3A_47 : memref<80xi32, #tpu.memory_space<hbm>>) target(%arg10 : memref<80xi32, #tpu.memory_space<vmem>>) target_semaphore(%run_scoped3A : memref<!tpu.dma_semaphore, #tpu.memory_space<semaphore_mem>>)
        %dma_wait3A_48 = tpu.memref_slice %arg3[%multiple_of3A_29] : memref<320000xi32, #tpu.memory_space<hbm>> -> memref<80xi32, #tpu.memory_space<hbm>>
        %dma_wait3A_49 = tpu.memref_slice %arg3[%multiple_of3A_29] : memref<320000xi32, #tpu.memory_space<hbm>> -> memref<80xi32, #tpu.memory_space<hbm>>
        tpu.wait_dma2 semaphore(%run_scoped3A : memref<!tpu.dma_semaphore, #tpu.memory_space<semaphore_mem>>) src(%dma_wait3A_49 : memref<80xi32, #tpu.memory_space<hbm>>) dst(%arg10 : memref<80xi32, #tpu.memory_space<vmem>>)
        tpu.yield
      }) : () -> ()
      "tpu.region"() ({
        %run_scoped3A = tpu.sem_alloc : memref<!tpu.dma_semaphore, #tpu.memory_space<semaphore_mem>>
        %dma_start3A_46 = tpu.memref_slice %arg4[%multiple_of3A_29] : memref<320000xi32, #tpu.memory_space<hbm>> -> memref<80xi32, #tpu.memory_space<hbm>>
        %dma_start3A_47 = tpu.memref_slice %arg4[%multiple_of3A_29] : memref<320000xi32, #tpu.memory_space<hbm>> -> memref<80xi32, #tpu.memory_space<hbm>>
        tpu.enqueue_dma source(%dma_start3A_47 : memref<80xi32, #tpu.memory_space<hbm>>) target(%arg11 : memref<80xi32, #tpu.memory_space<vmem>>) target_semaphore(%run_scoped3A : memref<!tpu.dma_semaphore, #tpu.memory_space<semaphore_mem>>)
        %dma_wait3A_48 = tpu.memref_slice %arg4[%multiple_of3A_29] : memref<320000xi32, #tpu.memory_space<hbm>> -> memref<80xi32, #tpu.memory_space<hbm>>
        %dma_wait3A_49 = tpu.memref_slice %arg4[%multiple_of3A_29] : memref<320000xi32, #tpu.memory_space<hbm>> -> memref<80xi32, #tpu.memory_space<hbm>>
        tpu.wait_dma2 semaphore(%run_scoped3A : memref<!tpu.dma_semaphore, #tpu.memory_space<semaphore_mem>>) src(%dma_wait3A_49 : memref<80xi32, #tpu.memory_space<hbm>>) dst(%arg11 : memref<80xi32, #tpu.memory_space<vmem>>)
        tpu.yield
      }) : () -> ()
      %dma_wait3A_30 = arith.constant 0 : i32
      %dma_wait3A_31 = arith.constant 0 : i32
      %dma_wait3A_32 = tpu.memref_slice %arg2[%dma_wait3A_30, %dma_wait3A_31] : memref<10000x128xf32, #tpu.memory_space<hbm>> -> memref<10000x128xf32, #tpu.memory_space<hbm>>
      tpu.wait_indirect_dma semaphore(%arg14 : memref<!tpu.dma_semaphore, #tpu.memory_space<semaphore_mem>>) src(%dma_wait3A_32 : memref<10000x128xf32, #tpu.memory_space<hbm>>) dst(%arg9 : memref<80x128xf32, #tpu.memory_space<vmem>>)
      %dma_start3A_33 = arith.constant 0 : i32
      %dma_start3A_34 = arith.constant 0 : i32
      %dma_start3A_35 = tpu.memref_slice %arg2[%dma_start3A_33, %dma_start3A_34] : memref<10000x128xf32, #tpu.memory_space<hbm>> -> memref<10000x128xf32, #tpu.memory_space<hbm>>
      tpu.enqueue_indirect_dma source(%dma_start3A_35 : memref<10000x128xf32, #tpu.memory_space<hbm>>) target(%arg12 : memref<80x128xf32, #tpu.memory_space<vmem>>) offsets(%arg10 : memref<80xi32, #tpu.memory_space<vmem>>) semaphore(%arg14 : memref<!tpu.dma_semaphore, #tpu.memory_space<semaphore_mem>>)
      "tpu.region"() ({
        %run_scoped3A = tpu.sem_alloc : memref<!tpu.dma_semaphore, #tpu.memory_space<semaphore_mem>>
        %dma_start3A_46 = arith.constant 0 : i32
        %dma_start3A_47 = arith.constant 0 : i32
        %dma_start3A_48 = tpu.memref_slice %arg13[%dma_start3A_46, %dma_start3A_47] : memref<10240x128xf32, #tpu.memory_space<vmem_shared>> -> memref<10240x128xf32, #tpu.memory_space<vmem_shared>>
        tpu.enqueue_indirect_dma source(%arg9 : memref<80x128xf32, #tpu.memory_space<vmem>>) target(%dma_start3A_48 : memref<10240x128xf32, #tpu.memory_space<vmem_shared>>) offsets(%arg8 : memref<80xi32, #tpu.memory_space<vmem>>) semaphore(%run_scoped3A : memref<!tpu.dma_semaphore, #tpu.memory_space<semaphore_mem>>) {add = true}
        %dma_wait3A_49 = arith.constant 0 : i32
        %dma_wait3A_50 = arith.constant 0 : i32
        %dma_wait3A_51 = tpu.memref_slice %arg13[%dma_wait3A_49, %dma_wait3A_50] : memref<10240x128xf32, #tpu.memory_space<vmem_shared>> -> memref<10240x128xf32, #tpu.memory_space<vmem_shared>>
        tpu.wait_indirect_dma semaphore(%run_scoped3A : memref<!tpu.dma_semaphore, #tpu.memory_space<semaphore_mem>>) src(%arg9 : memref<80x128xf32, #tpu.memory_space<vmem>>) dst(%dma_wait3A_51 : memref<10240x128xf32, #tpu.memory_space<vmem_shared>>)
        tpu.yield
      }) : () -> ()
      %lt3A = arith.constant 125 : i32
      %lt3A_36 = arith.cmpi slt, %add3A_21, %lt3A : i32
      %convert_element_type3A = arith.extui %lt3A_36 : i1 to i32
      %cond3A = arith.constant 0 : i32
      %cond3A_37 = arith.cmpi ne, %convert_element_type3A, %cond3A : i32
      scf.if %cond3A_37 {
        %mul3A_46 = arith.constant 80 : i32
        %mul3A_47 = arith.muli %add3A_21, %mul3A_46 : i32
        %add3A_48 = arith.addi %mul3A_4, %mul3A_47 : i32
        %multiple_of3A_49 = tpu.assume_multiple %add3A_48, 8 : i32
        "tpu.region"() ({
          %run_scoped3A = tpu.sem_alloc : memref<!tpu.dma_semaphore, #tpu.memory_space<semaphore_mem>>
          %dma_start3A_50 = tpu.memref_slice %arg3[%multiple_of3A_49] : memref<320000xi32, #tpu.memory_space<hbm>> -> memref<80xi32, #tpu.memory_space<hbm>>
          %dma_start3A_51 = tpu.memref_slice %arg3[%multiple_of3A_49] : memref<320000xi32, #tpu.memory_space<hbm>> -> memref<80xi32, #tpu.memory_space<hbm>>
          tpu.enqueue_dma source(%dma_start3A_51 : memref<80xi32, #tpu.memory_space<hbm>>) target(%arg7 : memref<80xi32, #tpu.memory_space<vmem>>) target_semaphore(%run_scoped3A : memref<!tpu.dma_semaphore, #tpu.memory_space<semaphore_mem>>)
          %dma_wait3A_52 = tpu.memref_slice %arg3[%multiple_of3A_49] : memref<320000xi32, #tpu.memory_space<hbm>> -> memref<80xi32, #tpu.memory_space<hbm>>
          %dma_wait3A_53 = tpu.memref_slice %arg3[%multiple_of3A_49] : memref<320000xi32, #tpu.memory_space<hbm>> -> memref<80xi32, #tpu.memory_space<hbm>>
          tpu.wait_dma2 semaphore(%run_scoped3A : memref<!tpu.dma_semaphore, #tpu.memory_space<semaphore_mem>>) src(%dma_wait3A_53 : memref<80xi32, #tpu.memory_space<hbm>>) dst(%arg7 : memref<80xi32, #tpu.memory_space<vmem>>)
          tpu.yield
        }) : () -> ()
        "tpu.region"() ({
          %run_scoped3A = tpu.sem_alloc : memref<!tpu.dma_semaphore, #tpu.memory_space<semaphore_mem>>
          %dma_start3A_50 = tpu.memref_slice %arg4[%multiple_of3A_49] : memref<320000xi32, #tpu.memory_space<hbm>> -> memref<80xi32, #tpu.memory_space<hbm>>
          %dma_start3A_51 = tpu.memref_slice %arg4[%multiple_of3A_49] : memref<320000xi32, #tpu.memory_space<hbm>> -> memref<80xi32, #tpu.memory_space<hbm>>
          tpu.enqueue_dma source(%dma_start3A_51 : memref<80xi32, #tpu.memory_space<hbm>>) target(%arg8 : memref<80xi32, #tpu.memory_space<vmem>>) target_semaphore(%run_scoped3A : memref<!tpu.dma_semaphore, #tpu.memory_space<semaphore_mem>>)
          %dma_wait3A_52 = tpu.memref_slice %arg4[%multiple_of3A_49] : memref<320000xi32, #tpu.memory_space<hbm>> -> memref<80xi32, #tpu.memory_space<hbm>>
          %dma_wait3A_53 = tpu.memref_slice %arg4[%multiple_of3A_49] : memref<320000xi32, #tpu.memory_space<hbm>> -> memref<80xi32, #tpu.memory_space<hbm>>
          tpu.wait_dma2 semaphore(%run_scoped3A : memref<!tpu.dma_semaphore, #tpu.memory_space<semaphore_mem>>) src(%dma_wait3A_53 : memref<80xi32, #tpu.memory_space<hbm>>) dst(%arg8 : memref<80xi32, #tpu.memory_space<vmem>>)
          tpu.yield
        }) : () -> ()
      } else {
      }
      %dma_wait3A_38 = arith.constant 0 : i32
      %dma_wait3A_39 = arith.constant 0 : i32
      %dma_wait3A_40 = tpu.memref_slice %arg2[%dma_wait3A_38, %dma_wait3A_39] : memref<10000x128xf32, #tpu.memory_space<hbm>> -> memref<10000x128xf32, #tpu.memory_space<hbm>>
      tpu.wait_indirect_dma semaphore(%arg14 : memref<!tpu.dma_semaphore, #tpu.memory_space<semaphore_mem>>) src(%dma_wait3A_40 : memref<10000x128xf32, #tpu.memory_space<hbm>>) dst(%arg12 : memref<80x128xf32, #tpu.memory_space<vmem>>)
      %lt3A_41 = arith.constant 125 : i32
      %lt3A_42 = arith.cmpi slt, %add3A_21, %lt3A_41 : i32
      %convert_element_type3A_43 = arith.extui %lt3A_42 : i1 to i32
      %cond3A_44 = arith.constant 0 : i32
      %cond3A_45 = arith.cmpi ne, %convert_element_type3A_43, %cond3A_44 : i32
      scf.if %cond3A_45 {
        %dma_start3A_46 = arith.constant 0 : i32
        %dma_start3A_47 = arith.constant 0 : i32
        %dma_start3A_48 = tpu.memref_slice %arg2[%dma_start3A_46, %dma_start3A_47] : memref<10000x128xf32, #tpu.memory_space<hbm>> -> memref<10000x128xf32, #tpu.memory_space<hbm>>
        tpu.enqueue_indirect_dma source(%dma_start3A_48 : memref<10000x128xf32, #tpu.memory_space<hbm>>) target(%arg9 : memref<80x128xf32, #tpu.memory_space<vmem>>) offsets(%arg7 : memref<80xi32, #tpu.memory_space<vmem>>) semaphore(%arg14 : memref<!tpu.dma_semaphore, #tpu.memory_space<semaphore_mem>>)
      } else {
      }
      "tpu.region"() ({
        %run_scoped3A = tpu.sem_alloc : memref<!tpu.dma_semaphore, #tpu.memory_space<semaphore_mem>>
        %dma_start3A_46 = arith.constant 0 : i32
        %dma_start3A_47 = arith.constant 0 : i32
        %dma_start3A_48 = tpu.memref_slice %arg13[%dma_start3A_46, %dma_start3A_47] : memref<10240x128xf32, #tpu.memory_space<vmem_shared>> -> memref<10240x128xf32, #tpu.memory_space<vmem_shared>>
        tpu.enqueue_indirect_dma source(%arg12 : memref<80x128xf32, #tpu.memory_space<vmem>>) target(%dma_start3A_48 : memref<10240x128xf32, #tpu.memory_space<vmem_shared>>) offsets(%arg11 : memref<80xi32, #tpu.memory_space<vmem>>) semaphore(%run_scoped3A : memref<!tpu.dma_semaphore, #tpu.memory_space<semaphore_mem>>) {add = true}
        %dma_wait3A_49 = arith.constant 0 : i32
        %dma_wait3A_50 = arith.constant 0 : i32
        %dma_wait3A_51 = tpu.memref_slice %arg13[%dma_wait3A_49, %dma_wait3A_50] : memref<10240x128xf32, #tpu.memory_space<vmem_shared>> -> memref<10240x128xf32, #tpu.memory_space<vmem_shared>>
        tpu.wait_indirect_dma semaphore(%run_scoped3A : memref<!tpu.dma_semaphore, #tpu.memory_space<semaphore_mem>>) src(%arg12 : memref<80x128xf32, #tpu.memory_space<vmem>>) dst(%dma_wait3A_51 : memref<10240x128xf32, #tpu.memory_space<vmem_shared>>)
        tpu.yield
      }) : () -> ()
    }
    %scan3A_13 = arith.constant 62 : i32
    %dma_wait3A = arith.constant 0 : i32
    %dma_wait3A_14 = arith.constant 0 : i32
    %dma_wait3A_15 = tpu.memref_slice %arg2[%dma_wait3A, %dma_wait3A_14] : memref<10000x128xf32, #tpu.memory_space<hbm>> -> memref<10000x128xf32, #tpu.memory_space<hbm>>
    tpu.wait_indirect_dma semaphore(%arg14 : memref<!tpu.dma_semaphore, #tpu.memory_space<semaphore_mem>>) src(%dma_wait3A_15 : memref<10000x128xf32, #tpu.memory_space<hbm>>) dst(%arg9 : memref<80x128xf32, #tpu.memory_space<vmem>>)
    "tpu.region"() ({
      %run_scoped3A = tpu.sem_alloc : memref<!tpu.dma_semaphore, #tpu.memory_space<semaphore_mem>>
      %dma_start3A_17 = arith.constant 0 : i32
      %dma_start3A_18 = arith.constant 0 : i32
      %dma_start3A_19 = tpu.memref_slice %arg13[%dma_start3A_17, %dma_start3A_18] : memref<10240x128xf32, #tpu.memory_space<vmem_shared>> -> memref<10240x128xf32, #tpu.memory_space<vmem_shared>>
      tpu.enqueue_indirect_dma source(%arg9 : memref<80x128xf32, #tpu.memory_space<vmem>>) target(%dma_start3A_19 : memref<10240x128xf32, #tpu.memory_space<vmem_shared>>) offsets(%arg8 : memref<80xi32, #tpu.memory_space<vmem>>) semaphore(%run_scoped3A : memref<!tpu.dma_semaphore, #tpu.memory_space<semaphore_mem>>) {add = true}
      %dma_wait3A_20 = arith.constant 0 : i32
      %dma_wait3A_21 = arith.constant 0 : i32
      %dma_wait3A_22 = tpu.memref_slice %arg13[%dma_wait3A_20, %dma_wait3A_21] : memref<10240x128xf32, #tpu.memory_space<vmem_shared>> -> memref<10240x128xf32, #tpu.memory_space<vmem_shared>>
      tpu.wait_indirect_dma semaphore(%run_scoped3A : memref<!tpu.dma_semaphore, #tpu.memory_space<semaphore_mem>>) src(%arg9 : memref<80x128xf32, #tpu.memory_space<vmem>>) dst(%dma_wait3A_22 : memref<10240x128xf32, #tpu.memory_space<vmem_shared>>)
      tpu.yield
    }) : () -> ()
    %barrier3A_16 = arith.constant 0 : index
    tpu.barrier barrier_id(%barrier3A_16)
    "tpu.region"() ({
      %run_scoped3A = tpu.sem_alloc : memref<!tpu.dma_semaphore, #tpu.memory_space<semaphore_mem>>
      %dma_start3A_17 = arith.constant 0 : i32
      %dma_start3A_18 = tpu.memref_slice %arg6[%arg0, %mul3A_2, %dma_start3A_17] : memref<2x10240x128xf32, #tpu.memory_space<hbm>> -> memref<1x640x128xf32, #tpu.memory_space<hbm>>
      %dma_start3A_19 = tpu.memref_squeeze %dma_start3A_18 : memref<1x640x128xf32, #tpu.memory_space<hbm>> -> memref<640x128xf32, #tpu.memory_space<hbm>>
      %dma_start3A_20 = arith.constant 0 : i32
      %dma_start3A_21 = tpu.memref_slice %arg13[%mul3A_2, %dma_start3A_20] : memref<10240x128xf32, #tpu.memory_space<vmem_shared>> -> memref<640x128xf32, #tpu.memory_space<vmem_shared>>
      tpu.enqueue_dma source(%dma_start3A_21 : memref<640x128xf32, #tpu.memory_space<vmem_shared>>) target(%dma_start3A_19 : memref<640x128xf32, #tpu.memory_space<hbm>>) target_semaphore(%run_scoped3A : memref<!tpu.dma_semaphore, #tpu.memory_space<semaphore_mem>>)
      %dma_wait3A_22 = arith.constant 0 : i32
      %dma_wait3A_23 = tpu.memref_slice %arg6[%arg0, %mul3A_2, %dma_wait3A_22] : memref<2x10240x128xf32, #tpu.memory_space<hbm>> -> memref<1x640x128xf32, #tpu.memory_space<hbm>>
      %dma_wait3A_24 = tpu.memref_squeeze %dma_wait3A_23 : memref<1x640x128xf32, #tpu.memory_space<hbm>> -> memref<640x128xf32, #tpu.memory_space<hbm>>
      %dma_wait3A_25 = arith.constant 0 : i32
      %dma_wait3A_26 = tpu.memref_slice %arg13[%mul3A_2, %dma_wait3A_25] : memref<10240x128xf32, #tpu.memory_space<vmem_shared>> -> memref<640x128xf32, #tpu.memory_space<vmem_shared>>
      tpu.wait_dma2 semaphore(%run_scoped3A : memref<!tpu.dma_semaphore, #tpu.memory_space<semaphore_mem>>) src(%dma_wait3A_26 : memref<640x128xf32, #tpu.memory_space<vmem_shared>>) dst(%dma_wait3A_24 : memref<640x128xf32, #tpu.memory_space<hbm>>)
      tpu.yield
    }) : () -> ()
    return
  }
}

#map = affine_map<(d0, d1) -> (0)>
#map1 = affine_map<(d0, d1) -> (0, 0)>
#map2 = affine_map<(d0, d1) -> (0, 0, 0)>
module attributes {stable_mosaic.version = 14 : i64} {
  func.func @deg(%arg0: i32, %arg1: i32, %arg2: memref<320000xi32, #tpu.memory_space<hbm>>, %arg3: memref<10240x128xf32, #tpu.memory_space<hbm>>, %arg4: memref<80x128xf32, #tpu.memory_space<hbm>>, %arg5: memref<2x10240x128xf32, #tpu.memory_space<hbm>>, %arg6: memref<80xi32, #tpu.memory_space<vmem>>, %arg7: memref<80xi32, #tpu.memory_space<vmem>>, %arg8: memref<80x128xf32, #tpu.memory_space<vmem>>, %arg9: memref<10240x128xf32, #tpu.memory_space<vmem_shared>>) attributes {dimension_semantics = [#tpu.dimension_semantics<core_parallel>, #tpu.dimension_semantics<subcore_parallel>], iteration_bounds = array<i64: 2, 16>, scalar_prefetch = 0 : i64, scratch_operands = 4 : i64, tpu.core_type = #tpu.core_type<sc_vector_subcore>, window_params = [{transform_indices = #map}, {transform_indices = #map1}, {transform_indices = #map1}, {transform_indices = #map2}]} {
    %mul3A = arith.constant 16 : i32
    %mul3A_0 = arith.muli %arg0, %mul3A : i32
    %add3A = arith.addi %mul3A_0, %arg1 : i32
    %mul3A_1 = arith.constant 640 : i32
    %mul3A_2 = arith.muli %arg1, %mul3A_1 : i32
    "tpu.region"() ({
      %run_scoped3A = tpu.sem_alloc : memref<!tpu.dma_semaphore, #tpu.memory_space<semaphore_mem>>
      %dma_start3A = arith.constant 0 : i32
      %dma_start3A_13 = tpu.memref_slice %arg9[%mul3A_2, %dma_start3A] : memref<10240x128xf32, #tpu.memory_space<vmem_shared>> -> memref<640x128xf32, #tpu.memory_space<vmem_shared>>
      %dma_start3A_14 = arith.constant 0 : i32
      %dma_start3A_15 = tpu.memref_slice %arg3[%mul3A_2, %dma_start3A_14] : memref<10240x128xf32, #tpu.memory_space<hbm>> -> memref<640x128xf32, #tpu.memory_space<hbm>>
      tpu.enqueue_dma source(%dma_start3A_15 : memref<640x128xf32, #tpu.memory_space<hbm>>) target(%dma_start3A_13 : memref<640x128xf32, #tpu.memory_space<vmem_shared>>) target_semaphore(%run_scoped3A : memref<!tpu.dma_semaphore, #tpu.memory_space<semaphore_mem>>)
      %dma_wait3A = arith.constant 0 : i32
      %dma_wait3A_16 = tpu.memref_slice %arg9[%mul3A_2, %dma_wait3A] : memref<10240x128xf32, #tpu.memory_space<vmem_shared>> -> memref<640x128xf32, #tpu.memory_space<vmem_shared>>
      %dma_wait3A_17 = arith.constant 0 : i32
      %dma_wait3A_18 = tpu.memref_slice %arg3[%mul3A_2, %dma_wait3A_17] : memref<10240x128xf32, #tpu.memory_space<hbm>> -> memref<640x128xf32, #tpu.memory_space<hbm>>
      tpu.wait_dma2 semaphore(%run_scoped3A : memref<!tpu.dma_semaphore, #tpu.memory_space<semaphore_mem>>) src(%dma_wait3A_18 : memref<640x128xf32, #tpu.memory_space<hbm>>) dst(%dma_wait3A_16 : memref<640x128xf32, #tpu.memory_space<vmem_shared>>)
      tpu.yield
    }) : () -> ()
    "tpu.region"() ({
      %run_scoped3A = tpu.sem_alloc : memref<!tpu.dma_semaphore, #tpu.memory_space<semaphore_mem>>
      tpu.enqueue_dma source(%arg4 : memref<80x128xf32, #tpu.memory_space<hbm>>) target(%arg8 : memref<80x128xf32, #tpu.memory_space<vmem>>) target_semaphore(%run_scoped3A : memref<!tpu.dma_semaphore, #tpu.memory_space<semaphore_mem>>)
      tpu.wait_dma2 semaphore(%run_scoped3A : memref<!tpu.dma_semaphore, #tpu.memory_space<semaphore_mem>>) src(%arg4 : memref<80x128xf32, #tpu.memory_space<hbm>>) dst(%arg8 : memref<80x128xf32, #tpu.memory_space<vmem>>)
      tpu.yield
    }) : () -> ()
    %barrier3A = arith.constant 0 : index
    tpu.barrier barrier_id(%barrier3A)
    %mul3A_3 = arith.constant 10000 : i32
    %mul3A_4 = arith.muli %add3A, %mul3A_3 : i32
    %add3A_5 = arith.constant 0 : i32
    %add3A_6 = arith.addi %mul3A_4, %add3A_5 : i32
    %multiple_of3A = tpu.assume_multiple %add3A_6, 8 : i32
    "tpu.region"() ({
      %run_scoped3A = tpu.sem_alloc : memref<!tpu.dma_semaphore, #tpu.memory_space<semaphore_mem>>
      %dma_start3A = tpu.memref_slice %arg2[%multiple_of3A] : memref<320000xi32, #tpu.memory_space<hbm>> -> memref<80xi32, #tpu.memory_space<hbm>>
      %dma_start3A_13 = tpu.memref_slice %arg2[%multiple_of3A] : memref<320000xi32, #tpu.memory_space<hbm>> -> memref<80xi32, #tpu.memory_space<hbm>>
      tpu.enqueue_dma source(%dma_start3A_13 : memref<80xi32, #tpu.memory_space<hbm>>) target(%arg6 : memref<80xi32, #tpu.memory_space<vmem>>) target_semaphore(%run_scoped3A : memref<!tpu.dma_semaphore, #tpu.memory_space<semaphore_mem>>)
      %dma_wait3A = tpu.memref_slice %arg2[%multiple_of3A] : memref<320000xi32, #tpu.memory_space<hbm>> -> memref<80xi32, #tpu.memory_space<hbm>>
      %dma_wait3A_14 = tpu.memref_slice %arg2[%multiple_of3A] : memref<320000xi32, #tpu.memory_space<hbm>> -> memref<80xi32, #tpu.memory_space<hbm>>
      tpu.wait_dma2 semaphore(%run_scoped3A : memref<!tpu.dma_semaphore, #tpu.memory_space<semaphore_mem>>) src(%dma_wait3A_14 : memref<80xi32, #tpu.memory_space<hbm>>) dst(%arg6 : memref<80xi32, #tpu.memory_space<vmem>>)
      tpu.yield
    }) : () -> ()
    %scan3A = arith.constant 0 : i32
    %scan3A_7 = arith.constant 0 : i32
    %scan3A_8 = arith.constant 62 : i32
    %scan3A_9 = arith.addi %scan3A_7, %scan3A_8 : i32
    %scan3A_10 = arith.constant 1 : i32
    scf.for %scan3A_13 = %scan3A_7 to %scan3A_9 step %scan3A_10  : i32 {
      %mul3A_14 = arith.constant 2 : i32
      %mul3A_15 = arith.muli %mul3A_14, %scan3A_13 : i32
      %add3A_16 = arith.constant 2 : i32
      %add3A_17 = arith.addi %mul3A_15, %add3A_16 : i32
      %mul3A_18 = arith.constant 2 : i32
      %mul3A_19 = arith.muli %mul3A_18, %scan3A_13 : i32
      %add3A_20 = arith.constant 1 : i32
      %add3A_21 = arith.addi %mul3A_19, %add3A_20 : i32
      %mul3A_22 = arith.constant 80 : i32
      %mul3A_23 = arith.muli %add3A_21, %mul3A_22 : i32
      %add3A_24 = arith.addi %mul3A_4, %mul3A_23 : i32
      %multiple_of3A_25 = tpu.assume_multiple %add3A_24, 8 : i32
      "tpu.region"() ({
        %run_scoped3A = tpu.sem_alloc : memref<!tpu.dma_semaphore, #tpu.memory_space<semaphore_mem>>
        %dma_start3A = tpu.memref_slice %arg2[%multiple_of3A_25] : memref<320000xi32, #tpu.memory_space<hbm>> -> memref<80xi32, #tpu.memory_space<hbm>>
        %dma_start3A_28 = tpu.memref_slice %arg2[%multiple_of3A_25] : memref<320000xi32, #tpu.memory_space<hbm>> -> memref<80xi32, #tpu.memory_space<hbm>>
        tpu.enqueue_dma source(%dma_start3A_28 : memref<80xi32, #tpu.memory_space<hbm>>) target(%arg7 : memref<80xi32, #tpu.memory_space<vmem>>) target_semaphore(%run_scoped3A : memref<!tpu.dma_semaphore, #tpu.memory_space<semaphore_mem>>)
        %dma_wait3A = tpu.memref_slice %arg2[%multiple_of3A_25] : memref<320000xi32, #tpu.memory_space<hbm>> -> memref<80xi32, #tpu.memory_space<hbm>>
        %dma_wait3A_29 = tpu.memref_slice %arg2[%multiple_of3A_25] : memref<320000xi32, #tpu.memory_space<hbm>> -> memref<80xi32, #tpu.memory_space<hbm>>
        tpu.wait_dma2 semaphore(%run_scoped3A : memref<!tpu.dma_semaphore, #tpu.memory_space<semaphore_mem>>) src(%dma_wait3A_29 : memref<80xi32, #tpu.memory_space<hbm>>) dst(%arg7 : memref<80xi32, #tpu.memory_space<vmem>>)
        tpu.yield
      }) : () -> ()
      "tpu.region"() ({
        %run_scoped3A = tpu.sem_alloc : memref<!tpu.dma_semaphore, #tpu.memory_space<semaphore_mem>>
        %dma_start3A = arith.constant 0 : i32
        %dma_start3A_28 = arith.constant 0 : i32
        %dma_start3A_29 = tpu.memref_slice %arg9[%dma_start3A, %dma_start3A_28] : memref<10240x128xf32, #tpu.memory_space<vmem_shared>> -> memref<10240x128xf32, #tpu.memory_space<vmem_shared>>
        tpu.enqueue_indirect_dma source(%arg8 : memref<80x128xf32, #tpu.memory_space<vmem>>) target(%dma_start3A_29 : memref<10240x128xf32, #tpu.memory_space<vmem_shared>>) offsets(%arg6 : memref<80xi32, #tpu.memory_space<vmem>>) semaphore(%run_scoped3A : memref<!tpu.dma_semaphore, #tpu.memory_space<semaphore_mem>>) {add = true}
        %dma_wait3A = arith.constant 0 : i32
        %dma_wait3A_30 = arith.constant 0 : i32
        %dma_wait3A_31 = tpu.memref_slice %arg9[%dma_wait3A, %dma_wait3A_30] : memref<10240x128xf32, #tpu.memory_space<vmem_shared>> -> memref<10240x128xf32, #tpu.memory_space<vmem_shared>>
        tpu.wait_indirect_dma semaphore(%run_scoped3A : memref<!tpu.dma_semaphore, #tpu.memory_space<semaphore_mem>>) src(%arg8 : memref<80x128xf32, #tpu.memory_space<vmem>>) dst(%dma_wait3A_31 : memref<10240x128xf32, #tpu.memory_space<vmem_shared>>)
        tpu.yield
      }) : () -> ()
      %lt3A = arith.constant 125 : i32
      %lt3A_26 = arith.cmpi slt, %add3A_17, %lt3A : i32
      %convert_element_type3A = arith.extui %lt3A_26 : i1 to i32
      %cond3A = arith.constant 0 : i32
      %cond3A_27 = arith.cmpi ne, %convert_element_type3A, %cond3A : i32
      scf.if %cond3A_27 {
        %mul3A_28 = arith.constant 80 : i32
        %mul3A_29 = arith.muli %add3A_17, %mul3A_28 : i32
        %add3A_30 = arith.addi %mul3A_4, %mul3A_29 : i32
        %multiple_of3A_31 = tpu.assume_multiple %add3A_30, 8 : i32
        "tpu.region"() ({
          %run_scoped3A = tpu.sem_alloc : memref<!tpu.dma_semaphore, #tpu.memory_space<semaphore_mem>>
          %dma_start3A = tpu.memref_slice %arg2[%multiple_of3A_31] : memref<320000xi32, #tpu.memory_space<hbm>> -> memref<80xi32, #tpu.memory_space<hbm>>
          %dma_start3A_32 = tpu.memref_slice %arg2[%multiple_of3A_31] : memref<320000xi32, #tpu.memory_space<hbm>> -> memref<80xi32, #tpu.memory_space<hbm>>
          tpu.enqueue_dma source(%dma_start3A_32 : memref<80xi32, #tpu.memory_space<hbm>>) target(%arg6 : memref<80xi32, #tpu.memory_space<vmem>>) target_semaphore(%run_scoped3A : memref<!tpu.dma_semaphore, #tpu.memory_space<semaphore_mem>>)
          %dma_wait3A = tpu.memref_slice %arg2[%multiple_of3A_31] : memref<320000xi32, #tpu.memory_space<hbm>> -> memref<80xi32, #tpu.memory_space<hbm>>
          %dma_wait3A_33 = tpu.memref_slice %arg2[%multiple_of3A_31] : memref<320000xi32, #tpu.memory_space<hbm>> -> memref<80xi32, #tpu.memory_space<hbm>>
          tpu.wait_dma2 semaphore(%run_scoped3A : memref<!tpu.dma_semaphore, #tpu.memory_space<semaphore_mem>>) src(%dma_wait3A_33 : memref<80xi32, #tpu.memory_space<hbm>>) dst(%arg6 : memref<80xi32, #tpu.memory_space<vmem>>)
          tpu.yield
        }) : () -> ()
      } else {
      }
      "tpu.region"() ({
        %run_scoped3A = tpu.sem_alloc : memref<!tpu.dma_semaphore, #tpu.memory_space<semaphore_mem>>
        %dma_start3A = arith.constant 0 : i32
        %dma_start3A_28 = arith.constant 0 : i32
        %dma_start3A_29 = tpu.memref_slice %arg9[%dma_start3A, %dma_start3A_28] : memref<10240x128xf32, #tpu.memory_space<vmem_shared>> -> memref<10240x128xf32, #tpu.memory_space<vmem_shared>>
        tpu.enqueue_indirect_dma source(%arg8 : memref<80x128xf32, #tpu.memory_space<vmem>>) target(%dma_start3A_29 : memref<10240x128xf32, #tpu.memory_space<vmem_shared>>) offsets(%arg7 : memref<80xi32, #tpu.memory_space<vmem>>) semaphore(%run_scoped3A : memref<!tpu.dma_semaphore, #tpu.memory_space<semaphore_mem>>) {add = true}
        %dma_wait3A = arith.constant 0 : i32
        %dma_wait3A_30 = arith.constant 0 : i32
        %dma_wait3A_31 = tpu.memref_slice %arg9[%dma_wait3A, %dma_wait3A_30] : memref<10240x128xf32, #tpu.memory_space<vmem_shared>> -> memref<10240x128xf32, #tpu.memory_space<vmem_shared>>
        tpu.wait_indirect_dma semaphore(%run_scoped3A : memref<!tpu.dma_semaphore, #tpu.memory_space<semaphore_mem>>) src(%arg8 : memref<80x128xf32, #tpu.memory_space<vmem>>) dst(%dma_wait3A_31 : memref<10240x128xf32, #tpu.memory_space<vmem_shared>>)
        tpu.yield
      }) : () -> ()
    }
    %scan3A_11 = arith.constant 62 : i32
    "tpu.region"() ({
      %run_scoped3A = tpu.sem_alloc : memref<!tpu.dma_semaphore, #tpu.memory_space<semaphore_mem>>
      %dma_start3A = arith.constant 0 : i32
      %dma_start3A_13 = arith.constant 0 : i32
      %dma_start3A_14 = tpu.memref_slice %arg9[%dma_start3A, %dma_start3A_13] : memref<10240x128xf32, #tpu.memory_space<vmem_shared>> -> memref<10240x128xf32, #tpu.memory_space<vmem_shared>>
      tpu.enqueue_indirect_dma source(%arg8 : memref<80x128xf32, #tpu.memory_space<vmem>>) target(%dma_start3A_14 : memref<10240x128xf32, #tpu.memory_space<vmem_shared>>) offsets(%arg6 : memref<80xi32, #tpu.memory_space<vmem>>) semaphore(%run_scoped3A : memref<!tpu.dma_semaphore, #tpu.memory_space<semaphore_mem>>) {add = true}
      %dma_wait3A = arith.constant 0 : i32
      %dma_wait3A_15 = arith.constant 0 : i32
      %dma_wait3A_16 = tpu.memref_slice %arg9[%dma_wait3A, %dma_wait3A_15] : memref<10240x128xf32, #tpu.memory_space<vmem_shared>> -> memref<10240x128xf32, #tpu.memory_space<vmem_shared>>
      tpu.wait_indirect_dma semaphore(%run_scoped3A : memref<!tpu.dma_semaphore, #tpu.memory_space<semaphore_mem>>) src(%arg8 : memref<80x128xf32, #tpu.memory_space<vmem>>) dst(%dma_wait3A_16 : memref<10240x128xf32, #tpu.memory_space<vmem_shared>>)
      tpu.yield
    }) : () -> ()
    %barrier3A_12 = arith.constant 0 : index
    tpu.barrier barrier_id(%barrier3A_12)
    "tpu.region"() ({
      %run_scoped3A = tpu.sem_alloc : memref<!tpu.dma_semaphore, #tpu.memory_space<semaphore_mem>>
      %dma_start3A = arith.constant 0 : i32
      %dma_start3A_13 = tpu.memref_slice %arg5[%arg0, %mul3A_2, %dma_start3A] : memref<2x10240x128xf32, #tpu.memory_space<hbm>> -> memref<1x640x128xf32, #tpu.memory_space<hbm>>
      %dma_start3A_14 = tpu.memref_squeeze %dma_start3A_13 : memref<1x640x128xf32, #tpu.memory_space<hbm>> -> memref<640x128xf32, #tpu.memory_space<hbm>>
      %dma_start3A_15 = arith.constant 0 : i32
      %dma_start3A_16 = tpu.memref_slice %arg9[%mul3A_2, %dma_start3A_15] : memref<10240x128xf32, #tpu.memory_space<vmem_shared>> -> memref<640x128xf32, #tpu.memory_space<vmem_shared>>
      tpu.enqueue_dma source(%dma_start3A_16 : memref<640x128xf32, #tpu.memory_space<vmem_shared>>) target(%dma_start3A_14 : memref<640x128xf32, #tpu.memory_space<hbm>>) target_semaphore(%run_scoped3A : memref<!tpu.dma_semaphore, #tpu.memory_space<semaphore_mem>>)
      %dma_wait3A = arith.constant 0 : i32
      %dma_wait3A_17 = tpu.memref_slice %arg5[%arg0, %mul3A_2, %dma_wait3A] : memref<2x10240x128xf32, #tpu.memory_space<hbm>> -> memref<1x640x128xf32, #tpu.memory_space<hbm>>
      %dma_wait3A_18 = tpu.memref_squeeze %dma_wait3A_17 : memref<1x640x128xf32, #tpu.memory_space<hbm>> -> memref<640x128xf32, #tpu.memory_space<hbm>>
      %dma_wait3A_19 = arith.constant 0 : i32
      %dma_wait3A_20 = tpu.memref_slice %arg9[%mul3A_2, %dma_wait3A_19] : memref<10240x128xf32, #tpu.memory_space<vmem_shared>> -> memref<640x128xf32, #tpu.memory_space<vmem_shared>>
      tpu.wait_dma2 semaphore(%run_scoped3A : memref<!tpu.dma_semaphore, #tpu.memory_space<semaphore_mem>>) src(%dma_wait3A_20 : memref<640x128xf32, #tpu.memory_space<vmem_shared>>) dst(%dma_wait3A_18 : memref<640x128xf32, #tpu.memory_space<hbm>>)
      tpu.yield
    }) : () -> ()
    return
  }
}

#map = affine_map<(d0, d1) -> (0, 0)>
#map1 = affine_map<(d0, d1) -> (0)>
#map2 = affine_map<(d0, d1) -> (0, 0, 0)>
module attributes {stable_mosaic.version = 14 : i64} {
  func.func @seg(%arg0: i32, %arg1: i32, %arg2: memref<10000x128xf32, #tpu.memory_space<hbm>>, %arg3: memref<320000xi32, #tpu.memory_space<hbm>>, %arg4: memref<320000xi32, #tpu.memory_space<hbm>>, %arg5: memref<10240x128xf32, #tpu.memory_space<hbm>>, %arg6: memref<2x10240x128xf32, #tpu.memory_space<hbm>>, %arg7: memref<80xi32, #tpu.memory_space<vmem>>, %arg8: memref<80xi32, #tpu.memory_space<vmem>>, %arg9: memref<80x128xf32, #tpu.memory_space<vmem>>, %arg10: memref<80xi32, #tpu.memory_space<vmem>>, %arg11: memref<80xi32, #tpu.memory_space<vmem>>, %arg12: memref<80x128xf32, #tpu.memory_space<vmem>>, %arg13: memref<10240x128xf32, #tpu.memory_space<vmem_shared>>, %arg14: memref<!tpu.dma_semaphore, #tpu.memory_space<semaphore_mem>>) attributes {dimension_semantics = [#tpu.dimension_semantics<core_parallel>, #tpu.dimension_semantics<subcore_parallel>], iteration_bounds = array<i64: 2, 16>, scalar_prefetch = 0 : i64, scratch_operands = 8 : i64, tpu.core_type = #tpu.core_type<sc_vector_subcore>, window_params = [{transform_indices = #map}, {transform_indices = #map1}, {transform_indices = #map1}, {transform_indices = #map}, {transform_indices = #map2}]} {
    %mul3A = arith.constant 16 : i32
    %mul3A_0 = arith.muli %arg0, %mul3A : i32
    %add3A = arith.addi %mul3A_0, %arg1 : i32
    %mul3A_1 = arith.constant 640 : i32
    %mul3A_2 = arith.muli %arg1, %mul3A_1 : i32
    "tpu.region"() ({
      %run_scoped3A = tpu.sem_alloc : memref<!tpu.dma_semaphore, #tpu.memory_space<semaphore_mem>>
      %dma_start3A_17 = arith.constant 0 : i32
      %dma_start3A_18 = tpu.memref_slice %arg13[%mul3A_2, %dma_start3A_17] : memref<10240x128xf32, #tpu.memory_space<vmem_shared>> -> memref<640x128xf32, #tpu.memory_space<vmem_shared>>
      %dma_start3A_19 = arith.constant 0 : i32
      %dma_start3A_20 = tpu.memref_slice %arg5[%mul3A_2, %dma_start3A_19] : memref<10240x128xf32, #tpu.memory_space<hbm>> -> memref<640x128xf32, #tpu.memory_space<hbm>>
      tpu.enqueue_dma source(%dma_start3A_20 : memref<640x128xf32, #tpu.memory_space<hbm>>) target(%dma_start3A_18 : memref<640x128xf32, #tpu.memory_space<vmem_shared>>) target_semaphore(%run_scoped3A : memref<!tpu.dma_semaphore, #tpu.memory_space<semaphore_mem>>)
      %dma_wait3A_21 = arith.constant 0 : i32
      %dma_wait3A_22 = tpu.memref_slice %arg13[%mul3A_2, %dma_wait3A_21] : memref<10240x128xf32, #tpu.memory_space<vmem_shared>> -> memref<640x128xf32, #tpu.memory_space<vmem_shared>>
      %dma_wait3A_23 = arith.constant 0 : i32
      %dma_wait3A_24 = tpu.memref_slice %arg5[%mul3A_2, %dma_wait3A_23] : memref<10240x128xf32, #tpu.memory_space<hbm>> -> memref<640x128xf32, #tpu.memory_space<hbm>>
      tpu.wait_dma2 semaphore(%run_scoped3A : memref<!tpu.dma_semaphore, #tpu.memory_space<semaphore_mem>>) src(%dma_wait3A_24 : memref<640x128xf32, #tpu.memory_space<hbm>>) dst(%dma_wait3A_22 : memref<640x128xf32, #tpu.memory_space<vmem_shared>>)
      tpu.yield
    }) : () -> ()
    %barrier3A = arith.constant 0 : index
    tpu.barrier barrier_id(%barrier3A)
    %mul3A_3 = arith.constant 10000 : i32
    %mul3A_4 = arith.muli %add3A, %mul3A_3 : i32
    %add3A_5 = arith.constant 0 : i32
    %add3A_6 = arith.addi %mul3A_4, %add3A_5 : i32
    %multiple_of3A = tpu.assume_multiple %add3A_6, 8 : i32
    "tpu.region"() ({
      %run_scoped3A = tpu.sem_alloc : memref<!tpu.dma_semaphore, #tpu.memory_space<semaphore_mem>>
      %dma_start3A_17 = tpu.memref_slice %arg3[%multiple_of3A] : memref<320000xi32, #tpu.memory_space<hbm>> -> memref<80xi32, #tpu.memory_space<hbm>>
      %dma_start3A_18 = tpu.memref_slice %arg3[%multiple_of3A] : memref<320000xi32, #tpu.memory_space<hbm>> -> memref<80xi32, #tpu.memory_space<hbm>>
      tpu.enqueue_dma source(%dma_start3A_18 : memref<80xi32, #tpu.memory_space<hbm>>) target(%arg7 : memref<80xi32, #tpu.memory_space<vmem>>) target_semaphore(%run_scoped3A : memref<!tpu.dma_semaphore, #tpu.memory_space<semaphore_mem>>)
      %dma_wait3A_19 = tpu.memref_slice %arg3[%multiple_of3A] : memref<320000xi32, #tpu.memory_space<hbm>> -> memref<80xi32, #tpu.memory_space<hbm>>
      %dma_wait3A_20 = tpu.memref_slice %arg3[%multiple_of3A] : memref<320000xi32, #tpu.memory_space<hbm>> -> memref<80xi32, #tpu.memory_space<hbm>>
      tpu.wait_dma2 semaphore(%run_scoped3A : memref<!tpu.dma_semaphore, #tpu.memory_space<semaphore_mem>>) src(%dma_wait3A_20 : memref<80xi32, #tpu.memory_space<hbm>>) dst(%arg7 : memref<80xi32, #tpu.memory_space<vmem>>)
      tpu.yield
    }) : () -> ()
    "tpu.region"() ({
      %run_scoped3A = tpu.sem_alloc : memref<!tpu.dma_semaphore, #tpu.memory_space<semaphore_mem>>
      %dma_start3A_17 = tpu.memref_slice %arg4[%multiple_of3A] : memref<320000xi32, #tpu.memory_space<hbm>> -> memref<80xi32, #tpu.memory_space<hbm>>
      %dma_start3A_18 = tpu.memref_slice %arg4[%multiple_of3A] : memref<320000xi32, #tpu.memory_space<hbm>> -> memref<80xi32, #tpu.memory_space<hbm>>
      tpu.enqueue_dma source(%dma_start3A_18 : memref<80xi32, #tpu.memory_space<hbm>>) target(%arg8 : memref<80xi32, #tpu.memory_space<vmem>>) target_semaphore(%run_scoped3A : memref<!tpu.dma_semaphore, #tpu.memory_space<semaphore_mem>>)
      %dma_wait3A_19 = tpu.memref_slice %arg4[%multiple_of3A] : memref<320000xi32, #tpu.memory_space<hbm>> -> memref<80xi32, #tpu.memory_space<hbm>>
      %dma_wait3A_20 = tpu.memref_slice %arg4[%multiple_of3A] : memref<320000xi32, #tpu.memory_space<hbm>> -> memref<80xi32, #tpu.memory_space<hbm>>
      tpu.wait_dma2 semaphore(%run_scoped3A : memref<!tpu.dma_semaphore, #tpu.memory_space<semaphore_mem>>) src(%dma_wait3A_20 : memref<80xi32, #tpu.memory_space<hbm>>) dst(%arg8 : memref<80xi32, #tpu.memory_space<vmem>>)
      tpu.yield
    }) : () -> ()
    %dma_start3A = arith.constant 0 : i32
    %dma_start3A_7 = arith.constant 0 : i32
    %dma_start3A_8 = tpu.memref_slice %arg2[%dma_start3A, %dma_start3A_7] : memref<10000x128xf32, #tpu.memory_space<hbm>> -> memref<10000x128xf32, #tpu.memory_space<hbm>>
    tpu.enqueue_indirect_dma source(%dma_start3A_8 : memref<10000x128xf32, #tpu.memory_space<hbm>>) target(%arg9 : memref<80x128xf32, #tpu.memory_space<vmem>>) offsets(%arg7 : memref<80xi32, #tpu.memory_space<vmem>>) semaphore(%arg14 : memref<!tpu.dma_semaphore, #tpu.memory_space<semaphore_mem>>)
    %scan3A = arith.constant 0 : i32
    %scan3A_9 = arith.constant 0 : i32
    %scan3A_10 = arith.constant 62 : i32
    %scan3A_11 = arith.addi %scan3A_9, %scan3A_10 : i32
    %scan3A_12 = arith.constant 1 : i32
    scf.for %scan3A_17 = %scan3A_9 to %scan3A_11 step %scan3A_12  : i32 {
      %mul3A_18 = arith.constant 2 : i32
      %mul3A_19 = arith.muli %mul3A_18, %scan3A_17 : i32
      %add3A_20 = arith.constant 2 : i32
      %add3A_21 = arith.addi %mul3A_19, %add3A_20 : i32
      %mul3A_22 = arith.constant 2 : i32
      %mul3A_23 = arith.muli %mul3A_22, %scan3A_17 : i32
      %add3A_24 = arith.constant 1 : i32
      %add3A_25 = arith.addi %mul3A_23, %add3A_24 : i32
      %mul3A_26 = arith.constant 80 : i32
      %mul3A_27 = arith.muli %add3A_25, %mul3A_26 : i32
      %add3A_28 = arith.addi %mul3A_4, %mul3A_27 : i32
      %multiple_of3A_29 = tpu.assume_multiple %add3A_28, 8 : i32
      "tpu.region"() ({
        %run_scoped3A = tpu.sem_alloc : memref<!tpu.dma_semaphore, #tpu.memory_space<semaphore_mem>>
        %dma_start3A_46 = tpu.memref_slice %arg3[%multiple_of3A_29] : memref<320000xi32, #tpu.memory_space<hbm>> -> memref<80xi32, #tpu.memory_space<hbm>>
        %dma_start3A_47 = tpu.memref_slice %arg3[%multiple_of3A_29] : memref<320000xi32, #tpu.memory_space<hbm>> -> memref<80xi32, #tpu.memory_space<hbm>>
        tpu.enqueue_dma source(%dma_start3A_47 : memref<80xi32, #tpu.memory_space<hbm>>) target(%arg10 : memref<80xi32, #tpu.memory_space<vmem>>) target_semaphore(%run_scoped3A : memref<!tpu.dma_semaphore, #tpu.memory_space<semaphore_mem>>)
        %dma_wait3A_48 = tpu.memref_slice %arg3[%multiple_of3A_29] : memref<320000xi32, #tpu.memory_space<hbm>> -> memref<80xi32, #tpu.memory_space<hbm>>
        %dma_wait3A_49 = tpu.memref_slice %arg3[%multiple_of3A_29] : memref<320000xi32, #tpu.memory_space<hbm>> -> memref<80xi32, #tpu.memory_space<hbm>>
        tpu.wait_dma2 semaphore(%run_scoped3A : memref<!tpu.dma_semaphore, #tpu.memory_space<semaphore_mem>>) src(%dma_wait3A_49 : memref<80xi32, #tpu.memory_space<hbm>>) dst(%arg10 : memref<80xi32, #tpu.memory_space<vmem>>)
        tpu.yield
      }) : () -> ()
      "tpu.region"() ({
        %run_scoped3A = tpu.sem_alloc : memref<!tpu.dma_semaphore, #tpu.memory_space<semaphore_mem>>
        %dma_start3A_46 = tpu.memref_slice %arg4[%multiple_of3A_29] : memref<320000xi32, #tpu.memory_space<hbm>> -> memref<80xi32, #tpu.memory_space<hbm>>
        %dma_start3A_47 = tpu.memref_slice %arg4[%multiple_of3A_29] : memref<320000xi32, #tpu.memory_space<hbm>> -> memref<80xi32, #tpu.memory_space<hbm>>
        tpu.enqueue_dma source(%dma_start3A_47 : memref<80xi32, #tpu.memory_space<hbm>>) target(%arg11 : memref<80xi32, #tpu.memory_space<vmem>>) target_semaphore(%run_scoped3A : memref<!tpu.dma_semaphore, #tpu.memory_space<semaphore_mem>>)
        %dma_wait3A_48 = tpu.memref_slice %arg4[%multiple_of3A_29] : memref<320000xi32, #tpu.memory_space<hbm>> -> memref<80xi32, #tpu.memory_space<hbm>>
        %dma_wait3A_49 = tpu.memref_slice %arg4[%multiple_of3A_29] : memref<320000xi32, #tpu.memory_space<hbm>> -> memref<80xi32, #tpu.memory_space<hbm>>
        tpu.wait_dma2 semaphore(%run_scoped3A : memref<!tpu.dma_semaphore, #tpu.memory_space<semaphore_mem>>) src(%dma_wait3A_49 : memref<80xi32, #tpu.memory_space<hbm>>) dst(%arg11 : memref<80xi32, #tpu.memory_space<vmem>>)
        tpu.yield
      }) : () -> ()
      %dma_wait3A_30 = arith.constant 0 : i32
      %dma_wait3A_31 = arith.constant 0 : i32
      %dma_wait3A_32 = tpu.memref_slice %arg2[%dma_wait3A_30, %dma_wait3A_31] : memref<10000x128xf32, #tpu.memory_space<hbm>> -> memref<10000x128xf32, #tpu.memory_space<hbm>>
      tpu.wait_indirect_dma semaphore(%arg14 : memref<!tpu.dma_semaphore, #tpu.memory_space<semaphore_mem>>) src(%dma_wait3A_32 : memref<10000x128xf32, #tpu.memory_space<hbm>>) dst(%arg9 : memref<80x128xf32, #tpu.memory_space<vmem>>)
      %dma_start3A_33 = arith.constant 0 : i32
      %dma_start3A_34 = arith.constant 0 : i32
      %dma_start3A_35 = tpu.memref_slice %arg2[%dma_start3A_33, %dma_start3A_34] : memref<10000x128xf32, #tpu.memory_space<hbm>> -> memref<10000x128xf32, #tpu.memory_space<hbm>>
      tpu.enqueue_indirect_dma source(%dma_start3A_35 : memref<10000x128xf32, #tpu.memory_space<hbm>>) target(%arg12 : memref<80x128xf32, #tpu.memory_space<vmem>>) offsets(%arg10 : memref<80xi32, #tpu.memory_space<vmem>>) semaphore(%arg14 : memref<!tpu.dma_semaphore, #tpu.memory_space<semaphore_mem>>)
      "tpu.region"() ({
        %run_scoped3A = tpu.sem_alloc : memref<!tpu.dma_semaphore, #tpu.memory_space<semaphore_mem>>
        %dma_start3A_46 = arith.constant 0 : i32
        %dma_start3A_47 = arith.constant 0 : i32
        %dma_start3A_48 = tpu.memref_slice %arg13[%dma_start3A_46, %dma_start3A_47] : memref<10240x128xf32, #tpu.memory_space<vmem_shared>> -> memref<10240x128xf32, #tpu.memory_space<vmem_shared>>
        tpu.enqueue_indirect_dma source(%arg9 : memref<80x128xf32, #tpu.memory_space<vmem>>) target(%dma_start3A_48 : memref<10240x128xf32, #tpu.memory_space<vmem_shared>>) offsets(%arg8 : memref<80xi32, #tpu.memory_space<vmem>>) semaphore(%run_scoped3A : memref<!tpu.dma_semaphore, #tpu.memory_space<semaphore_mem>>) {add = true}
        %dma_wait3A_49 = arith.constant 0 : i32
        %dma_wait3A_50 = arith.constant 0 : i32
        %dma_wait3A_51 = tpu.memref_slice %arg13[%dma_wait3A_49, %dma_wait3A_50] : memref<10240x128xf32, #tpu.memory_space<vmem_shared>> -> memref<10240x128xf32, #tpu.memory_space<vmem_shared>>
        tpu.wait_indirect_dma semaphore(%run_scoped3A : memref<!tpu.dma_semaphore, #tpu.memory_space<semaphore_mem>>) src(%arg9 : memref<80x128xf32, #tpu.memory_space<vmem>>) dst(%dma_wait3A_51 : memref<10240x128xf32, #tpu.memory_space<vmem_shared>>)
        tpu.yield
      }) : () -> ()
      %lt3A = arith.constant 125 : i32
      %lt3A_36 = arith.cmpi slt, %add3A_21, %lt3A : i32
      %convert_element_type3A = arith.extui %lt3A_36 : i1 to i32
      %cond3A = arith.constant 0 : i32
      %cond3A_37 = arith.cmpi ne, %convert_element_type3A, %cond3A : i32
      scf.if %cond3A_37 {
        %mul3A_46 = arith.constant 80 : i32
        %mul3A_47 = arith.muli %add3A_21, %mul3A_46 : i32
        %add3A_48 = arith.addi %mul3A_4, %mul3A_47 : i32
        %multiple_of3A_49 = tpu.assume_multiple %add3A_48, 8 : i32
        "tpu.region"() ({
          %run_scoped3A = tpu.sem_alloc : memref<!tpu.dma_semaphore, #tpu.memory_space<semaphore_mem>>
          %dma_start3A_50 = tpu.memref_slice %arg3[%multiple_of3A_49] : memref<320000xi32, #tpu.memory_space<hbm>> -> memref<80xi32, #tpu.memory_space<hbm>>
          %dma_start3A_51 = tpu.memref_slice %arg3[%multiple_of3A_49] : memref<320000xi32, #tpu.memory_space<hbm>> -> memref<80xi32, #tpu.memory_space<hbm>>
          tpu.enqueue_dma source(%dma_start3A_51 : memref<80xi32, #tpu.memory_space<hbm>>) target(%arg7 : memref<80xi32, #tpu.memory_space<vmem>>) target_semaphore(%run_scoped3A : memref<!tpu.dma_semaphore, #tpu.memory_space<semaphore_mem>>)
          %dma_wait3A_52 = tpu.memref_slice %arg3[%multiple_of3A_49] : memref<320000xi32, #tpu.memory_space<hbm>> -> memref<80xi32, #tpu.memory_space<hbm>>
          %dma_wait3A_53 = tpu.memref_slice %arg3[%multiple_of3A_49] : memref<320000xi32, #tpu.memory_space<hbm>> -> memref<80xi32, #tpu.memory_space<hbm>>
          tpu.wait_dma2 semaphore(%run_scoped3A : memref<!tpu.dma_semaphore, #tpu.memory_space<semaphore_mem>>) src(%dma_wait3A_53 : memref<80xi32, #tpu.memory_space<hbm>>) dst(%arg7 : memref<80xi32, #tpu.memory_space<vmem>>)
          tpu.yield
        }) : () -> ()
        "tpu.region"() ({
          %run_scoped3A = tpu.sem_alloc : memref<!tpu.dma_semaphore, #tpu.memory_space<semaphore_mem>>
          %dma_start3A_50 = tpu.memref_slice %arg4[%multiple_of3A_49] : memref<320000xi32, #tpu.memory_space<hbm>> -> memref<80xi32, #tpu.memory_space<hbm>>
          %dma_start3A_51 = tpu.memref_slice %arg4[%multiple_of3A_49] : memref<320000xi32, #tpu.memory_space<hbm>> -> memref<80xi32, #tpu.memory_space<hbm>>
          tpu.enqueue_dma source(%dma_start3A_51 : memref<80xi32, #tpu.memory_space<hbm>>) target(%arg8 : memref<80xi32, #tpu.memory_space<vmem>>) target_semaphore(%run_scoped3A : memref<!tpu.dma_semaphore, #tpu.memory_space<semaphore_mem>>)
          %dma_wait3A_52 = tpu.memref_slice %arg4[%multiple_of3A_49] : memref<320000xi32, #tpu.memory_space<hbm>> -> memref<80xi32, #tpu.memory_space<hbm>>
          %dma_wait3A_53 = tpu.memref_slice %arg4[%multiple_of3A_49] : memref<320000xi32, #tpu.memory_space<hbm>> -> memref<80xi32, #tpu.memory_space<hbm>>
          tpu.wait_dma2 semaphore(%run_scoped3A : memref<!tpu.dma_semaphore, #tpu.memory_space<semaphore_mem>>) src(%dma_wait3A_53 : memref<80xi32, #tpu.memory_space<hbm>>) dst(%arg8 : memref<80xi32, #tpu.memory_space<vmem>>)
          tpu.yield
        }) : () -> ()
      } else {
      }
      %dma_wait3A_38 = arith.constant 0 : i32
      %dma_wait3A_39 = arith.constant 0 : i32
      %dma_wait3A_40 = tpu.memref_slice %arg2[%dma_wait3A_38, %dma_wait3A_39] : memref<10000x128xf32, #tpu.memory_space<hbm>> -> memref<10000x128xf32, #tpu.memory_space<hbm>>
      tpu.wait_indirect_dma semaphore(%arg14 : memref<!tpu.dma_semaphore, #tpu.memory_space<semaphore_mem>>) src(%dma_wait3A_40 : memref<10000x128xf32, #tpu.memory_space<hbm>>) dst(%arg12 : memref<80x128xf32, #tpu.memory_space<vmem>>)
      %lt3A_41 = arith.constant 125 : i32
      %lt3A_42 = arith.cmpi slt, %add3A_21, %lt3A_41 : i32
      %convert_element_type3A_43 = arith.extui %lt3A_42 : i1 to i32
      %cond3A_44 = arith.constant 0 : i32
      %cond3A_45 = arith.cmpi ne, %convert_element_type3A_43, %cond3A_44 : i32
      scf.if %cond3A_45 {
        %dma_start3A_46 = arith.constant 0 : i32
        %dma_start3A_47 = arith.constant 0 : i32
        %dma_start3A_48 = tpu.memref_slice %arg2[%dma_start3A_46, %dma_start3A_47] : memref<10000x128xf32, #tpu.memory_space<hbm>> -> memref<10000x128xf32, #tpu.memory_space<hbm>>
        tpu.enqueue_indirect_dma source(%dma_start3A_48 : memref<10000x128xf32, #tpu.memory_space<hbm>>) target(%arg9 : memref<80x128xf32, #tpu.memory_space<vmem>>) offsets(%arg7 : memref<80xi32, #tpu.memory_space<vmem>>) semaphore(%arg14 : memref<!tpu.dma_semaphore, #tpu.memory_space<semaphore_mem>>)
      } else {
      }
      "tpu.region"() ({
        %run_scoped3A = tpu.sem_alloc : memref<!tpu.dma_semaphore, #tpu.memory_space<semaphore_mem>>
        %dma_start3A_46 = arith.constant 0 : i32
        %dma_start3A_47 = arith.constant 0 : i32
        %dma_start3A_48 = tpu.memref_slice %arg13[%dma_start3A_46, %dma_start3A_47] : memref<10240x128xf32, #tpu.memory_space<vmem_shared>> -> memref<10240x128xf32, #tpu.memory_space<vmem_shared>>
        tpu.enqueue_indirect_dma source(%arg12 : memref<80x128xf32, #tpu.memory_space<vmem>>) target(%dma_start3A_48 : memref<10240x128xf32, #tpu.memory_space<vmem_shared>>) offsets(%arg11 : memref<80xi32, #tpu.memory_space<vmem>>) semaphore(%run_scoped3A : memref<!tpu.dma_semaphore, #tpu.memory_space<semaphore_mem>>) {add = true}
        %dma_wait3A_49 = arith.constant 0 : i32
        %dma_wait3A_50 = arith.constant 0 : i32
        %dma_wait3A_51 = tpu.memref_slice %arg13[%dma_wait3A_49, %dma_wait3A_50] : memref<10240x128xf32, #tpu.memory_space<vmem_shared>> -> memref<10240x128xf32, #tpu.memory_space<vmem_shared>>
        tpu.wait_indirect_dma semaphore(%run_scoped3A : memref<!tpu.dma_semaphore, #tpu.memory_space<semaphore_mem>>) src(%arg12 : memref<80x128xf32, #tpu.memory_space<vmem>>) dst(%dma_wait3A_51 : memref<10240x128xf32, #tpu.memory_space<vmem_shared>>)
        tpu.yield
      }) : () -> ()
    }
    %scan3A_13 = arith.constant 62 : i32
    %dma_wait3A = arith.constant 0 : i32
    %dma_wait3A_14 = arith.constant 0 : i32
    %dma_wait3A_15 = tpu.memref_slice %arg2[%dma_wait3A, %dma_wait3A_14] : memref<10000x128xf32, #tpu.memory_space<hbm>> -> memref<10000x128xf32, #tpu.memory_space<hbm>>
    tpu.wait_indirect_dma semaphore(%arg14 : memref<!tpu.dma_semaphore, #tpu.memory_space<semaphore_mem>>) src(%dma_wait3A_15 : memref<10000x128xf32, #tpu.memory_space<hbm>>) dst(%arg9 : memref<80x128xf32, #tpu.memory_space<vmem>>)
    "tpu.region"() ({
      %run_scoped3A = tpu.sem_alloc : memref<!tpu.dma_semaphore, #tpu.memory_space<semaphore_mem>>
      %dma_start3A_17 = arith.constant 0 : i32
      %dma_start3A_18 = arith.constant 0 : i32
      %dma_start3A_19 = tpu.memref_slice %arg13[%dma_start3A_17, %dma_start3A_18] : memref<10240x128xf32, #tpu.memory_space<vmem_shared>> -> memref<10240x128xf32, #tpu.memory_space<vmem_shared>>
      tpu.enqueue_indirect_dma source(%arg9 : memref<80x128xf32, #tpu.memory_space<vmem>>) target(%dma_start3A_19 : memref<10240x128xf32, #tpu.memory_space<vmem_shared>>) offsets(%arg8 : memref<80xi32, #tpu.memory_space<vmem>>) semaphore(%run_scoped3A : memref<!tpu.dma_semaphore, #tpu.memory_space<semaphore_mem>>) {add = true}
      %dma_wait3A_20 = arith.constant 0 : i32
      %dma_wait3A_21 = arith.constant 0 : i32
      %dma_wait3A_22 = tpu.memref_slice %arg13[%dma_wait3A_20, %dma_wait3A_21] : memref<10240x128xf32, #tpu.memory_space<vmem_shared>> -> memref<10240x128xf32, #tpu.memory_space<vmem_shared>>
      tpu.wait_indirect_dma semaphore(%run_scoped3A : memref<!tpu.dma_semaphore, #tpu.memory_space<semaphore_mem>>) src(%arg9 : memref<80x128xf32, #tpu.memory_space<vmem>>) dst(%dma_wait3A_22 : memref<10240x128xf32, #tpu.memory_space<vmem_shared>>)
      tpu.yield
    }) : () -> ()
    %barrier3A_16 = arith.constant 0 : index
    tpu.barrier barrier_id(%barrier3A_16)
    "tpu.region"() ({
      %run_scoped3A = tpu.sem_alloc : memref<!tpu.dma_semaphore, #tpu.memory_space<semaphore_mem>>
      %dma_start3A_17 = arith.constant 0 : i32
      %dma_start3A_18 = tpu.memref_slice %arg6[%arg0, %mul3A_2, %dma_start3A_17] : memref<2x10240x128xf32, #tpu.memory_space<hbm>> -> memref<1x640x128xf32, #tpu.memory_space<hbm>>
      %dma_start3A_19 = tpu.memref_squeeze %dma_start3A_18 : memref<1x640x128xf32, #tpu.memory_space<hbm>> -> memref<640x128xf32, #tpu.memory_space<hbm>>
      %dma_start3A_20 = arith.constant 0 : i32
      %dma_start3A_21 = tpu.memref_slice %arg13[%mul3A_2, %dma_start3A_20] : memref<10240x128xf32, #tpu.memory_space<vmem_shared>> -> memref<640x128xf32, #tpu.memory_space<vmem_shared>>
      tpu.enqueue_dma source(%dma_start3A_21 : memref<640x128xf32, #tpu.memory_space<vmem_shared>>) target(%dma_start3A_19 : memref<640x128xf32, #tpu.memory_space<hbm>>) target_semaphore(%run_scoped3A : memref<!tpu.dma_semaphore, #tpu.memory_space<semaphore_mem>>)
      %dma_wait3A_22 = arith.constant 0 : i32
      %dma_wait3A_23 = tpu.memref_slice %arg6[%arg0, %mul3A_2, %dma_wait3A_22] : memref<2x10240x128xf32, #tpu.memory_space<hbm>> -> memref<1x640x128xf32, #tpu.memory_space<hbm>>
      %dma_wait3A_24 = tpu.memref_squeeze %dma_wait3A_23 : memref<1x640x128xf32, #tpu.memory_space<hbm>> -> memref<640x128xf32, #tpu.memory_space<hbm>>
      %dma_wait3A_25 = arith.constant 0 : i32
      %dma_wait3A_26 = tpu.memref_slice %arg13[%mul3A_2, %dma_wait3A_25] : memref<10240x128xf32, #tpu.memory_space<vmem_shared>> -> memref<640x128xf32, #tpu.memory_space<vmem_shared>>
      tpu.wait_dma2 semaphore(%run_scoped3A : memref<!tpu.dma_semaphore, #tpu.memory_space<semaphore_mem>>) src(%dma_wait3A_26 : memref<640x128xf32, #tpu.memory_space<vmem_shared>>) dst(%dma_wait3A_24 : memref<640x128xf32, #tpu.memory_space<hbm>>)
      tpu.yield
    }) : () -> ()
    return
  }
}

#map = affine_map<(d0, d1) -> (0, 0)>
#map1 = affine_map<(d0, d1) -> (0)>
#map2 = affine_map<(d0, d1) -> (0, 0, 0)>
module attributes {stable_mosaic.version = 14 : i64} {
  func.func @seg(%arg0: i32, %arg1: i32, %arg2: memref<10000x128xf32, #tpu.memory_space<hbm>>, %arg3: memref<320000xi32, #tpu.memory_space<hbm>>, %arg4: memref<320000xi32, #tpu.memory_space<hbm>>, %arg5: memref<10240x128xf32, #tpu.memory_space<hbm>>, %arg6: memref<2x10240x128xf32, #tpu.memory_space<hbm>>, %arg7: memref<80xi32, #tpu.memory_space<vmem>>, %arg8: memref<80xi32, #tpu.memory_space<vmem>>, %arg9: memref<80x128xf32, #tpu.memory_space<vmem>>, %arg10: memref<80xi32, #tpu.memory_space<vmem>>, %arg11: memref<80xi32, #tpu.memory_space<vmem>>, %arg12: memref<80x128xf32, #tpu.memory_space<vmem>>, %arg13: memref<10240x128xf32, #tpu.memory_space<vmem_shared>>, %arg14: memref<!tpu.dma_semaphore, #tpu.memory_space<semaphore_mem>>) attributes {dimension_semantics = [#tpu.dimension_semantics<core_parallel>, #tpu.dimension_semantics<subcore_parallel>], iteration_bounds = array<i64: 2, 16>, scalar_prefetch = 0 : i64, scratch_operands = 8 : i64, tpu.core_type = #tpu.core_type<sc_vector_subcore>, window_params = [{transform_indices = #map}, {transform_indices = #map1}, {transform_indices = #map1}, {transform_indices = #map}, {transform_indices = #map2}]} {
    %mul3A = arith.constant 16 : i32
    %mul3A_0 = arith.muli %arg0, %mul3A : i32
    %add3A = arith.addi %mul3A_0, %arg1 : i32
    %mul3A_1 = arith.constant 640 : i32
    %mul3A_2 = arith.muli %arg1, %mul3A_1 : i32
    "tpu.region"() ({
      %run_scoped3A = tpu.sem_alloc : memref<!tpu.dma_semaphore, #tpu.memory_space<semaphore_mem>>
      %dma_start3A_17 = arith.constant 0 : i32
      %dma_start3A_18 = tpu.memref_slice %arg13[%mul3A_2, %dma_start3A_17] : memref<10240x128xf32, #tpu.memory_space<vmem_shared>> -> memref<640x128xf32, #tpu.memory_space<vmem_shared>>
      %dma_start3A_19 = arith.constant 0 : i32
      %dma_start3A_20 = tpu.memref_slice %arg5[%mul3A_2, %dma_start3A_19] : memref<10240x128xf32, #tpu.memory_space<hbm>> -> memref<640x128xf32, #tpu.memory_space<hbm>>
      tpu.enqueue_dma source(%dma_start3A_20 : memref<640x128xf32, #tpu.memory_space<hbm>>) target(%dma_start3A_18 : memref<640x128xf32, #tpu.memory_space<vmem_shared>>) target_semaphore(%run_scoped3A : memref<!tpu.dma_semaphore, #tpu.memory_space<semaphore_mem>>)
      %dma_wait3A_21 = arith.constant 0 : i32
      %dma_wait3A_22 = tpu.memref_slice %arg13[%mul3A_2, %dma_wait3A_21] : memref<10240x128xf32, #tpu.memory_space<vmem_shared>> -> memref<640x128xf32, #tpu.memory_space<vmem_shared>>
      %dma_wait3A_23 = arith.constant 0 : i32
      %dma_wait3A_24 = tpu.memref_slice %arg5[%mul3A_2, %dma_wait3A_23] : memref<10240x128xf32, #tpu.memory_space<hbm>> -> memref<640x128xf32, #tpu.memory_space<hbm>>
      tpu.wait_dma2 semaphore(%run_scoped3A : memref<!tpu.dma_semaphore, #tpu.memory_space<semaphore_mem>>) src(%dma_wait3A_24 : memref<640x128xf32, #tpu.memory_space<hbm>>) dst(%dma_wait3A_22 : memref<640x128xf32, #tpu.memory_space<vmem_shared>>)
      tpu.yield
    }) : () -> ()
    %barrier3A = arith.constant 0 : index
    tpu.barrier barrier_id(%barrier3A)
    %mul3A_3 = arith.constant 10000 : i32
    %mul3A_4 = arith.muli %add3A, %mul3A_3 : i32
    %add3A_5 = arith.constant 0 : i32
    %add3A_6 = arith.addi %mul3A_4, %add3A_5 : i32
    %multiple_of3A = tpu.assume_multiple %add3A_6, 8 : i32
    "tpu.region"() ({
      %run_scoped3A = tpu.sem_alloc : memref<!tpu.dma_semaphore, #tpu.memory_space<semaphore_mem>>
      %dma_start3A_17 = tpu.memref_slice %arg3[%multiple_of3A] : memref<320000xi32, #tpu.memory_space<hbm>> -> memref<80xi32, #tpu.memory_space<hbm>>
      %dma_start3A_18 = tpu.memref_slice %arg3[%multiple_of3A] : memref<320000xi32, #tpu.memory_space<hbm>> -> memref<80xi32, #tpu.memory_space<hbm>>
      tpu.enqueue_dma source(%dma_start3A_18 : memref<80xi32, #tpu.memory_space<hbm>>) target(%arg7 : memref<80xi32, #tpu.memory_space<vmem>>) target_semaphore(%run_scoped3A : memref<!tpu.dma_semaphore, #tpu.memory_space<semaphore_mem>>)
      %dma_wait3A_19 = tpu.memref_slice %arg3[%multiple_of3A] : memref<320000xi32, #tpu.memory_space<hbm>> -> memref<80xi32, #tpu.memory_space<hbm>>
      %dma_wait3A_20 = tpu.memref_slice %arg3[%multiple_of3A] : memref<320000xi32, #tpu.memory_space<hbm>> -> memref<80xi32, #tpu.memory_space<hbm>>
      tpu.wait_dma2 semaphore(%run_scoped3A : memref<!tpu.dma_semaphore, #tpu.memory_space<semaphore_mem>>) src(%dma_wait3A_20 : memref<80xi32, #tpu.memory_space<hbm>>) dst(%arg7 : memref<80xi32, #tpu.memory_space<vmem>>)
      tpu.yield
    }) : () -> ()
    "tpu.region"() ({
      %run_scoped3A = tpu.sem_alloc : memref<!tpu.dma_semaphore, #tpu.memory_space<semaphore_mem>>
      %dma_start3A_17 = tpu.memref_slice %arg4[%multiple_of3A] : memref<320000xi32, #tpu.memory_space<hbm>> -> memref<80xi32, #tpu.memory_space<hbm>>
      %dma_start3A_18 = tpu.memref_slice %arg4[%multiple_of3A] : memref<320000xi32, #tpu.memory_space<hbm>> -> memref<80xi32, #tpu.memory_space<hbm>>
      tpu.enqueue_dma source(%dma_start3A_18 : memref<80xi32, #tpu.memory_space<hbm>>) target(%arg8 : memref<80xi32, #tpu.memory_space<vmem>>) target_semaphore(%run_scoped3A : memref<!tpu.dma_semaphore, #tpu.memory_space<semaphore_mem>>)
      %dma_wait3A_19 = tpu.memref_slice %arg4[%multiple_of3A] : memref<320000xi32, #tpu.memory_space<hbm>> -> memref<80xi32, #tpu.memory_space<hbm>>
      %dma_wait3A_20 = tpu.memref_slice %arg4[%multiple_of3A] : memref<320000xi32, #tpu.memory_space<hbm>> -> memref<80xi32, #tpu.memory_space<hbm>>
      tpu.wait_dma2 semaphore(%run_scoped3A : memref<!tpu.dma_semaphore, #tpu.memory_space<semaphore_mem>>) src(%dma_wait3A_20 : memref<80xi32, #tpu.memory_space<hbm>>) dst(%arg8 : memref<80xi32, #tpu.memory_space<vmem>>)
      tpu.yield
    }) : () -> ()
    %dma_start3A = arith.constant 0 : i32
    %dma_start3A_7 = arith.constant 0 : i32
    %dma_start3A_8 = tpu.memref_slice %arg2[%dma_start3A, %dma_start3A_7] : memref<10000x128xf32, #tpu.memory_space<hbm>> -> memref<10000x128xf32, #tpu.memory_space<hbm>>
    tpu.enqueue_indirect_dma source(%dma_start3A_8 : memref<10000x128xf32, #tpu.memory_space<hbm>>) target(%arg9 : memref<80x128xf32, #tpu.memory_space<vmem>>) offsets(%arg7 : memref<80xi32, #tpu.memory_space<vmem>>) semaphore(%arg14 : memref<!tpu.dma_semaphore, #tpu.memory_space<semaphore_mem>>)
    %scan3A = arith.constant 0 : i32
    %scan3A_9 = arith.constant 0 : i32
    %scan3A_10 = arith.constant 62 : i32
    %scan3A_11 = arith.addi %scan3A_9, %scan3A_10 : i32
    %scan3A_12 = arith.constant 1 : i32
    scf.for %scan3A_17 = %scan3A_9 to %scan3A_11 step %scan3A_12  : i32 {
      %mul3A_18 = arith.constant 2 : i32
      %mul3A_19 = arith.muli %mul3A_18, %scan3A_17 : i32
      %add3A_20 = arith.constant 2 : i32
      %add3A_21 = arith.addi %mul3A_19, %add3A_20 : i32
      %mul3A_22 = arith.constant 2 : i32
      %mul3A_23 = arith.muli %mul3A_22, %scan3A_17 : i32
      %add3A_24 = arith.constant 1 : i32
      %add3A_25 = arith.addi %mul3A_23, %add3A_24 : i32
      %mul3A_26 = arith.constant 80 : i32
      %mul3A_27 = arith.muli %add3A_25, %mul3A_26 : i32
      %add3A_28 = arith.addi %mul3A_4, %mul3A_27 : i32
      %multiple_of3A_29 = tpu.assume_multiple %add3A_28, 8 : i32
      "tpu.region"() ({
        %run_scoped3A = tpu.sem_alloc : memref<!tpu.dma_semaphore, #tpu.memory_space<semaphore_mem>>
        %dma_start3A_46 = tpu.memref_slice %arg3[%multiple_of3A_29] : memref<320000xi32, #tpu.memory_space<hbm>> -> memref<80xi32, #tpu.memory_space<hbm>>
        %dma_start3A_47 = tpu.memref_slice %arg3[%multiple_of3A_29] : memref<320000xi32, #tpu.memory_space<hbm>> -> memref<80xi32, #tpu.memory_space<hbm>>
        tpu.enqueue_dma source(%dma_start3A_47 : memref<80xi32, #tpu.memory_space<hbm>>) target(%arg10 : memref<80xi32, #tpu.memory_space<vmem>>) target_semaphore(%run_scoped3A : memref<!tpu.dma_semaphore, #tpu.memory_space<semaphore_mem>>)
        %dma_wait3A_48 = tpu.memref_slice %arg3[%multiple_of3A_29] : memref<320000xi32, #tpu.memory_space<hbm>> -> memref<80xi32, #tpu.memory_space<hbm>>
        %dma_wait3A_49 = tpu.memref_slice %arg3[%multiple_of3A_29] : memref<320000xi32, #tpu.memory_space<hbm>> -> memref<80xi32, #tpu.memory_space<hbm>>
        tpu.wait_dma2 semaphore(%run_scoped3A : memref<!tpu.dma_semaphore, #tpu.memory_space<semaphore_mem>>) src(%dma_wait3A_49 : memref<80xi32, #tpu.memory_space<hbm>>) dst(%arg10 : memref<80xi32, #tpu.memory_space<vmem>>)
        tpu.yield
      }) : () -> ()
      "tpu.region"() ({
        %run_scoped3A = tpu.sem_alloc : memref<!tpu.dma_semaphore, #tpu.memory_space<semaphore_mem>>
        %dma_start3A_46 = tpu.memref_slice %arg4[%multiple_of3A_29] : memref<320000xi32, #tpu.memory_space<hbm>> -> memref<80xi32, #tpu.memory_space<hbm>>
        %dma_start3A_47 = tpu.memref_slice %arg4[%multiple_of3A_29] : memref<320000xi32, #tpu.memory_space<hbm>> -> memref<80xi32, #tpu.memory_space<hbm>>
        tpu.enqueue_dma source(%dma_start3A_47 : memref<80xi32, #tpu.memory_space<hbm>>) target(%arg11 : memref<80xi32, #tpu.memory_space<vmem>>) target_semaphore(%run_scoped3A : memref<!tpu.dma_semaphore, #tpu.memory_space<semaphore_mem>>)
        %dma_wait3A_48 = tpu.memref_slice %arg4[%multiple_of3A_29] : memref<320000xi32, #tpu.memory_space<hbm>> -> memref<80xi32, #tpu.memory_space<hbm>>
        %dma_wait3A_49 = tpu.memref_slice %arg4[%multiple_of3A_29] : memref<320000xi32, #tpu.memory_space<hbm>> -> memref<80xi32, #tpu.memory_space<hbm>>
        tpu.wait_dma2 semaphore(%run_scoped3A : memref<!tpu.dma_semaphore, #tpu.memory_space<semaphore_mem>>) src(%dma_wait3A_49 : memref<80xi32, #tpu.memory_space<hbm>>) dst(%arg11 : memref<80xi32, #tpu.memory_space<vmem>>)
        tpu.yield
      }) : () -> ()
      %dma_wait3A_30 = arith.constant 0 : i32
      %dma_wait3A_31 = arith.constant 0 : i32
      %dma_wait3A_32 = tpu.memref_slice %arg2[%dma_wait3A_30, %dma_wait3A_31] : memref<10000x128xf32, #tpu.memory_space<hbm>> -> memref<10000x128xf32, #tpu.memory_space<hbm>>
      tpu.wait_indirect_dma semaphore(%arg14 : memref<!tpu.dma_semaphore, #tpu.memory_space<semaphore_mem>>) src(%dma_wait3A_32 : memref<10000x128xf32, #tpu.memory_space<hbm>>) dst(%arg9 : memref<80x128xf32, #tpu.memory_space<vmem>>)
      %dma_start3A_33 = arith.constant 0 : i32
      %dma_start3A_34 = arith.constant 0 : i32
      %dma_start3A_35 = tpu.memref_slice %arg2[%dma_start3A_33, %dma_start3A_34] : memref<10000x128xf32, #tpu.memory_space<hbm>> -> memref<10000x128xf32, #tpu.memory_space<hbm>>
      tpu.enqueue_indirect_dma source(%dma_start3A_35 : memref<10000x128xf32, #tpu.memory_space<hbm>>) target(%arg12 : memref<80x128xf32, #tpu.memory_space<vmem>>) offsets(%arg10 : memref<80xi32, #tpu.memory_space<vmem>>) semaphore(%arg14 : memref<!tpu.dma_semaphore, #tpu.memory_space<semaphore_mem>>)
      "tpu.region"() ({
        %run_scoped3A = tpu.sem_alloc : memref<!tpu.dma_semaphore, #tpu.memory_space<semaphore_mem>>
        %dma_start3A_46 = arith.constant 0 : i32
        %dma_start3A_47 = arith.constant 0 : i32
        %dma_start3A_48 = tpu.memref_slice %arg13[%dma_start3A_46, %dma_start3A_47] : memref<10240x128xf32, #tpu.memory_space<vmem_shared>> -> memref<10240x128xf32, #tpu.memory_space<vmem_shared>>
        tpu.enqueue_indirect_dma source(%arg9 : memref<80x128xf32, #tpu.memory_space<vmem>>) target(%dma_start3A_48 : memref<10240x128xf32, #tpu.memory_space<vmem_shared>>) offsets(%arg8 : memref<80xi32, #tpu.memory_space<vmem>>) semaphore(%run_scoped3A : memref<!tpu.dma_semaphore, #tpu.memory_space<semaphore_mem>>) {add = true}
        %dma_wait3A_49 = arith.constant 0 : i32
        %dma_wait3A_50 = arith.constant 0 : i32
        %dma_wait3A_51 = tpu.memref_slice %arg13[%dma_wait3A_49, %dma_wait3A_50] : memref<10240x128xf32, #tpu.memory_space<vmem_shared>> -> memref<10240x128xf32, #tpu.memory_space<vmem_shared>>
        tpu.wait_indirect_dma semaphore(%run_scoped3A : memref<!tpu.dma_semaphore, #tpu.memory_space<semaphore_mem>>) src(%arg9 : memref<80x128xf32, #tpu.memory_space<vmem>>) dst(%dma_wait3A_51 : memref<10240x128xf32, #tpu.memory_space<vmem_shared>>)
        tpu.yield
      }) : () -> ()
      %lt3A = arith.constant 125 : i32
      %lt3A_36 = arith.cmpi slt, %add3A_21, %lt3A : i32
      %convert_element_type3A = arith.extui %lt3A_36 : i1 to i32
      %cond3A = arith.constant 0 : i32
      %cond3A_37 = arith.cmpi ne, %convert_element_type3A, %cond3A : i32
      scf.if %cond3A_37 {
        %mul3A_46 = arith.constant 80 : i32
        %mul3A_47 = arith.muli %add3A_21, %mul3A_46 : i32
        %add3A_48 = arith.addi %mul3A_4, %mul3A_47 : i32
        %multiple_of3A_49 = tpu.assume_multiple %add3A_48, 8 : i32
        "tpu.region"() ({
          %run_scoped3A = tpu.sem_alloc : memref<!tpu.dma_semaphore, #tpu.memory_space<semaphore_mem>>
          %dma_start3A_50 = tpu.memref_slice %arg3[%multiple_of3A_49] : memref<320000xi32, #tpu.memory_space<hbm>> -> memref<80xi32, #tpu.memory_space<hbm>>
          %dma_start3A_51 = tpu.memref_slice %arg3[%multiple_of3A_49] : memref<320000xi32, #tpu.memory_space<hbm>> -> memref<80xi32, #tpu.memory_space<hbm>>
          tpu.enqueue_dma source(%dma_start3A_51 : memref<80xi32, #tpu.memory_space<hbm>>) target(%arg7 : memref<80xi32, #tpu.memory_space<vmem>>) target_semaphore(%run_scoped3A : memref<!tpu.dma_semaphore, #tpu.memory_space<semaphore_mem>>)
          %dma_wait3A_52 = tpu.memref_slice %arg3[%multiple_of3A_49] : memref<320000xi32, #tpu.memory_space<hbm>> -> memref<80xi32, #tpu.memory_space<hbm>>
          %dma_wait3A_53 = tpu.memref_slice %arg3[%multiple_of3A_49] : memref<320000xi32, #tpu.memory_space<hbm>> -> memref<80xi32, #tpu.memory_space<hbm>>
          tpu.wait_dma2 semaphore(%run_scoped3A : memref<!tpu.dma_semaphore, #tpu.memory_space<semaphore_mem>>) src(%dma_wait3A_53 : memref<80xi32, #tpu.memory_space<hbm>>) dst(%arg7 : memref<80xi32, #tpu.memory_space<vmem>>)
          tpu.yield
        }) : () -> ()
        "tpu.region"() ({
          %run_scoped3A = tpu.sem_alloc : memref<!tpu.dma_semaphore, #tpu.memory_space<semaphore_mem>>
          %dma_start3A_50 = tpu.memref_slice %arg4[%multiple_of3A_49] : memref<320000xi32, #tpu.memory_space<hbm>> -> memref<80xi32, #tpu.memory_space<hbm>>
          %dma_start3A_51 = tpu.memref_slice %arg4[%multiple_of3A_49] : memref<320000xi32, #tpu.memory_space<hbm>> -> memref<80xi32, #tpu.memory_space<hbm>>
          tpu.enqueue_dma source(%dma_start3A_51 : memref<80xi32, #tpu.memory_space<hbm>>) target(%arg8 : memref<80xi32, #tpu.memory_space<vmem>>) target_semaphore(%run_scoped3A : memref<!tpu.dma_semaphore, #tpu.memory_space<semaphore_mem>>)
          %dma_wait3A_52 = tpu.memref_slice %arg4[%multiple_of3A_49] : memref<320000xi32, #tpu.memory_space<hbm>> -> memref<80xi32, #tpu.memory_space<hbm>>
          %dma_wait3A_53 = tpu.memref_slice %arg4[%multiple_of3A_49] : memref<320000xi32, #tpu.memory_space<hbm>> -> memref<80xi32, #tpu.memory_space<hbm>>
          tpu.wait_dma2 semaphore(%run_scoped3A : memref<!tpu.dma_semaphore, #tpu.memory_space<semaphore_mem>>) src(%dma_wait3A_53 : memref<80xi32, #tpu.memory_space<hbm>>) dst(%arg8 : memref<80xi32, #tpu.memory_space<vmem>>)
          tpu.yield
        }) : () -> ()
      } else {
      }
      %dma_wait3A_38 = arith.constant 0 : i32
      %dma_wait3A_39 = arith.constant 0 : i32
      %dma_wait3A_40 = tpu.memref_slice %arg2[%dma_wait3A_38, %dma_wait3A_39] : memref<10000x128xf32, #tpu.memory_space<hbm>> -> memref<10000x128xf32, #tpu.memory_space<hbm>>
      tpu.wait_indirect_dma semaphore(%arg14 : memref<!tpu.dma_semaphore, #tpu.memory_space<semaphore_mem>>) src(%dma_wait3A_40 : memref<10000x128xf32, #tpu.memory_space<hbm>>) dst(%arg12 : memref<80x128xf32, #tpu.memory_space<vmem>>)
      %lt3A_41 = arith.constant 125 : i32
      %lt3A_42 = arith.cmpi slt, %add3A_21, %lt3A_41 : i32
      %convert_element_type3A_43 = arith.extui %lt3A_42 : i1 to i32
      %cond3A_44 = arith.constant 0 : i32
      %cond3A_45 = arith.cmpi ne, %convert_element_type3A_43, %cond3A_44 : i32
      scf.if %cond3A_45 {
        %dma_start3A_46 = arith.constant 0 : i32
        %dma_start3A_47 = arith.constant 0 : i32
        %dma_start3A_48 = tpu.memref_slice %arg2[%dma_start3A_46, %dma_start3A_47] : memref<10000x128xf32, #tpu.memory_space<hbm>> -> memref<10000x128xf32, #tpu.memory_space<hbm>>
        tpu.enqueue_indirect_dma source(%dma_start3A_48 : memref<10000x128xf32, #tpu.memory_space<hbm>>) target(%arg9 : memref<80x128xf32, #tpu.memory_space<vmem>>) offsets(%arg7 : memref<80xi32, #tpu.memory_space<vmem>>) semaphore(%arg14 : memref<!tpu.dma_semaphore, #tpu.memory_space<semaphore_mem>>)
      } else {
      }
      "tpu.region"() ({
        %run_scoped3A = tpu.sem_alloc : memref<!tpu.dma_semaphore, #tpu.memory_space<semaphore_mem>>
        %dma_start3A_46 = arith.constant 0 : i32
        %dma_start3A_47 = arith.constant 0 : i32
        %dma_start3A_48 = tpu.memref_slice %arg13[%dma_start3A_46, %dma_start3A_47] : memref<10240x128xf32, #tpu.memory_space<vmem_shared>> -> memref<10240x128xf32, #tpu.memory_space<vmem_shared>>
        tpu.enqueue_indirect_dma source(%arg12 : memref<80x128xf32, #tpu.memory_space<vmem>>) target(%dma_start3A_48 : memref<10240x128xf32, #tpu.memory_space<vmem_shared>>) offsets(%arg11 : memref<80xi32, #tpu.memory_space<vmem>>) semaphore(%run_scoped3A : memref<!tpu.dma_semaphore, #tpu.memory_space<semaphore_mem>>) {add = true}
        %dma_wait3A_49 = arith.constant 0 : i32
        %dma_wait3A_50 = arith.constant 0 : i32
        %dma_wait3A_51 = tpu.memref_slice %arg13[%dma_wait3A_49, %dma_wait3A_50] : memref<10240x128xf32, #tpu.memory_space<vmem_shared>> -> memref<10240x128xf32, #tpu.memory_space<vmem_shared>>
        tpu.wait_indirect_dma semaphore(%run_scoped3A : memref<!tpu.dma_semaphore, #tpu.memory_space<semaphore_mem>>) src(%arg12 : memref<80x128xf32, #tpu.memory_space<vmem>>) dst(%dma_wait3A_51 : memref<10240x128xf32, #tpu.memory_space<vmem_shared>>)
        tpu.yield
      }) : () -> ()
    }
    %scan3A_13 = arith.constant 62 : i32
    %dma_wait3A = arith.constant 0 : i32
    %dma_wait3A_14 = arith.constant 0 : i32
    %dma_wait3A_15 = tpu.memref_slice %arg2[%dma_wait3A, %dma_wait3A_14] : memref<10000x128xf32, #tpu.memory_space<hbm>> -> memref<10000x128xf32, #tpu.memory_space<hbm>>
    tpu.wait_indirect_dma semaphore(%arg14 : memref<!tpu.dma_semaphore, #tpu.memory_space<semaphore_mem>>) src(%dma_wait3A_15 : memref<10000x128xf32, #tpu.memory_space<hbm>>) dst(%arg9 : memref<80x128xf32, #tpu.memory_space<vmem>>)
    "tpu.region"() ({
      %run_scoped3A = tpu.sem_alloc : memref<!tpu.dma_semaphore, #tpu.memory_space<semaphore_mem>>
      %dma_start3A_17 = arith.constant 0 : i32
      %dma_start3A_18 = arith.constant 0 : i32
      %dma_start3A_19 = tpu.memref_slice %arg13[%dma_start3A_17, %dma_start3A_18] : memref<10240x128xf32, #tpu.memory_space<vmem_shared>> -> memref<10240x128xf32, #tpu.memory_space<vmem_shared>>
      tpu.enqueue_indirect_dma source(%arg9 : memref<80x128xf32, #tpu.memory_space<vmem>>) target(%dma_start3A_19 : memref<10240x128xf32, #tpu.memory_space<vmem_shared>>) offsets(%arg8 : memref<80xi32, #tpu.memory_space<vmem>>) semaphore(%run_scoped3A : memref<!tpu.dma_semaphore, #tpu.memory_space<semaphore_mem>>) {add = true}
      %dma_wait3A_20 = arith.constant 0 : i32
      %dma_wait3A_21 = arith.constant 0 : i32
      %dma_wait3A_22 = tpu.memref_slice %arg13[%dma_wait3A_20, %dma_wait3A_21] : memref<10240x128xf32, #tpu.memory_space<vmem_shared>> -> memref<10240x128xf32, #tpu.memory_space<vmem_shared>>
      tpu.wait_indirect_dma semaphore(%run_scoped3A : memref<!tpu.dma_semaphore, #tpu.memory_space<semaphore_mem>>) src(%arg9 : memref<80x128xf32, #tpu.memory_space<vmem>>) dst(%dma_wait3A_22 : memref<10240x128xf32, #tpu.memory_space<vmem_shared>>)
      tpu.yield
    }) : () -> ()
    %barrier3A_16 = arith.constant 0 : index
    tpu.barrier barrier_id(%barrier3A_16)
    "tpu.region"() ({
      %run_scoped3A = tpu.sem_alloc : memref<!tpu.dma_semaphore, #tpu.memory_space<semaphore_mem>>
      %dma_start3A_17 = arith.constant 0 : i32
      %dma_start3A_18 = tpu.memref_slice %arg6[%arg0, %mul3A_2, %dma_start3A_17] : memref<2x10240x128xf32, #tpu.memory_space<hbm>> -> memref<1x640x128xf32, #tpu.memory_space<hbm>>
      %dma_start3A_19 = tpu.memref_squeeze %dma_start3A_18 : memref<1x640x128xf32, #tpu.memory_space<hbm>> -> memref<640x128xf32, #tpu.memory_space<hbm>>
      %dma_start3A_20 = arith.constant 0 : i32
      %dma_start3A_21 = tpu.memref_slice %arg13[%mul3A_2, %dma_start3A_20] : memref<10240x128xf32, #tpu.memory_space<vmem_shared>> -> memref<640x128xf32, #tpu.memory_space<vmem_shared>>
      tpu.enqueue_dma source(%dma_start3A_21 : memref<640x128xf32, #tpu.memory_space<vmem_shared>>) target(%dma_start3A_19 : memref<640x128xf32, #tpu.memory_space<hbm>>) target_semaphore(%run_scoped3A : memref<!tpu.dma_semaphore, #tpu.memory_space<semaphore_mem>>)
      %dma_wait3A_22 = arith.constant 0 : i32
      %dma_wait3A_23 = tpu.memref_slice %arg6[%arg0, %mul3A_2, %dma_wait3A_22] : memref<2x10240x128xf32, #tpu.memory_space<hbm>> -> memref<1x640x128xf32, #tpu.memory_space<hbm>>
      %dma_wait3A_24 = tpu.memref_squeeze %dma_wait3A_23 : memref<1x640x128xf32, #tpu.memory_space<hbm>> -> memref<640x128xf32, #tpu.memory_space<hbm>>
      %dma_wait3A_25 = arith.constant 0 : i32
      %dma_wait3A_26 = tpu.memref_slice %arg13[%mul3A_2, %dma_wait3A_25] : memref<10240x128xf32, #tpu.memory_space<vmem_shared>> -> memref<640x128xf32, #tpu.memory_space<vmem_shared>>
      tpu.wait_dma2 semaphore(%run_scoped3A : memref<!tpu.dma_semaphore, #tpu.memory_space<semaphore_mem>>) src(%dma_wait3A_26 : memref<640x128xf32, #tpu.memory_space<vmem_shared>>) dst(%dma_wait3A_24 : memref<640x128xf32, #tpu.memory_space<hbm>>)
      tpu.yield
    }) : () -> ()
    return
  }
}

module attributes {stable_mosaic.version = 14 : i64} {
  func.func @_pre_body(%arg0: i32, %arg1: memref<2000x128xf32, #tpu.memory_space<vmem>>, %arg2: memref<128x128xf32, #tpu.memory_space<vmem>>, %arg3: memref<128x128xf32, #tpu.memory_space<vmem>>, %arg4: memref<2000x128xf32, #tpu.memory_space<vmem>>, %arg5: memref<2000x128xf32, #tpu.memory_space<vmem>>) attributes {dimension_semantics = [#tpu.dimension_semantics<arbitrary>], iteration_bounds = array<i64: 5>, scalar_prefetch = 0 : i64, scratch_operands = 0 : i64, tpu.core_type = #tpu.core_type<tc>, window_params = [{transform_indices = @transform_0, window_bounds = array<i64: 2000, 128>}, {pipeline_mode = #tpu.pipeline_mode<synchronous>, transform_indices = @transform_1, window_bounds = array<i64: 128, 128>}, {pipeline_mode = #tpu.pipeline_mode<synchronous>, transform_indices = @transform_2, window_bounds = array<i64: 128, 128>}, {transform_indices = @transform_3, window_bounds = array<i64: 2000, 128>}, {transform_indices = @transform_4, window_bounds = array<i64: 2000, 128>}]} {
    %get3A = arith.constant 0 : index
    %get3A_0 = arith.constant 0 : index
    %get3A_1 = vector.load %arg1[%get3A, %get3A_0] : memref<2000x128xf32, #tpu.memory_space<vmem>>, vector<2000x128xf32>
    %get3A_2 = arith.constant 0 : index
    %get3A_3 = arith.constant 0 : index
    %get3A_4 = vector.load %arg2[%get3A_2, %get3A_3] : memref<128x128xf32, #tpu.memory_space<vmem>>, vector<128x128xf32>
    %dot_general3A = arith.constant dense<0.000000e+00> : vector<2000x128xf32>
    %dot_general3A_5 = tpu.matmul %get3A_1, %get3A_4, %dot_general3A {dimension_numbers = #tpu.dot_dimension_numbers<[1], [0], [0], [1], [0, 0, 1, 1], [], []>, transpose_lhs_hint = false} : vector<2000x128xf32>, vector<128x128xf32>, vector<2000x128xf32> -> vector<2000x128xf32>
    %swap3A = arith.constant 0 : index
    %swap3A_6 = arith.constant 0 : index
    %swap3A_7 = vector.load %arg4[%swap3A, %swap3A_6] : memref<2000x128xf32, #tpu.memory_space<vmem>>, vector<2000x128xf32>
    tpu.vector_store %arg4[%swap3A, %swap3A_6], %dot_general3A_5 {strides = array<i32>} : memref<2000x128xf32, #tpu.memory_space<vmem>>, vector<2000x128xf32>,
    %get3A_8 = arith.constant 0 : index
    %get3A_9 = arith.constant 0 : index
    %get3A_10 = vector.load %arg3[%get3A_8, %get3A_9] : memref<128x128xf32, #tpu.memory_space<vmem>>, vector<128x128xf32>
    %dot_general3A_11 = arith.constant dense<0.000000e+00> : vector<2000x128xf32>
    %dot_general3A_12 = tpu.matmul %get3A_1, %get3A_10, %dot_general3A_11 {dimension_numbers = #tpu.dot_dimension_numbers<[1], [0], [0], [1], [0, 0, 1, 1], [], []>, transpose_lhs_hint = false} : vector<2000x128xf32>, vector<128x128xf32>, vector<2000x128xf32> -> vector<2000x128xf32>
    %swap3A_13 = arith.constant 0 : index
    %swap3A_14 = arith.constant 0 : index
    %swap3A_15 = vector.load %arg5[%swap3A_13, %swap3A_14] : memref<2000x128xf32, #tpu.memory_space<vmem>>, vector<2000x128xf32>
    tpu.vector_store %arg5[%swap3A_13, %swap3A_14], %dot_general3A_12 {strides = array<i32>} : memref<2000x128xf32, #tpu.memory_space<vmem>>, vector<2000x128xf32>,
    return
  }
  func.func @transform_0(%arg0: i32) -> (i32, i32) {
    %c0_i32 = arith.constant 0 : i32
    %c0_i32_0 = arith.constant 0 : i32
    return %arg0, %c0_i32 : i32, i32
  }
  func.func @transform_1(%arg0: i32) -> (i32, i32) {
    %c0_i32 = arith.constant 0 : i32
    %c0_i32_0 = arith.constant 0 : i32
    %c0_i32_1 = arith.constant 0 : i32
    return %c0_i32, %c0_i32_0 : i32, i32
  }
  func.func @transform_2(%arg0: i32) -> (i32, i32) {
    %c0_i32 = arith.constant 0 : i32
    %c0_i32_0 = arith.constant 0 : i32
    %c0_i32_1 = arith.constant 0 : i32
    return %c0_i32, %c0_i32_0 : i32, i32
  }
  func.func @transform_3(%arg0: i32) -> (i32, i32) {
    %c0_i32 = arith.constant 0 : i32
    %c0_i32_0 = arith.constant 0 : i32
    return %arg0, %c0_i32 : i32, i32
  }
  func.func @transform_4(%arg0: i32) -> (i32, i32) {
    %c0_i32 = arith.constant 0 : i32
    %c0_i32_0 = arith.constant 0 : i32
    return %arg0, %c0_i32 : i32, i32
  }
}

module attributes {stable_mosaic.version = 14 : i64} {
  func.func @_mid_body(%arg0: i32, %arg1: memref<2x2000x128xf32, #tpu.memory_space<vmem>>, %arg2: memref<2x2000x128xf32, #tpu.memory_space<vmem>>, %arg3: memref<2000x128xf32, #tpu.memory_space<vmem>>, %arg4: memref<1x128xf32, #tpu.memory_space<vmem>>, %arg5: memref<1x128xf32, #tpu.memory_space<vmem>>, %arg6: memref<1x128xf32, #tpu.memory_space<vmem>>, %arg7: memref<128x128xf32, #tpu.memory_space<vmem>>, %arg8: memref<128x128xf32, #tpu.memory_space<vmem>>, %arg9: memref<2000x128xf32, #tpu.memory_space<vmem>>, %arg10: memref<2000x128xf32, #tpu.memory_space<vmem>>) attributes {dimension_semantics = [#tpu.dimension_semantics<arbitrary>], iteration_bounds = array<i64: 5>, scalar_prefetch = 0 : i64, scratch_operands = 0 : i64, tpu.core_type = #tpu.core_type<tc>, window_params = [{transform_indices = @transform_0, window_bounds = array<i64: 2, 2000, 128>}, {transform_indices = @transform_1, window_bounds = array<i64: 2, 2000, 128>}, {transform_indices = @transform_2, window_bounds = array<i64: 2000, 128>}, {pipeline_mode = #tpu.pipeline_mode<synchronous>, transform_indices = @transform_3, window_bounds = array<i64: 1, 128>}, {pipeline_mode = #tpu.pipeline_mode<synchronous>, transform_indices = @transform_4, window_bounds = array<i64: 1, 128>}, {pipeline_mode = #tpu.pipeline_mode<synchronous>, transform_indices = @transform_5, window_bounds = array<i64: 1, 128>}, {pipeline_mode = #tpu.pipeline_mode<synchronous>, transform_indices = @transform_6, window_bounds = array<i64: 128, 128>}, {pipeline_mode = #tpu.pipeline_mode<synchronous>, transform_indices = @transform_7, window_bounds = array<i64: 128, 128>}, {transform_indices = @transform_8, window_bounds = array<i64: 2000, 128>}, {transform_indices = @transform_9, window_bounds = array<i64: 2000, 128>}]} {
    %get3A = arith.constant 0 : index
    %get3A_0 = arith.constant 0 : index
    %get3A_1 = arith.constant 0 : index
    %get3A_2 = vector.load %arg1[%get3A, %get3A_0, %get3A_1] : memref<2x2000x128xf32, #tpu.memory_space<vmem>>, vector<1x2000x128xf32>
    %get3A_3 = vector.shape_cast %get3A_2 : vector<1x2000x128xf32> to vector<2000x128xf32>
    %get3A_4 = arith.constant 1 : index
    %get3A_5 = arith.constant 0 : index
    %get3A_6 = arith.constant 0 : index
    %get3A_7 = vector.load %arg1[%get3A_4, %get3A_5, %get3A_6] : memref<2x2000x128xf32, #tpu.memory_space<vmem>>, vector<1x2000x128xf32>
    %get3A_8 = vector.shape_cast %get3A_7 : vector<1x2000x128xf32> to vector<2000x128xf32>
    %add3A = arith.addf %get3A_3, %get3A_8 : vector<2000x128xf32>
    %get3A_9 = arith.constant 0 : index
    %get3A_10 = arith.constant 0 : index
    %get3A_11 = arith.constant 0 : index
    %get3A_12 = vector.load %arg2[%get3A_9, %get3A_10, %get3A_11] : memref<2x2000x128xf32, #tpu.memory_space<vmem>>, vector<1x2000x128xf32>
    %get3A_13 = vector.shape_cast %get3A_12 : vector<1x2000x128xf32> to vector<2000x128xf32>
    %get3A_14 = arith.constant 1 : index
    %get3A_15 = arith.constant 0 : index
    %get3A_16 = arith.constant 0 : index
    %get3A_17 = vector.load %arg2[%get3A_14, %get3A_15, %get3A_16] : memref<2x2000x128xf32, #tpu.memory_space<vmem>>, vector<1x2000x128xf32>
    %get3A_18 = vector.shape_cast %get3A_17 : vector<1x2000x128xf32> to vector<2000x128xf32>
    %add3A_19 = arith.addf %get3A_13, %get3A_18 : vector<2000x128xf32>
    %max3A = arith.constant 1.000000e+00 : f32
    %max3A_20 = vector.broadcast %max3A : f32 to vector<2000x128xf32>
    %max3A_21 = arith.maximumf %add3A_19, %max3A_20 : vector<2000x128xf32>
    %div3A = arith.divf %add3A, %max3A_21 : vector<2000x128xf32>
    %get3A_22 = arith.constant 0 : index
    %get3A_23 = arith.constant 0 : index
    %get3A_24 = vector.load %arg4[%get3A_22, %get3A_23] : memref<1x128xf32, #tpu.memory_space<vmem>>, vector<1x128xf32>
    %add3A_25 = vector.broadcast %get3A_24 : vector<1x128xf32> to vector<2000x128xf32>
    %add3A_26 = arith.addf %div3A, %add3A_25 : vector<2000x128xf32>
    %get3A_27 = arith.constant 0 : index
    %get3A_28 = arith.constant 0 : index
    %get3A_29 = vector.load %arg3[%get3A_27, %get3A_28] : memref<2000x128xf32, #tpu.memory_space<vmem>>, vector<2000x128xf32>
    %add3A_30 = arith.addf %add3A_26, %get3A_29 : vector<2000x128xf32>
    %reduce_sum3A = arith.constant dense<0.000000e+00> : vector<2000xf32>
    %reduce_sum3A_31 = vector.multi_reduction <add>, %add3A_30, %reduce_sum3A [1] : vector<2000x128xf32> to vector<2000xf32>
    %broadcast_in_dim3A = vector.shape_cast %reduce_sum3A_31 : vector<2000xf32> to vector<2000x1xf32>
    %div3A_32 = arith.constant 1.280000e+02 : f32
    %div3A_33 = vector.broadcast %div3A_32 : f32 to vector<2000x1xf32>
    %div3A_34 = arith.divf %broadcast_in_dim3A, %div3A_33 : vector<2000x1xf32>
    %sub3A = vector.broadcast %div3A_34 : vector<2000x1xf32> to vector<2000x128xf32>
    %sub3A_35 = arith.subf %add3A_30, %sub3A : vector<2000x128xf32>
    %integer_pow3A = arith.mulf %sub3A_35, %sub3A_35 : vector<2000x128xf32>
    %reduce_sum3A_36 = arith.constant dense<0.000000e+00> : vector<2000xf32>
    %reduce_sum3A_37 = vector.multi_reduction <add>, %integer_pow3A, %reduce_sum3A_36 [1] : vector<2000x128xf32> to vector<2000xf32>
    %broadcast_in_dim3A_38 = vector.shape_cast %reduce_sum3A_37 : vector<2000xf32> to vector<2000x1xf32>
    %div3A_39 = arith.constant 1.280000e+02 : f32
    %div3A_40 = vector.broadcast %div3A_39 : f32 to vector<2000x1xf32>
    %div3A_41 = arith.divf %broadcast_in_dim3A_38, %div3A_40 : vector<2000x1xf32>
    %sub3A_42 = vector.broadcast %div3A_34 : vector<2000x1xf32> to vector<2000x128xf32>
    %sub3A_43 = arith.subf %add3A_30, %sub3A_42 : vector<2000x128xf32>
    %add3A_44 = arith.constant 9.99999974E-6 : f32
    %add3A_45 = vector.broadcast %add3A_44 : f32 to vector<2000x1xf32>
    %add3A_46 = arith.addf %div3A_41, %add3A_45 : vector<2000x1xf32>
    %rsqrt3A = math.rsqrt %add3A_46 : vector<2000x1xf32>
    %mul3A = vector.broadcast %rsqrt3A : vector<2000x1xf32> to vector<2000x128xf32>
    %mul3A_47 = arith.mulf %sub3A_43, %mul3A : vector<2000x128xf32>
    %get3A_48 = arith.constant 0 : index
    %get3A_49 = arith.constant 0 : index
    %get3A_50 = vector.load %arg5[%get3A_48, %get3A_49] : memref<1x128xf32, #tpu.memory_space<vmem>>, vector<1x128xf32>
    %mul3A_51 = vector.broadcast %get3A_50 : vector<1x128xf32> to vector<2000x128xf32>
    %mul3A_52 = arith.mulf %mul3A_47, %mul3A_51 : vector<2000x128xf32>
    %get3A_53 = arith.constant 0 : index
    %get3A_54 = arith.constant 0 : index
    %get3A_55 = vector.load %arg6[%get3A_53, %get3A_54] : memref<1x128xf32, #tpu.memory_space<vmem>>, vector<1x128xf32>
    %add3A_56 = vector.broadcast %get3A_55 : vector<1x128xf32> to vector<2000x128xf32>
    %add3A_57 = arith.addf %mul3A_52, %add3A_56 : vector<2000x128xf32>
    %max3A_58 = arith.constant 0.000000e+00 : f32
    %max3A_59 = vector.broadcast %max3A_58 : f32 to vector<2000x128xf32>
    %max3A_60 = arith.maximumf %add3A_57, %max3A_59 : vector<2000x128xf32>
    %get3A_61 = arith.constant 0 : index
    %get3A_62 = arith.constant 0 : index
    %get3A_63 = vector.load %arg7[%get3A_61, %get3A_62] : memref<128x128xf32, #tpu.memory_space<vmem>>, vector<128x128xf32>
    %dot_general3A = arith.constant dense<0.000000e+00> : vector<2000x128xf32>
    %dot_general3A_64 = tpu.matmul %max3A_60, %get3A_63, %dot_general3A {dimension_numbers = #tpu.dot_dimension_numbers<[1], [0], [0], [1], [0, 0, 1, 1], [], []>, transpose_lhs_hint = false} : vector<2000x128xf32>, vector<128x128xf32>, vector<2000x128xf32> -> vector<2000x128xf32>
    %swap3A = arith.constant 0 : index
    %swap3A_65 = arith.constant 0 : index
    %swap3A_66 = vector.load %arg9[%swap3A, %swap3A_65] : memref<2000x128xf32, #tpu.memory_space<vmem>>, vector<2000x128xf32>
    tpu.vector_store %arg9[%swap3A, %swap3A_65], %dot_general3A_64 {strides = array<i32>} : memref<2000x128xf32, #tpu.memory_space<vmem>>, vector<2000x128xf32>,
    %get3A_67 = arith.constant 0 : index
    %get3A_68 = arith.constant 0 : index
    %get3A_69 = vector.load %arg8[%get3A_67, %get3A_68] : memref<128x128xf32, #tpu.memory_space<vmem>>, vector<128x128xf32>
    %dot_general3A_70 = arith.constant dense<0.000000e+00> : vector<2000x128xf32>
    %dot_general3A_71 = tpu.matmul %max3A_60, %get3A_69, %dot_general3A_70 {dimension_numbers = #tpu.dot_dimension_numbers<[1], [0], [0], [1], [0, 0, 1, 1], [], []>, transpose_lhs_hint = false} : vector<2000x128xf32>, vector<128x128xf32>, vector<2000x128xf32> -> vector<2000x128xf32>
    %swap3A_72 = arith.constant 0 : index
    %swap3A_73 = arith.constant 0 : index
    %swap3A_74 = vector.load %arg10[%swap3A_72, %swap3A_73] : memref<2000x128xf32, #tpu.memory_space<vmem>>, vector<2000x128xf32>
    tpu.vector_store %arg10[%swap3A_72, %swap3A_73], %dot_general3A_71 {strides = array<i32>} : memref<2000x128xf32, #tpu.memory_space<vmem>>, vector<2000x128xf32>,
    return
  }
  func.func @transform_0(%arg0: i32) -> (i32, i32, i32) {
    %c0_i32 = arith.constant 0 : i32
    %c0_i32_0 = arith.constant 0 : i32
    %c0_i32_1 = arith.constant 0 : i32
    return %c0_i32, %arg0, %c0_i32_0 : i32, i32, i32
  }
  func.func @transform_1(%arg0: i32) -> (i32, i32, i32) {
    %c0_i32 = arith.constant 0 : i32
    %c0_i32_0 = arith.constant 0 : i32
    %c0_i32_1 = arith.constant 0 : i32
    return %c0_i32, %arg0, %c0_i32_0 : i32, i32, i32
  }
  func.func @transform_2(%arg0: i32) -> (i32, i32) {
    %c0_i32 = arith.constant 0 : i32
    %c0_i32_0 = arith.constant 0 : i32
    return %arg0, %c0_i32 : i32, i32
  }
  func.func @transform_3(%arg0: i32) -> (i32, i32) {
    %c0_i32 = arith.constant 0 : i32
    %c0_i32_0 = arith.constant 0 : i32
    %c0_i32_1 = arith.constant 0 : i32
    return %c0_i32, %c0_i32_0 : i32, i32
  }
  func.func @transform_4(%arg0: i32) -> (i32, i32) {
    %c0_i32 = arith.constant 0 : i32
    %c0_i32_0 = arith.constant 0 : i32
    %c0_i32_1 = arith.constant 0 : i32
    return %c0_i32, %c0_i32_0 : i32, i32
  }
  func.func @transform_5(%arg0: i32) -> (i32, i32) {
    %c0_i32 = arith.constant 0 : i32
    %c0_i32_0 = arith.constant 0 : i32
    %c0_i32_1 = arith.constant 0 : i32
    return %c0_i32, %c0_i32_0 : i32, i32
  }
  func.func @transform_6(%arg0: i32) -> (i32, i32) {
    %c0_i32 = arith.constant 0 : i32
    %c0_i32_0 = arith.constant 0 : i32
    %c0_i32_1 = arith.constant 0 : i32
    return %c0_i32, %c0_i32_0 : i32, i32
  }
  func.func @transform_7(%arg0: i32) -> (i32, i32) {
    %c0_i32 = arith.constant 0 : i32
    %c0_i32_0 = arith.constant 0 : i32
    %c0_i32_1 = arith.constant 0 : i32
    return %c0_i32, %c0_i32_0 : i32, i32
  }
  func.func @transform_8(%arg0: i32) -> (i32, i32) {
    %c0_i32 = arith.constant 0 : i32
    %c0_i32_0 = arith.constant 0 : i32
    return %arg0, %c0_i32 : i32, i32
  }
  func.func @transform_9(%arg0: i32) -> (i32, i32) {
    %c0_i32 = arith.constant 0 : i32
    %c0_i32_0 = arith.constant 0 : i32
    return %arg0, %c0_i32 : i32, i32
  }
}

module attributes {stable_mosaic.version = 14 : i64} {
  func.func @_mid_body(%arg0: i32, %arg1: memref<2x2000x128xf32, #tpu.memory_space<vmem>>, %arg2: memref<2x2000x128xf32, #tpu.memory_space<vmem>>, %arg3: memref<2000x128xf32, #tpu.memory_space<vmem>>, %arg4: memref<1x128xf32, #tpu.memory_space<vmem>>, %arg5: memref<1x128xf32, #tpu.memory_space<vmem>>, %arg6: memref<1x128xf32, #tpu.memory_space<vmem>>, %arg7: memref<128x128xf32, #tpu.memory_space<vmem>>, %arg8: memref<128x64xf32, #tpu.memory_space<vmem>>, %arg9: memref<2000x128xf32, #tpu.memory_space<vmem>>, %arg10: memref<2000x64xf32, #tpu.memory_space<vmem>>) attributes {dimension_semantics = [#tpu.dimension_semantics<arbitrary>], iteration_bounds = array<i64: 5>, scalar_prefetch = 0 : i64, scratch_operands = 0 : i64, tpu.core_type = #tpu.core_type<tc>, window_params = [{transform_indices = @transform_0, window_bounds = array<i64: 2, 2000, 128>}, {transform_indices = @transform_1, window_bounds = array<i64: 2, 2000, 128>}, {transform_indices = @transform_2, window_bounds = array<i64: 2000, 128>}, {pipeline_mode = #tpu.pipeline_mode<synchronous>, transform_indices = @transform_3, window_bounds = array<i64: 1, 128>}, {pipeline_mode = #tpu.pipeline_mode<synchronous>, transform_indices = @transform_4, window_bounds = array<i64: 1, 128>}, {pipeline_mode = #tpu.pipeline_mode<synchronous>, transform_indices = @transform_5, window_bounds = array<i64: 1, 128>}, {pipeline_mode = #tpu.pipeline_mode<synchronous>, transform_indices = @transform_6, window_bounds = array<i64: 128, 128>}, {pipeline_mode = #tpu.pipeline_mode<synchronous>, transform_indices = @transform_7, window_bounds = array<i64: 128, 64>}, {transform_indices = @transform_8, window_bounds = array<i64: 2000, 128>}, {transform_indices = @transform_9, window_bounds = array<i64: 2000, 64>}]} {
    %get3A = arith.constant 0 : index
    %get3A_0 = arith.constant 0 : index
    %get3A_1 = arith.constant 0 : index
    %get3A_2 = vector.load %arg1[%get3A, %get3A_0, %get3A_1] : memref<2x2000x128xf32, #tpu.memory_space<vmem>>, vector<1x2000x128xf32>
    %get3A_3 = vector.shape_cast %get3A_2 : vector<1x2000x128xf32> to vector<2000x128xf32>
    %get3A_4 = arith.constant 1 : index
    %get3A_5 = arith.constant 0 : index
    %get3A_6 = arith.constant 0 : index
    %get3A_7 = vector.load %arg1[%get3A_4, %get3A_5, %get3A_6] : memref<2x2000x128xf32, #tpu.memory_space<vmem>>, vector<1x2000x128xf32>
    %get3A_8 = vector.shape_cast %get3A_7 : vector<1x2000x128xf32> to vector<2000x128xf32>
    %add3A = arith.addf %get3A_3, %get3A_8 : vector<2000x128xf32>
    %get3A_9 = arith.constant 0 : index
    %get3A_10 = arith.constant 0 : index
    %get3A_11 = arith.constant 0 : index
    %get3A_12 = vector.load %arg2[%get3A_9, %get3A_10, %get3A_11] : memref<2x2000x128xf32, #tpu.memory_space<vmem>>, vector<1x2000x128xf32>
    %get3A_13 = vector.shape_cast %get3A_12 : vector<1x2000x128xf32> to vector<2000x128xf32>
    %get3A_14 = arith.constant 1 : index
    %get3A_15 = arith.constant 0 : index
    %get3A_16 = arith.constant 0 : index
    %get3A_17 = vector.load %arg2[%get3A_14, %get3A_15, %get3A_16] : memref<2x2000x128xf32, #tpu.memory_space<vmem>>, vector<1x2000x128xf32>
    %get3A_18 = vector.shape_cast %get3A_17 : vector<1x2000x128xf32> to vector<2000x128xf32>
    %add3A_19 = arith.addf %get3A_13, %get3A_18 : vector<2000x128xf32>
    %max3A = arith.constant 1.000000e+00 : f32
    %max3A_20 = vector.broadcast %max3A : f32 to vector<2000x128xf32>
    %max3A_21 = arith.maximumf %add3A_19, %max3A_20 : vector<2000x128xf32>
    %div3A = arith.divf %add3A, %max3A_21 : vector<2000x128xf32>
    %get3A_22 = arith.constant 0 : index
    %get3A_23 = arith.constant 0 : index
    %get3A_24 = vector.load %arg4[%get3A_22, %get3A_23] : memref<1x128xf32, #tpu.memory_space<vmem>>, vector<1x128xf32>
    %add3A_25 = vector.broadcast %get3A_24 : vector<1x128xf32> to vector<2000x128xf32>
    %add3A_26 = arith.addf %div3A, %add3A_25 : vector<2000x128xf32>
    %get3A_27 = arith.constant 0 : index
    %get3A_28 = arith.constant 0 : index
    %get3A_29 = vector.load %arg3[%get3A_27, %get3A_28] : memref<2000x128xf32, #tpu.memory_space<vmem>>, vector<2000x128xf32>
    %add3A_30 = arith.addf %add3A_26, %get3A_29 : vector<2000x128xf32>
    %reduce_sum3A = arith.constant dense<0.000000e+00> : vector<2000xf32>
    %reduce_sum3A_31 = vector.multi_reduction <add>, %add3A_30, %reduce_sum3A [1] : vector<2000x128xf32> to vector<2000xf32>
    %broadcast_in_dim3A = vector.shape_cast %reduce_sum3A_31 : vector<2000xf32> to vector<2000x1xf32>
    %div3A_32 = arith.constant 1.280000e+02 : f32
    %div3A_33 = vector.broadcast %div3A_32 : f32 to vector<2000x1xf32>
    %div3A_34 = arith.divf %broadcast_in_dim3A, %div3A_33 : vector<2000x1xf32>
    %sub3A = vector.broadcast %div3A_34 : vector<2000x1xf32> to vector<2000x128xf32>
    %sub3A_35 = arith.subf %add3A_30, %sub3A : vector<2000x128xf32>
    %integer_pow3A = arith.mulf %sub3A_35, %sub3A_35 : vector<2000x128xf32>
    %reduce_sum3A_36 = arith.constant dense<0.000000e+00> : vector<2000xf32>
    %reduce_sum3A_37 = vector.multi_reduction <add>, %integer_pow3A, %reduce_sum3A_36 [1] : vector<2000x128xf32> to vector<2000xf32>
    %broadcast_in_dim3A_38 = vector.shape_cast %reduce_sum3A_37 : vector<2000xf32> to vector<2000x1xf32>
    %div3A_39 = arith.constant 1.280000e+02 : f32
    %div3A_40 = vector.broadcast %div3A_39 : f32 to vector<2000x1xf32>
    %div3A_41 = arith.divf %broadcast_in_dim3A_38, %div3A_40 : vector<2000x1xf32>
    %sub3A_42 = vector.broadcast %div3A_34 : vector<2000x1xf32> to vector<2000x128xf32>
    %sub3A_43 = arith.subf %add3A_30, %sub3A_42 : vector<2000x128xf32>
    %add3A_44 = arith.constant 9.99999974E-6 : f32
    %add3A_45 = vector.broadcast %add3A_44 : f32 to vector<2000x1xf32>
    %add3A_46 = arith.addf %div3A_41, %add3A_45 : vector<2000x1xf32>
    %rsqrt3A = math.rsqrt %add3A_46 : vector<2000x1xf32>
    %mul3A = vector.broadcast %rsqrt3A : vector<2000x1xf32> to vector<2000x128xf32>
    %mul3A_47 = arith.mulf %sub3A_43, %mul3A : vector<2000x128xf32>
    %get3A_48 = arith.constant 0 : index
    %get3A_49 = arith.constant 0 : index
    %get3A_50 = vector.load %arg5[%get3A_48, %get3A_49] : memref<1x128xf32, #tpu.memory_space<vmem>>, vector<1x128xf32>
    %mul3A_51 = vector.broadcast %get3A_50 : vector<1x128xf32> to vector<2000x128xf32>
    %mul3A_52 = arith.mulf %mul3A_47, %mul3A_51 : vector<2000x128xf32>
    %get3A_53 = arith.constant 0 : index
    %get3A_54 = arith.constant 0 : index
    %get3A_55 = vector.load %arg6[%get3A_53, %get3A_54] : memref<1x128xf32, #tpu.memory_space<vmem>>, vector<1x128xf32>
    %add3A_56 = vector.broadcast %get3A_55 : vector<1x128xf32> to vector<2000x128xf32>
    %add3A_57 = arith.addf %mul3A_52, %add3A_56 : vector<2000x128xf32>
    %max3A_58 = arith.constant 0.000000e+00 : f32
    %max3A_59 = vector.broadcast %max3A_58 : f32 to vector<2000x128xf32>
    %max3A_60 = arith.maximumf %add3A_57, %max3A_59 : vector<2000x128xf32>
    %get3A_61 = arith.constant 0 : index
    %get3A_62 = arith.constant 0 : index
    %get3A_63 = vector.load %arg7[%get3A_61, %get3A_62] : memref<128x128xf32, #tpu.memory_space<vmem>>, vector<128x128xf32>
    %dot_general3A = arith.constant dense<0.000000e+00> : vector<2000x128xf32>
    %dot_general3A_64 = tpu.matmul %max3A_60, %get3A_63, %dot_general3A {dimension_numbers = #tpu.dot_dimension_numbers<[1], [0], [0], [1], [0, 0, 1, 1], [], []>, transpose_lhs_hint = false} : vector<2000x128xf32>, vector<128x128xf32>, vector<2000x128xf32> -> vector<2000x128xf32>
    %swap3A = arith.constant 0 : index
    %swap3A_65 = arith.constant 0 : index
    %swap3A_66 = vector.load %arg9[%swap3A, %swap3A_65] : memref<2000x128xf32, #tpu.memory_space<vmem>>, vector<2000x128xf32>
    tpu.vector_store %arg9[%swap3A, %swap3A_65], %dot_general3A_64 {strides = array<i32>} : memref<2000x128xf32, #tpu.memory_space<vmem>>, vector<2000x128xf32>,
    %get3A_67 = arith.constant 0 : index
    %get3A_68 = arith.constant 0 : index
    %get3A_69 = vector.load %arg8[%get3A_67, %get3A_68] : memref<128x64xf32, #tpu.memory_space<vmem>>, vector<128x64xf32>
    %dot_general3A_70 = arith.constant dense<0.000000e+00> : vector<2000x64xf32>
    %dot_general3A_71 = tpu.matmul %max3A_60, %get3A_69, %dot_general3A_70 {dimension_numbers = #tpu.dot_dimension_numbers<[1], [0], [0], [1], [0, 0, 1, 1], [], []>, transpose_lhs_hint = false} : vector<2000x128xf32>, vector<128x64xf32>, vector<2000x64xf32> -> vector<2000x64xf32>
    %swap3A_72 = arith.constant 0 : index
    %swap3A_73 = arith.constant 0 : index
    %swap3A_74 = vector.load %arg10[%swap3A_72, %swap3A_73] : memref<2000x64xf32, #tpu.memory_space<vmem>>, vector<2000x64xf32>
    tpu.vector_store %arg10[%swap3A_72, %swap3A_73], %dot_general3A_71 {strides = array<i32>} : memref<2000x64xf32, #tpu.memory_space<vmem>>, vector<2000x64xf32>,
    return
  }
  func.func @transform_0(%arg0: i32) -> (i32, i32, i32) {
    %c0_i32 = arith.constant 0 : i32
    %c0_i32_0 = arith.constant 0 : i32
    %c0_i32_1 = arith.constant 0 : i32
    return %c0_i32, %arg0, %c0_i32_0 : i32, i32, i32
  }
  func.func @transform_1(%arg0: i32) -> (i32, i32, i32) {
    %c0_i32 = arith.constant 0 : i32
    %c0_i32_0 = arith.constant 0 : i32
    %c0_i32_1 = arith.constant 0 : i32
    return %c0_i32, %arg0, %c0_i32_0 : i32, i32, i32
  }
  func.func @transform_2(%arg0: i32) -> (i32, i32) {
    %c0_i32 = arith.constant 0 : i32
    %c0_i32_0 = arith.constant 0 : i32
    return %arg0, %c0_i32 : i32, i32
  }
  func.func @transform_3(%arg0: i32) -> (i32, i32) {
    %c0_i32 = arith.constant 0 : i32
    %c0_i32_0 = arith.constant 0 : i32
    %c0_i32_1 = arith.constant 0 : i32
    return %c0_i32, %c0_i32_0 : i32, i32
  }
  func.func @transform_4(%arg0: i32) -> (i32, i32) {
    %c0_i32 = arith.constant 0 : i32
    %c0_i32_0 = arith.constant 0 : i32
    %c0_i32_1 = arith.constant 0 : i32
    return %c0_i32, %c0_i32_0 : i32, i32
  }
  func.func @transform_5(%arg0: i32) -> (i32, i32) {
    %c0_i32 = arith.constant 0 : i32
    %c0_i32_0 = arith.constant 0 : i32
    %c0_i32_1 = arith.constant 0 : i32
    return %c0_i32, %c0_i32_0 : i32, i32
  }
  func.func @transform_6(%arg0: i32) -> (i32, i32) {
    %c0_i32 = arith.constant 0 : i32
    %c0_i32_0 = arith.constant 0 : i32
    %c0_i32_1 = arith.constant 0 : i32
    return %c0_i32, %c0_i32_0 : i32, i32
  }
  func.func @transform_7(%arg0: i32) -> (i32, i32) {
    %c0_i32 = arith.constant 0 : i32
    %c0_i32_0 = arith.constant 0 : i32
    %c0_i32_1 = arith.constant 0 : i32
    return %c0_i32, %c0_i32_0 : i32, i32
  }
  func.func @transform_8(%arg0: i32) -> (i32, i32) {
    %c0_i32 = arith.constant 0 : i32
    %c0_i32_0 = arith.constant 0 : i32
    return %arg0, %c0_i32 : i32, i32
  }
  func.func @transform_9(%arg0: i32) -> (i32, i32) {
    %c0_i32 = arith.constant 0 : i32
    %c0_i32_0 = arith.constant 0 : i32
    return %arg0, %c0_i32 : i32, i32
  }
}

module attributes {stable_mosaic.version = 14 : i64} {
  func.func @_final_body(%arg0: i32, %arg1: memref<2x2000x128xf32, #tpu.memory_space<vmem>>, %arg2: memref<2x2000x128xf32, #tpu.memory_space<vmem>>, %arg3: memref<2000x64xf32, #tpu.memory_space<vmem>>, %arg4: memref<1x64xf32, #tpu.memory_space<vmem>>, %arg5: memref<1x64xf32, #tpu.memory_space<vmem>>, %arg6: memref<1x64xf32, #tpu.memory_space<vmem>>, %arg7: memref<2000x64xf32, #tpu.memory_space<vmem>>) attributes {dimension_semantics = [#tpu.dimension_semantics<arbitrary>], iteration_bounds = array<i64: 5>, scalar_prefetch = 0 : i64, scratch_operands = 0 : i64, tpu.core_type = #tpu.core_type<tc>, window_params = [{transform_indices = @transform_0, window_bounds = array<i64: 2, 2000, 128>}, {transform_indices = @transform_1, window_bounds = array<i64: 2, 2000, 128>}, {transform_indices = @transform_2, window_bounds = array<i64: 2000, 64>}, {pipeline_mode = #tpu.pipeline_mode<synchronous>, transform_indices = @transform_3, window_bounds = array<i64: 1, 64>}, {pipeline_mode = #tpu.pipeline_mode<synchronous>, transform_indices = @transform_4, window_bounds = array<i64: 1, 64>}, {pipeline_mode = #tpu.pipeline_mode<synchronous>, transform_indices = @transform_5, window_bounds = array<i64: 1, 64>}, {transform_indices = @transform_6, window_bounds = array<i64: 2000, 64>}]} {
    %get3A = arith.constant 0 : index
    %get3A_0 = arith.constant 0 : index
    %get3A_1 = arith.constant 0 : index
    %get3A_2 = vector.load %arg1[%get3A, %get3A_0, %get3A_1] : memref<2x2000x128xf32, #tpu.memory_space<vmem>>, vector<1x2000x128xf32>
    %get3A_3 = vector.shape_cast %get3A_2 : vector<1x2000x128xf32> to vector<2000x128xf32>
    %get3A_4 = arith.constant 1 : index
    %get3A_5 = arith.constant 0 : index
    %get3A_6 = arith.constant 0 : index
    %get3A_7 = vector.load %arg1[%get3A_4, %get3A_5, %get3A_6] : memref<2x2000x128xf32, #tpu.memory_space<vmem>>, vector<1x2000x128xf32>
    %get3A_8 = vector.shape_cast %get3A_7 : vector<1x2000x128xf32> to vector<2000x128xf32>
    %add3A = arith.addf %get3A_3, %get3A_8 : vector<2000x128xf32>
    %slice3A = vector.extract_strided_slice %add3A {offsets = [0, 0], sizes = [2000, 64], strides = [1, 1]} : vector<2000x128xf32> to vector<2000x64xf32>
    %get3A_9 = arith.constant 0 : index
    %get3A_10 = arith.constant 0 : index
    %get3A_11 = arith.constant 0 : index
    %get3A_12 = vector.load %arg2[%get3A_9, %get3A_10, %get3A_11] : memref<2x2000x128xf32, #tpu.memory_space<vmem>>, vector<1x2000x128xf32>
    %get3A_13 = vector.shape_cast %get3A_12 : vector<1x2000x128xf32> to vector<2000x128xf32>
    %get3A_14 = arith.constant 1 : index
    %get3A_15 = arith.constant 0 : index
    %get3A_16 = arith.constant 0 : index
    %get3A_17 = vector.load %arg2[%get3A_14, %get3A_15, %get3A_16] : memref<2x2000x128xf32, #tpu.memory_space<vmem>>, vector<1x2000x128xf32>
    %get3A_18 = vector.shape_cast %get3A_17 : vector<1x2000x128xf32> to vector<2000x128xf32>
    %add3A_19 = arith.addf %get3A_13, %get3A_18 : vector<2000x128xf32>
    %slice3A_20 = vector.extract_strided_slice %add3A_19 {offsets = [0, 0], sizes = [2000, 64], strides = [1, 1]} : vector<2000x128xf32> to vector<2000x64xf32>
    %max3A = arith.constant 1.000000e+00 : f32
    %max3A_21 = vector.broadcast %max3A : f32 to vector<2000x64xf32>
    %max3A_22 = arith.maximumf %slice3A_20, %max3A_21 : vector<2000x64xf32>
    %div3A = arith.divf %slice3A, %max3A_22 : vector<2000x64xf32>
    %get3A_23 = arith.constant 0 : index
    %get3A_24 = arith.constant 0 : index
    %get3A_25 = vector.load %arg4[%get3A_23, %get3A_24] : memref<1x64xf32, #tpu.memory_space<vmem>>, vector<1x64xf32>
    %add3A_26 = vector.broadcast %get3A_25 : vector<1x64xf32> to vector<2000x64xf32>
    %add3A_27 = arith.addf %div3A, %add3A_26 : vector<2000x64xf32>
    %get3A_28 = arith.constant 0 : index
    %get3A_29 = arith.constant 0 : index
    %get3A_30 = vector.load %arg3[%get3A_28, %get3A_29] : memref<2000x64xf32, #tpu.memory_space<vmem>>, vector<2000x64xf32>
    %add3A_31 = arith.addf %add3A_27, %get3A_30 : vector<2000x64xf32>
    %reduce_sum3A = arith.constant dense<0.000000e+00> : vector<2000xf32>
    %reduce_sum3A_32 = vector.multi_reduction <add>, %add3A_31, %reduce_sum3A [1] : vector<2000x64xf32> to vector<2000xf32>
    %broadcast_in_dim3A = vector.shape_cast %reduce_sum3A_32 : vector<2000xf32> to vector<2000x1xf32>
    %div3A_33 = arith.constant 6.400000e+01 : f32
    %div3A_34 = vector.broadcast %div3A_33 : f32 to vector<2000x1xf32>
    %div3A_35 = arith.divf %broadcast_in_dim3A, %div3A_34 : vector<2000x1xf32>
    %sub3A = vector.broadcast %div3A_35 : vector<2000x1xf32> to vector<2000x64xf32>
    %sub3A_36 = arith.subf %add3A_31, %sub3A : vector<2000x64xf32>
    %integer_pow3A = arith.mulf %sub3A_36, %sub3A_36 : vector<2000x64xf32>
    %reduce_sum3A_37 = arith.constant dense<0.000000e+00> : vector<2000xf32>
    %reduce_sum3A_38 = vector.multi_reduction <add>, %integer_pow3A, %reduce_sum3A_37 [1] : vector<2000x64xf32> to vector<2000xf32>
    %broadcast_in_dim3A_39 = vector.shape_cast %reduce_sum3A_38 : vector<2000xf32> to vector<2000x1xf32>
    %div3A_40 = arith.constant 6.400000e+01 : f32
    %div3A_41 = vector.broadcast %div3A_40 : f32 to vector<2000x1xf32>
    %div3A_42 = arith.divf %broadcast_in_dim3A_39, %div3A_41 : vector<2000x1xf32>
    %sub3A_43 = vector.broadcast %div3A_35 : vector<2000x1xf32> to vector<2000x64xf32>
    %sub3A_44 = arith.subf %add3A_31, %sub3A_43 : vector<2000x64xf32>
    %add3A_45 = arith.constant 9.99999974E-6 : f32
    %add3A_46 = vector.broadcast %add3A_45 : f32 to vector<2000x1xf32>
    %add3A_47 = arith.addf %div3A_42, %add3A_46 : vector<2000x1xf32>
    %rsqrt3A = math.rsqrt %add3A_47 : vector<2000x1xf32>
    %mul3A = vector.broadcast %rsqrt3A : vector<2000x1xf32> to vector<2000x64xf32>
    %mul3A_48 = arith.mulf %sub3A_44, %mul3A : vector<2000x64xf32>
    %get3A_49 = arith.constant 0 : index
    %get3A_50 = arith.constant 0 : index
    %get3A_51 = vector.load %arg5[%get3A_49, %get3A_50] : memref<1x64xf32, #tpu.memory_space<vmem>>, vector<1x64xf32>
    %mul3A_52 = vector.broadcast %get3A_51 : vector<1x64xf32> to vector<2000x64xf32>
    %mul3A_53 = arith.mulf %mul3A_48, %mul3A_52 : vector<2000x64xf32>
    %get3A_54 = arith.constant 0 : index
    %get3A_55 = arith.constant 0 : index
    %get3A_56 = vector.load %arg6[%get3A_54, %get3A_55] : memref<1x64xf32, #tpu.memory_space<vmem>>, vector<1x64xf32>
    %add3A_57 = vector.broadcast %get3A_56 : vector<1x64xf32> to vector<2000x64xf32>
    %add3A_58 = arith.addf %mul3A_53, %add3A_57 : vector<2000x64xf32>
    %max3A_59 = arith.constant 0.000000e+00 : f32
    %max3A_60 = vector.broadcast %max3A_59 : f32 to vector<2000x64xf32>
    %max3A_61 = arith.maximumf %add3A_58, %max3A_60 : vector<2000x64xf32>
    %swap3A = arith.constant 0 : index
    %swap3A_62 = arith.constant 0 : index
    %swap3A_63 = vector.load %arg7[%swap3A, %swap3A_62] : memref<2000x64xf32, #tpu.memory_space<vmem>>, vector<2000x64xf32>
    tpu.vector_store %arg7[%swap3A, %swap3A_62], %max3A_61 {strides = array<i32>} : memref<2000x64xf32, #tpu.memory_space<vmem>>, vector<2000x64xf32>,
    return
  }
  func.func @transform_0(%arg0: i32) -> (i32, i32, i32) {
    %c0_i32 = arith.constant 0 : i32
    %c0_i32_0 = arith.constant 0 : i32
    %c0_i32_1 = arith.constant 0 : i32
    return %c0_i32, %arg0, %c0_i32_0 : i32, i32, i32
  }
  func.func @transform_1(%arg0: i32) -> (i32, i32, i32) {
    %c0_i32 = arith.constant 0 : i32
    %c0_i32_0 = arith.constant 0 : i32
    %c0_i32_1 = arith.constant 0 : i32
    return %c0_i32, %arg0, %c0_i32_0 : i32, i32, i32
  }
  func.func @transform_2(%arg0: i32) -> (i32, i32) {
    %c0_i32 = arith.constant 0 : i32
    %c0_i32_0 = arith.constant 0 : i32
    return %arg0, %c0_i32 : i32, i32
  }
  func.func @transform_3(%arg0: i32) -> (i32, i32) {
    %c0_i32 = arith.constant 0 : i32
    %c0_i32_0 = arith.constant 0 : i32
    %c0_i32_1 = arith.constant 0 : i32
    return %c0_i32, %c0_i32_0 : i32, i32
  }
  func.func @transform_4(%arg0: i32) -> (i32, i32) {
    %c0_i32 = arith.constant 0 : i32
    %c0_i32_0 = arith.constant 0 : i32
    %c0_i32_1 = arith.constant 0 : i32
    return %c0_i32, %c0_i32_0 : i32, i32
  }
  func.func @transform_5(%arg0: i32) -> (i32, i32) {
    %c0_i32 = arith.constant 0 : i32
    %c0_i32_0 = arith.constant 0 : i32
    %c0_i32_1 = arith.constant 0 : i32
    return %c0_i32, %c0_i32_0 : i32, i32
  }
  func.func @transform_6(%arg0: i32) -> (i32, i32) {
    %c0_i32 = arith.constant 0 : i32
    %c0_i32_0 = arith.constant 0 : i32
    return %arg0, %c0_i32 : i32, i32
  }
}

</mosaic_0001>

<sc_bundles>
// kernel: kernel.10.cloned.1.call-start
scs
__scs_entry_jumppad:
0x0: {  	(pc) =	sbr.rel $0x88, $3  }
0x1: {  	(tag) =	ssettag $0x0;
	lr =	simm.s32 $0x1  }
0x2: {  	[smem:$0x3F8D] =	sst lr;
	_ =	strace $0xD0000000  }
0x3: {  	_ = 	snop  }
0x4: {  	_ = 	snop  }
0x5: {  	_ = 	snop  }
0x6: {  	_ = 	snop  }
0x7: {  	_ = 	snop  }
__scs_overlays_trampoline_lowered:
0x8: {  	[smem:$0x3F9C] =	sst s0  }
0x9: {  	[smem:$0x3F9D] =	sst s1  }
0xa: {  	[smem:$0x3F9E] =	sst s2  }
0xb: {  	[smem:$0x3F9F] =	sst s3  }
0xc: {  	[smem:$0x3FA0] =	sst s4  }
0xd: {  	[smem:$0x3FA1] =	sst s5  }
0xe: {  	[smem:$0x3FA2] =	sst s6  }
0xf: {  	[smem:$0x3FA3] =	sst s7  }
0x10: {  	[smem:$0x3FA4] =	sst s8  }
0x11: {  	[smem:$0x3FA5] =	sst s9;
	s0 =	simm.s32 @!p0 $0x0  }
0x12: {  	s1 =	sld [smem:$0x3F8B];
	s0 =	simm.s32 @p0 $0x1  }
0x13: {  	[smem:$0x3FA6] =	sst s0;
	s0 =	simm.s32 @!p1 $0x0  }
0x14: {  	s2 =	sld [smem:$0x3F8A];
	s0 =	simm.s32 @p1 $0x1  }
0x15: {  	[smem:$0x3FA7] =	sst s0;
	s0 =	simm.s32 @!p2 $0x0  }
0x16: {  	s3 =	sld [smem:$0x3FDB];
	s0 =	simm.s32 @p2 $0x1  }
0x17: {  	s4 =	simm.s32 $0x1BF5;
	[smem:$0x3FA9] =	sst s0  }
0x18: {  	s0 =	sld [smem:$0x3F8C];
	_ =	swait.ge [sflag:s4], $0x0  }
0x19: {  	s7 =	sld [smem:$0x3F8D]  }
0x1a: {  	s8 =	sadd.s32 $0xFFFFE003, lr  }
0x1b: {  	s9 =	sadd.s32 $0xFFFFFEF7, lr;
	s5 =	simm.s32 $0xFFFFFFFF;
	p2 =	slt.u32 s8, $0xFFFFF086  }
0x1c: {  	p1 =	slt.u32 s9, $0xF7A;
	s5 =	simm.s32 @!p2 $0x0  }
0x1d: {  	s5 =	simm.s32 @p1 $0x1;
	p0 =	seq.s32 s7, s2  }
0x1e: {  	s7 =	smul.u32 @!p0 $0xF7A, s2;
	p2 =	seq.s32 @!p0 s5, $0x0  }
0x1f: {  	s9 =	smul.u32 $0xF7A, s1;
	s8 =	simm.s32 @!p0 $0x1BF5;
	p2 =	por !p2, p0  }
0x20: {  	[sflag:s8] =	ssyncset.s32 @!p0 $0xFFFFF086;
	s6 =	sadd.s32 @!p0 s3, s7;
	s7 =	simm.s32 @!p0 $0x108  }
0x21: {  	s3 =	sadd.s32 s3, s9;
	s6 =	sadd.s32 @!p0 $0x88, s6;
	s7 =	simm.s32 @p2 $0x1082  }
0x22: {  	[simem:s7], [sflag:s8] =	dma.local @!p0 [hbm:s6], $0xF7A  }
0x23: {  	s9 =	sor.u32 $0xD0000000, s2;
	s6 =	simm.s32 $0x108;
	_ =	swait.ge @!p0 [sflag:s8], $0x0  }
0x24: {  	s3 =	sadd.s32 $0x88, s3;
	s6 =	simm.s32 @!p1 $0x1082;
	[sflag:s4] =	ssyncset.s32 $0xFFFFF086  }
0x25: {  	[simem:s6], [sflag:s4] =	dma.local [hbm:s3], $0xF7A  }
0x26: {  	[smem:$0x3F8D] =	sst s1;
	(tag) =	ssettag s2;
	_ =	strace s9  }
0x27: {  	s1 =	sld [smem:$0x3F9D]  }
0x28: {  	s2 =	sld [smem:$0x3F9E]  }
0x29: {  	s4 =	sld [smem:$0x3FA0]  }
0x2a: {  	p0 =	seq.s32 s5, $0x0;
	s5 =	sld [smem:$0x3FA1]  }
0x2b: {  	s6 =	sld [smem:$0x3FA2]  }
0x2c: {  	s7 =	sld [smem:$0x3FA3]  }
0x2d: {  	s3 =	simm.s32 $0x108;
	s8 =	sld [smem:$0x3FA4]  }
0x2e: {  	s3 =	simm.s32 @!p0 $0x1082;
	s9 =	sld [smem:$0x3FA5]  }
0x2f: {  	lr =	sadd.s32 s0, s3;
	s0 =	sld [smem:$0x3F9C]  }
0x30: {  	s3 =	sld [smem:$0x3F9F]  }
0x31: {  	[smem:$0x3FA8] =	sst s10  }
0x32: {  	s10 =	sld [smem:$0x3FA6];
	_ =	sdelay $0x3  }
0x33: {  	p0 =	seq.s32 s10, $0x1;
	s10 =	sld [smem:$0x3FA8];
	_ =	sdelay $0x3  }
0x34: {  	[smem:$0x3FA8] =	sst s10  }
0x35: {  	s10 =	sld [smem:$0x3FA7];
	_ =	sdelay $0x3  }
0x36: {  	p1 =	seq.s32 s10, $0x1;
	s10 =	sld [smem:$0x3FA8];
	_ =	sdelay $0x3  }
0x37: {  	[smem:$0x3FA8] =	sst s10  }
0x38: {  	s10 =	sld [smem:$0x3FA9]  }
0x39: {  	_ = 	snop;
	(pc) =	sbr.ind lr, $3  }
0x3a: {  	_ = 	snop  }
0x3b: {  	_ = 	snop  }
0x3c: {  	p2 =	seq.s32 s10, $0x1;
	s10 =	sld [smem:$0x3FA8]  }
0x3d: {  	_ =	shalt  }
0x3e: {  	_ =	shalt  }
0x3f: {  	_ =	shalt  }
0x40: {  	_ =	shalt  }
0x41: {  	_ =	shalt  }
0x42: {  	_ =	shalt  }
0x43: {  	_ =	shalt  }
0x44: {  	_ =	shalt  }
0x45: {  	_ =	shalt  }
0x46: {  	_ =	shalt  }
0x47: {  	_ =	shalt  }
0x48: {  	_ =	shalt  }
0x49: {  	_ =	shalt  }
0x4a: {  	_ =	shalt  }
0x4b: {  	_ =	shalt  }
0x4c: {  	_ =	shalt  }
0x4d: {  	_ =	shalt  }
0x4e: {  	_ =	shalt  }
0x4f: {  	_ =	shalt  }
0x50: {  	_ =	shalt  }
0x51: {  	_ =	shalt  }
0x52: {  	_ =	shalt  }
0x53: {  	_ =	shalt  }
0x54: {  	_ =	shalt  }
0x55: {  	_ =	shalt  }
0x56: {  	_ =	shalt  }
0x57: {  	_ =	shalt  }
0x58: {  	_ =	shalt  }
0x59: {  	_ =	shalt  }
0x5a: {  	_ =	shalt  }
0x5b: {  	_ =	shalt  }
0x5c: {  	_ =	shalt  }
0x5d: {  	_ =	shalt  }
0x5e: {  	_ =	shalt  }
0x5f: {  	_ =	shalt  }
0x60: {  	_ =	shalt  }
0x61: {  	_ =	shalt  }
0x62: {  	_ =	shalt  }
0x63: {  	_ =	shalt  }
0x64: {  	_ =	shalt  }
0x65: {  	_ =	shalt  }
0x66: {  	_ =	shalt  }
0x67: {  	_ =	shalt  }
0x68: {  	_ =	shalt  }
0x69: {  	_ =	shalt  }
0x6a: {  	_ =	shalt  }
0x6b: {  	_ =	shalt  }
0x6c: {  	_ =	shalt  }
0x6d: {  	_ =	shalt  }
0x6e: {  	_ =	shalt  }
0x6f: {  	_ =	shalt  }
0x70: {  	_ =	shalt  }
0x71: {  	_ =	shalt  }
0x72: {  	_ =	shalt  }
0x73: {  	_ =	shalt  }
0x74: {  	_ =	shalt  }
0x75: {  	_ =	shalt  }
0x76: {  	_ =	shalt  }
0x77: {  	_ =	shalt  }
0x78: {  	_ =	shalt  }
0x79: {  	_ =	shalt  }
0x7a: {  	_ =	shalt  }
0x7b: {  	_ =	shalt  }
0x7c: {  	_ =	shalt  }
0x7d: {  	_ =	shalt  }
0x7e: {  	_ =	shalt  }
0x7f: {  	_ =	shalt  }
0x80: {  	_ =	shalt  }
0x81: {  	_ =	shalt  }
0x82: {  	_ =	shalt  }
0x83: {  	_ =	shalt  }
0x84: {  	_ =	shalt  }
0x85: {  	_ =	shalt  }
0x86: {  	_ =	shalt  }
0x87: {  	_ =	shalt  }
.Lfunc_end0:
.L_simem_size_0:
called_computation_lowered:
.L_overlay_start_0:
0x88: {  	s2 =	sld [smem:$0x3FD9]  }
0x89: {  	s3 =	sld [smem:$0x3FFE];
	_ =	sdelay $0x1  }
0x8a: {  	s1 =	srdreg.scid  }
0x8b: {  	s0 =	sand.u32 $0x1, s1  }
0x8c: {  	s17 =	sshll.u32 s0, $0xA;
	s2 =	sadd.s32 s3, s2  }
0x8d: {  	s2 =	sadd.s32 s2, s17  }
0x8e: {  	[smem:$0x3FB4] =	sst s2  }
0x8f: {  	_ = 	snop  }
0x90: {  	s18 =	sld [smem:$0x3FD0];
	(tm) =	ssettm $0x1  }
0x91: {  	s19 =	sld [smem:$0x3FFB];
	_ =	sdelay $0x3  }
0x92: {  	_ =	strace s19  }
0x93: {  	s2 =	sld [smem:$0x3FFC];
	_ =	sdelay $0x3  }
0x94: {  	_ =	strace s2  }
0x95: {  	s2 =	sld [smem:$0x3FFD];
	_ =	sdelay $0x3  }
0x96: {  	_ =	strace s2  }
0x97: {  	_ =	strace $0x8FFFFFFF  }
0x98: {  	s20 =	sld [smem:$0x3FDB];
	_ =	sdelay $0x1  }
0x99: {  	s4 =	simm.s32 $_scs_section_size  }
0x9a: {  	s5 =	simm.s32 $_size__tile_overlayer_lowered;
	s6 =	simm.s32 $_tile_overlayer_lowered  }
0x9b: {  	s7 =	simm.s32 $0x1BFF;
	s21 =	sshll.u32 s6, $0x1;
	s4 =	sadd.s32 s4, s20  }
0x9c: {  	s22 =	simm.s32 $0x0;
	s5 =	sshll.u32 s5, $0x1;
	s6 =	sadd.s32 s21, s4  }
0x9d: {  	[timem:s22], [sflag:s7] =	dma.local [hbm:s6], s5  }
0x9e: {  	_ =	swait.ge [sflag:s7], s5  }
0x9f: {  	s5 =	ssub.s32 $0x0, s5;
	[sflag:s7] =	ssyncset.done $0x0  }
0xa0: {  	[sflag:s7] =	ssyncadd.s32 s5;
	_ =	sdelay $0x1  }
0xa1: {  	s23 =	simm.s32 $0x1B8B  }
0xa2: {  	_ =	swait.ge [sflag:s23], $0x1  }
0xa3: {  	[sflag:s23] =	ssyncset.done $0x0  }
0xa4: {  	[sflag:s23] =	ssyncadd.s32 $0xFFFFFFFF  }
0xa5: {  	s5 =	sld [smem:$0x0]  }
0xa6: {  	s6 =	sand.u32 $0xFFFFFFFE, s1  }
0xa7: {  	p0 =	sne.s32 s1, s6  }
0xa8: {  	s6 =	sshll.u32 @p0 s6, $0xE  }
0xa9: {  	s6 =	sadd.s32 @p0 $0x11B8D, s6;
	s7 =	sshll.u32 @p0 s5, $0x11  }
0xaa: {  	s6 =	sor.u32 @p0 s7, s6  }
0xab: {  	[sflag:s6] =	ssyncadd.remote.s32 @p0 $0x1;
	_ =	sdelay $0x1  }
0xac: {  	s6 =	simm.s32 @p0 $0x1B8D  }
0xad: {  	_ =	swait.eq @p0 [sflag:s6], $0x1  }
0xae: {  	[sflag:s6] =	ssyncadd.s32 @p0 $0xFFFFFFFF  }
0xaf: {  	s7 =	sshll.u32 @!p0 s1, $0xE  }
0xb0: {  	s7 =	sor.u32 @!p0 $0x4000, s7;
	s6 =	simm.s32 @!p0 $0x1B8D  }
0xb1: {  	s5 =	sshll.u32 @!p0 s5, $0x11;
	s7 =	sadd.s32 @!p0 $0x11B8D, s7;
	_ =	swait.eq @!p0 [sflag:s6], $0x1  }
0xb2: {  	s5 =	sor.u32 @!p0 s5, s7;
	[sflag:s6] =	ssyncadd.s32 @!p0 $0xFFFFFFFF  }
0xb3: {  	s25 =	simm.s32 $0x1B8E;
	s24 =	sld [smem:$0x3FFE];
	[sflag:s5] =	ssyncadd.remote.s32 @!p0 $0x1  }
0xb4: {  	s26 =	simm.s32 $execute0_lowered;
	[smem:$0x3FD2] =	sst s25  }
0xb5: {  	s6 =	sshll.u32 s26, $0x1;
	_ =	strace $0x80000049;
	[dreg:$0x1] =	wrdreg $0xFFFFFFFF  }
0xb6: {  	s28 =	simm.s32 $_size_execute0_lowered;
	s4 =	sadd.s32 s4, s6;
	[dreg:$0x0] =	wrdreg $0x0  }
0xb7: {  	s6 =	sshll.u32 s28, $0x1;
	[dreg:$0x2] =	wrdreg s4  }
0xb8: {  	[dreg:$0x3] =	wrdreg s6  }
0xb9: {  	[dreg:$0x4] =	wrdreg $0xC0  }
0xba: {  	_ =	task [dreg:s22], $0x5FFFF  }
0xbb: {  	[dreg:$0x1] =	wrdreg $0xFFFFFFFF  }
0xbc: {  	[dreg:$0x0] =	wrdreg $0x60  }
0xbd: {  	[dreg:$0x2] =	wrdreg s18  }
0xbe: {  	[dreg:$0x3] =	wrdreg s24  }
0xbf: {  	[dreg:$0x4] =	wrdreg $0x29000  }
0xc0: {  	[dreg:$0x5] =	wrdreg $0x9  }
0xc1: {  	_ =	task.clear_ibuf [dreg:s22], $0x6FFFF;
	_ =	strace $0x90000049  }
0xc2: {  	s29 =	simm.s32 $0x9;
	_ =	strace $0x8000004B  }
0xc3: {  	_ =	swait.ge [sflag:s29], $0x1  }
0xc4: {  	[sflag:s29] =	ssyncadd.s32 $0xFFFFFFFF  }
0xc5: {  	_ =	strace $0x9000004B  }
0xc6: {  	_ =	sfence  }
0xc7: {  	s30 =	sld [smem:$0x0];
	_ =	sdelay $0x2  }
0xc8: {  	s31 =	sshll.u32 s1, $0xD;
	s1 =	sshrl.u32 s1, $0x2  }
0xc9: {  	s4 =	sand.u32 $0x4000, s31;
	s1 =	sadd.s32 s1, s30  }
0xca: {  	s0 =	sor.u32 s4, s0;
	s1 =	sshll.u32 s1, $0x11  }
0xcb: {  	s0 =	sor.u32 s1, s0  }
0xcc: {  	s0 =	sadd.s32 $0x8F2B, s0  }
0xcd: {  	[sflag:s0] =	ssyncadd.remote.s32 $0x1  }
0xce: {  	_ =	sfence.sel $0xFFFF  }
0xcf: {  	[dreg:$0x0] =	wrdreg $0xFFFFFFFF;
	(pc) =	sbr.abs _section_cstart, $3  }
0xd0: {  	[dreg:$0x1] =	wrdreg $0xFFFFFFFF  }
0xd1: {  	_ =	task.clear_ibuf [dreg:s22], $0x2FFFF;
	_ =	strace $0x9FFFFFFF  }
0xd2: {  	(tm) =	ssettm $0x7FFFFFFF  }
0xd3: {  	_ =	shalt  }
tec
execute0_lowered:
.L_overlay_start_1:
0x0: {  	(tag) =	ssettag $0x1  }
0x1: {  	s1 =	rddreg [dreg:$0x0]  }
0x2: {  	s6 =	rddreg [dreg:$0x1];
	s0 =	stileid.u32  }
0x3: {  	s2 =	srdreg.scid;
	s3 =	rddreg [dreg:$0x2]  }
0x4: {  	s4 =	simm.s32 $0x0;
	s15 =	simm.s32 $0x100;
	s16 =	simm.s32 $0x80  }
0x5: {  	s17 =	simm.s32 $0x50;
	s18 =	simm.s32 $0x0;
	s5 =	smul.u32 $0x14000, s0  }
0x6: {  	s7 =	sand.u32 $0x1, s2;
	s2 =	rddreg [dreg:$0x3];
	s28 =	smul.u32 $0x50000, s0  }
0x7: {  	[smem:$0x7FF] =	sst s4;
	s13 =	smul.u32 $0x2710, s0;
	s30 =	sshll.u32 s0, $0x6  }
0x8: {  	s8 =	smul.u32 $0x140000, s7;
	_ =	strace $0x8000004A;
	s26 =	ssub.s32 $0x2, s7  }
0x9: {  	s12 =	sshll.u32 s7, $0x4;
	s7 =	smul.u32 $0x27100, s7;
	s9 =	sshrl.u32 s5, $0x3  }
0xa: {  	s11 =	sshrl.u32 s26, $0x1;
	s12 =	sor.u32 s0, s12;
	s8 =	sadd.s32 s5, s8  }
0xb: {  	s9 =	sadd.s32 s9, s6;
	s5 =	sadd.s32 $0xACC00, s6;
	s11 =	ssub.s32 s26, s11  }
0xc: {  	s29 =	smul.u32 $0x2710, s12;
	s31 =	sadd.s32 s13, s7;
	s8 =	sshrl.u32 s8, $0x3  }
0xd: {  	s7 =	sor.u32 $0x1C01, s30;
	s13 =	sadd.s32 $0x50, s31;
	s10 =	sadd.s32 s8, s6  }
0xe: {  	s8 =	sshrl.u32 s28, $0x2;
	s6 =	sadd.s32 $0x34C00, s9;
	s13 =	sshrl.u32 s13, $0x3  }
0xf: {  	s14 =	sadd.s32 s8, s3;
	s8 =	sshrl.u32 s29, $0x3;
	s9 =	sadd.s32 $0xAD200, s10  }
0x10: {  	s10 =	smax.u32 s11, $0x1;
	s11 =	sadd.s32 $0xA0, s31;
	s12 =	sadd.s32 s13, s1  }
0x11: {  	s8 =	sadd.s32 s1, s8;
	s13 =	sshrl.u32 s14, $0x3;
	s14 =	simm.s32 $0x1  }
.LBB2_1:
0x12: {  	[spmem:s13], [sflag:s7] =	dma.local [hbm:s6], $0x2800  }
0x13: {  	_ =	swait.ge [sflag:s14], $0x2800  }
0x14: {  	[sflag:s14] =	ssyncset.done $0x0  }
0x15: {  	[sflag:s14] =	ssyncadd.s32 $0xFFFFD800  }
0x16: {  	[tilespmem:s15], [sflag:$0x1] =	stream.linear.gather [hbm4b:s5+s4], $0x2800, $0x38;
	[tilespmem:$0x16900] =	vst v63  }
0x17: {  	_ =	swait.ge [sflag:s14], $0x2800  }
0x18: {  	[sflag:s14] =	ssyncset.done $0x0  }
0x19: {  	[sflag:s14] =	ssyncadd.s32 $0xFFFFD800  }
0x1a: {  	[bflag:$0x0] =	sbarrier.arrive $0xFFFF  }
0x1b: {  	[tilespmem:s4], [sflag:$0x1] =	stream.linear.gather [hbm4b:s8+s4], $0x50, $0x38;
	[tilespmem:$0x16900] =	vst v63  }
0x1c: {  	_ =	swait.ge [sflag:s14], $0x50  }
0x1d: {  	[sflag:s14] =	ssyncset.done $0x0  }
0x1e: {  	s19 =	sadd.s32 $0x0, s12;
	[sflag:s14] =	ssyncadd.s32 $0xFFFFFFB0  }
0x1f: {  	[tilespmem:s16], [sflag:$0x1] =	stream.linear.gather [hbm4b:s19+s4], $0x50, $0x38;
	[tilespmem:$0x16900] =	vst v63  }
0x20: {  	_ =	swait.ge [sflag:s14], $0x50  }
0x21: {  	[sflag:s14] =	ssyncset.done $0x0  }
0x22: {  	[sflag:s14] =	ssyncadd.s32 $0xFFFFFFB0  }
0x23: {  	[spmem:s3] =	stream.indirect.scatter.add.f32 [tilespmem:s15], [sflag:$0x1], $0x80, s4, s17, $0xb8;
	[tilespmem:$0x16900] =	vst v63  }
0x24: {  	_ =	swait.ge [sflag:s14], $0x2800  }
0x25: {  	s31 =	sshrl.u32 s11, $0x3;
	[sflag:s14] =	ssyncset.done $0x0  }
0x26: {  	s19 =	sadd.s32 s1, s31;
	[sflag:s14] =	ssyncadd.s32 $0xFFFFD800  }
0x27: {  	[tilespmem:s4], [sflag:$0x1] =	stream.linear.gather [hbm4b:s19+s4], $0x50, $0x38;
	[tilespmem:$0x16900] =	vst v63  }
0x28: {  	_ =	swait.ge [sflag:s14], $0x50  }
0x29: {  	[sflag:s14] =	ssyncset.done $0x0  }
0x2a: {  	[sflag:s14] =	ssyncadd.s32 $0xFFFFFFB0  }
0x2b: {  	[spmem:s3] =	stream.indirect.scatter.add.f32 [tilespmem:s15], [sflag:$0x1], $0x80, s16, s17, $0xb8;
	[tilespmem:$0x16900] =	vst v63  }
0x2c: {  	s20 =	simm.s32 $0x14;
	_ =	swait.ge [sflag:s14], $0x2800  }
0x2d: {  	s21 =	simm.s32 $0x28;
	s19 =	sadd.s32 $0xA0, s11;
	[sflag:s14] =	ssyncset.done $0x0  }
.LBB2_2:
0x2e: {  	s22 =	sadd.s32 s20, s12  }
0x2f: {  	[sflag:s14] =	ssyncadd.s32 $0xFFFFD800;
	s20 =	smov.u32 s21;
	s23 =	sadd.s32 $0x14, s21  }
0x30: {  	[tilespmem:s16], [sflag:$0x1] =	stream.linear.gather [hbm4b:s22+s4], $0x50, $0x38;
	[tilespmem:$0x16900] =	vst v63  }
0x31: {  	p0 =	sne.s32 s21, $0x4C4;
	_ =	swait.ge [sflag:s14], $0x50  }
0x32: {  	[sflag:s14] =	ssyncset.done $0x0  }
0x33: {  	[sflag:s14] =	ssyncadd.s32 $0xFFFFFFB0  }
0x34: {  	[spmem:s3] =	stream.indirect.scatter.add.f32 [tilespmem:s15], [sflag:$0x1], $0x80, s4, s17, $0xb8;
	[tilespmem:$0x16900] =	vst v63  }
0x35: {  	_ =	swait.ge [sflag:s14], $0x2800  }
0x36: {  	s21 =	sshrl.u32 s19, $0x3;
	[sflag:s14] =	ssyncset.done $0x0  }
0x37: {  	s21 =	sadd.s32 s1, s21;
	[sflag:s14] =	ssyncadd.s32 $0xFFFFD800  }
0x38: {  	[tilespmem:s4], [sflag:$0x1] =	stream.linear.gather [hbm4b:s21+s4], $0x50, $0x38;
	[tilespmem:$0x16900] =	vst v63  }
0x39: {  	_ =	swait.ge [sflag:s14], $0x50  }
.Ltmp0:
0x3a: {  	[sflag:s14] =	ssyncset.done $0x0;
	(pc) =	sbr.rel @p0 .LBB2_2-.Ltmp0, $4  }
0x3b: {  	[sflag:s14] =	ssyncadd.s32 $0xFFFFFFB0  }
0x3c: {  	[spmem:s3] =	stream.indirect.scatter.add.f32 [tilespmem:s15], [sflag:$0x1], $0x80, s16, s17, $0xb8;
	[tilespmem:$0x16900] =	vst v63  }
0x3d: {  	_ =	swait.ge [sflag:s14], $0x2800  }
0x3e: {  	s19 =	sadd.s32 $0xA0, s19;
	s21 =	smov.u32 s23;
	[sflag:s14] =	ssyncset.done $0x0  }
0x3f: {  	s20 =	sadd.s32 s20, s12;
	[sflag:s14] =	ssyncadd.s32 $0xFFFFD800  }
0x40: {  	[tilespmem:s16], [sflag:$0x1] =	stream.linear.gather [hbm4b:s20+s4], $0x50, $0x38;
	[tilespmem:$0x16900] =	vst v63  }
0x41: {  	_ =	swait.ge [sflag:s14], $0x50  }
0x42: {  	[sflag:s14] =	ssyncset.done $0x0  }
0x43: {  	[sflag:s14] =	ssyncadd.s32 $0xFFFFFFB0  }
0x44: {  	[spmem:s3] =	stream.indirect.scatter.add.f32 [tilespmem:s15], [sflag:$0x1], $0x80, s4, s17, $0xb8;
	[tilespmem:$0x16900] =	vst v63  }
0x45: {  	_ =	swait.ge [sflag:s14], $0x2800  }
0x46: {  	s19 =	sshrl.u32 s19, $0x3;
	[sflag:s14] =	ssyncset.done $0x0  }
0x47: {  	s19 =	sadd.s32 s1, s19;
	[sflag:s14] =	ssyncadd.s32 $0xFFFFD800  }
0x48: {  	[tilespmem:s4], [sflag:$0x1] =	stream.linear.gather [hbm4b:s19+s4], $0x50, $0x38;
	[tilespmem:$0x16900] =	vst v63  }
0x49: {  	_ =	swait.ge [sflag:s14], $0x50  }
0x4a: {  	[sflag:s14] =	ssyncset.done $0x0  }
0x4b: {  	[sflag:s14] =	ssyncadd.s32 $0xFFFFFFB0  }
0x4c: {  	[spmem:s3] =	stream.indirect.scatter.add.f32 [tilespmem:s15], [sflag:$0x1], $0x80, s16, s17, $0xb8;
	[tilespmem:$0x16900] =	vst v63  }
0x4d: {  	_ =	swait.ge [sflag:s14], $0x2800  }
0x4e: {  	[sflag:s14] =	ssyncset.done $0x0  }
0x4f: {  	[sflag:s14] =	ssyncadd.s32 $0xFFFFD800  }
0x50: {  	[spmem:s3] =	stream.indirect.scatter.add.f32 [tilespmem:s15], [sflag:$0x1], $0x80, s4, s17, $0xb8;
	[tilespmem:$0x16900] =	vst v63  }
0x51: {  	_ =	swait.ge [sflag:s14], $0x2800  }
0x52: {  	s18 =	sadd.s32 $0x1, s18;
	[sflag:s14] =	ssyncset.done $0x0  }
0x53: {  	p0 =	sne.s32 s18, s10;
	[sflag:s14] =	ssyncadd.s32 $0xFFFFD800  }
.Ltmp1:
0x54: {  	[bflag:$0x0] =	sbarrier.arrive $0xFFFF;
	(pc) =	sbr.rel @p0 .LBB2_1-.Ltmp1, $4  }
0x55: {  	[hbm:s9], [sflag:s7] =	dma.local [spmem:s13], $0x2800  }
0x56: {  	_ =	swait.ge [sflag:s14], $0x2800  }
0x57: {  	[sflag:s14] =	ssyncset.done $0x0  }
0x58: {  	[sflag:s14] =	ssyncadd.s32 $0xFFFFD800  }
0x59: {  	_ =	sfence.sel $0x180000  }
0x5a: {  	[bflag:$0x0] =	sbarrier.arrive $0xFFFF  }
0x5b: {  	p0 =	sne.s32 s0, $0x0;
	_ =	strace $0x9000004A  }
0x5c: {  	s0 =	sadd.s32 @!p0 $0x100000, s2;
	[bflag:$0x2] =	sbarrier.arrive $0xFFFF  }
0x5d: {  	[sflag:s0] =	ssyncadd.tile.s32 @!p0 $0x1;
	_ =	shalt  }
.Lfunc_end2:
_tile_overlayer_lowered:
.L_overlay_start_2:
0x5e: {  	(tag) =	ssettag $0x2  }
0x5f: {  	s0 =	rddreg [dreg:$0x0];
	s2 =	stileid.u32  }
0x60: {  	s1 =	rddreg [dreg:$0x1];
	p0 =	sne.s32 s2, $0x0  }
0x61: {  	s3 =	rddreg [dreg:$0x2];
	[bflag:$0x3] =	sbarrier.arrive $0xFFFF;
	s2 =	simm.s32 @!p0 $0x1C01  }
0x62: {  	[timem:s3], [sflag:s2] =	dma.local @!p0 [hbm:s0], s1  }
0x63: {  	s0 =	simm.s32 @!p0 $0x1  }
0x64: {  	_ =	swait.ge @!p0 [sflag:s0], s1  }
0x65: {  	s1 =	ssub.s32 @!p0 $0x0, s1;
	[sflag:s0] =	ssyncset.done @!p0 $0x0  }
0x66: {  	[sflag:s0] =	ssyncadd.s32 @!p0 s1  }
0x67: {  	[bflag:$0x3] =	sbarrier.arrive $0xFFFF  }
0x68: {  	_ =	shalt  }

// kernel: kernel.13.cloned.1.call-start
scs
__scs_entry_jumppad:
0x0: {  	(pc) =	sbr.rel $0x88, $3  }
0x1: {  	(tag) =	ssettag $0x0;
	lr =	simm.s32 $0x1  }
0x2: {  	[smem:$0x3F8D] =	sst lr;
	_ =	strace $0xD0000000  }
0x3: {  	_ = 	snop  }
0x4: {  	_ = 	snop  }
0x5: {  	_ = 	snop  }
0x6: {  	_ = 	snop  }
0x7: {  	_ = 	snop  }
__scs_overlays_trampoline_lowered:
0x8: {  	[smem:$0x3F9C] =	sst s0  }
0x9: {  	[smem:$0x3F9D] =	sst s1  }
0xa: {  	[smem:$0x3F9E] =	sst s2  }
0xb: {  	[smem:$0x3F9F] =	sst s3  }
0xc: {  	[smem:$0x3FA0] =	sst s4  }
0xd: {  	[smem:$0x3FA1] =	sst s5  }
0xe: {  	[smem:$0x3FA2] =	sst s6  }
0xf: {  	[smem:$0x3FA3] =	sst s7  }
0x10: {  	[smem:$0x3FA4] =	sst s8  }
0x11: {  	[smem:$0x3FA5] =	sst s9;
	s0 =	simm.s32 @!p0 $0x0  }
0x12: {  	s1 =	sld [smem:$0x3F8B];
	s0 =	simm.s32 @p0 $0x1  }
0x13: {  	[smem:$0x3FA6] =	sst s0;
	s0 =	simm.s32 @!p1 $0x0  }
0x14: {  	s2 =	sld [smem:$0x3F8A];
	s0 =	simm.s32 @p1 $0x1  }
0x15: {  	[smem:$0x3FA7] =	sst s0;
	s0 =	simm.s32 @!p2 $0x0  }
0x16: {  	s3 =	sld [smem:$0x3FDB];
	s0 =	simm.s32 @p2 $0x1  }
0x17: {  	s4 =	simm.s32 $0x1BF5;
	[smem:$0x3FA9] =	sst s0  }
0x18: {  	s0 =	sld [smem:$0x3F8C];
	_ =	swait.ge [sflag:s4], $0x0  }
0x19: {  	s7 =	sld [smem:$0x3F8D]  }
0x1a: {  	s8 =	sadd.s32 $0xFFFFE003, lr  }
0x1b: {  	s9 =	sadd.s32 $0xFFFFFEF7, lr;
	s5 =	simm.s32 $0xFFFFFFFF;
	p2 =	slt.u32 s8, $0xFFFFF086  }
0x1c: {  	p1 =	slt.u32 s9, $0xF7A;
	s5 =	simm.s32 @!p2 $0x0  }
0x1d: {  	s5 =	simm.s32 @p1 $0x1;
	p0 =	seq.s32 s7, s2  }
0x1e: {  	s7 =	smul.u32 @!p0 $0xF7A, s2;
	p2 =	seq.s32 @!p0 s5, $0x0  }
0x1f: {  	s9 =	smul.u32 $0xF7A, s1;
	s8 =	simm.s32 @!p0 $0x1BF5;
	p2 =	por !p2, p0  }
0x20: {  	[sflag:s8] =	ssyncset.s32 @!p0 $0xFFFFF086;
	s6 =	sadd.s32 @!p0 s3, s7;
	s7 =	simm.s32 @!p0 $0x108  }
0x21: {  	s3 =	sadd.s32 s3, s9;
	s6 =	sadd.s32 @!p0 $0x88, s6;
	s7 =	simm.s32 @p2 $0x1082  }
0x22: {  	[simem:s7], [sflag:s8] =	dma.local @!p0 [hbm:s6], $0xF7A  }
0x23: {  	s9 =	sor.u32 $0xD0000000, s2;
	s6 =	simm.s32 $0x108;
	_ =	swait.ge @!p0 [sflag:s8], $0x0  }
0x24: {  	s3 =	sadd.s32 $0x88, s3;
	s6 =	simm.s32 @!p1 $0x1082;
	[sflag:s4] =	ssyncset.s32 $0xFFFFF086  }
0x25: {  	[simem:s6], [sflag:s4] =	dma.local [hbm:s3], $0xF7A  }
0x26: {  	[smem:$0x3F8D] =	sst s1;
	(tag) =	ssettag s2;
	_ =	strace s9  }
0x27: {  	s1 =	sld [smem:$0x3F9D]  }
0x28: {  	s2 =	sld [smem:$0x3F9E]  }
0x29: {  	s4 =	sld [smem:$0x3FA0]  }
0x2a: {  	p0 =	seq.s32 s5, $0x0;
	s5 =	sld [smem:$0x3FA1]  }
0x2b: {  	s6 =	sld [smem:$0x3FA2]  }
0x2c: {  	s7 =	sld [smem:$0x3FA3]  }
0x2d: {  	s3 =	simm.s32 $0x108;
	s8 =	sld [smem:$0x3FA4]  }
0x2e: {  	s3 =	simm.s32 @!p0 $0x1082;
	s9 =	sld [smem:$0x3FA5]  }
0x2f: {  	lr =	sadd.s32 s0, s3;
	s0 =	sld [smem:$0x3F9C]  }
0x30: {  	s3 =	sld [smem:$0x3F9F]  }
0x31: {  	[smem:$0x3FA8] =	sst s10  }
0x32: {  	s10 =	sld [smem:$0x3FA6];
	_ =	sdelay $0x3  }
0x33: {  	p0 =	seq.s32 s10, $0x1;
	s10 =	sld [smem:$0x3FA8];
	_ =	sdelay $0x3  }
0x34: {  	[smem:$0x3FA8] =	sst s10  }
0x35: {  	s10 =	sld [smem:$0x3FA7];
	_ =	sdelay $0x3  }
0x36: {  	p1 =	seq.s32 s10, $0x1;
	s10 =	sld [smem:$0x3FA8];
	_ =	sdelay $0x3  }
0x37: {  	[smem:$0x3FA8] =	sst s10  }
0x38: {  	s10 =	sld [smem:$0x3FA9]  }
0x39: {  	_ = 	snop;
	(pc) =	sbr.ind lr, $3  }
0x3a: {  	_ = 	snop  }
0x3b: {  	_ = 	snop  }
0x3c: {  	p2 =	seq.s32 s10, $0x1;
	s10 =	sld [smem:$0x3FA8]  }
0x3d: {  	_ =	shalt  }
0x3e: {  	_ =	shalt  }
0x3f: {  	_ =	shalt  }
0x40: {  	_ =	shalt  }
0x41: {  	_ =	shalt  }
0x42: {  	_ =	shalt  }
0x43: {  	_ =	shalt  }
0x44: {  	_ =	shalt  }
0x45: {  	_ =	shalt  }
0x46: {  	_ =	shalt  }
0x47: {  	_ =	shalt  }
0x48: {  	_ =	shalt  }
0x49: {  	_ =	shalt  }
0x4a: {  	_ =	shalt  }
0x4b: {  	_ =	shalt  }
0x4c: {  	_ =	shalt  }
0x4d: {  	_ =	shalt  }
0x4e: {  	_ =	shalt  }
0x4f: {  	_ =	shalt  }
0x50: {  	_ =	shalt  }
0x51: {  	_ =	shalt  }
0x52: {  	_ =	shalt  }
0x53: {  	_ =	shalt  }
0x54: {  	_ =	shalt  }
0x55: {  	_ =	shalt  }
0x56: {  	_ =	shalt  }
0x57: {  	_ =	shalt  }
0x58: {  	_ =	shalt  }
0x59: {  	_ =	shalt  }
0x5a: {  	_ =	shalt  }
0x5b: {  	_ =	shalt  }
0x5c: {  	_ =	shalt  }
0x5d: {  	_ =	shalt  }
0x5e: {  	_ =	shalt  }
0x5f: {  	_ =	shalt  }
0x60: {  	_ =	shalt  }
0x61: {  	_ =	shalt  }
0x62: {  	_ =	shalt  }
0x63: {  	_ =	shalt  }
0x64: {  	_ =	shalt  }
0x65: {  	_ =	shalt  }
0x66: {  	_ =	shalt  }
0x67: {  	_ =	shalt  }
0x68: {  	_ =	shalt  }
0x69: {  	_ =	shalt  }
0x6a: {  	_ =	shalt  }
0x6b: {  	_ =	shalt  }
0x6c: {  	_ =	shalt  }
0x6d: {  	_ =	shalt  }
0x6e: {  	_ =	shalt  }
0x6f: {  	_ =	shalt  }
0x70: {  	_ =	shalt  }
0x71: {  	_ =	shalt  }
0x72: {  	_ =	shalt  }
0x73: {  	_ =	shalt  }
0x74: {  	_ =	shalt  }
0x75: {  	_ =	shalt  }
0x76: {  	_ =	shalt  }
0x77: {  	_ =	shalt  }
0x78: {  	_ =	shalt  }
0x79: {  	_ =	shalt  }
0x7a: {  	_ =	shalt  }
0x7b: {  	_ =	shalt  }
0x7c: {  	_ =	shalt  }
0x7d: {  	_ =	shalt  }
0x7e: {  	_ =	shalt  }
0x7f: {  	_ =	shalt  }
0x80: {  	_ =	shalt  }
0x81: {  	_ =	shalt  }
0x82: {  	_ =	shalt  }
0x83: {  	_ =	shalt  }
0x84: {  	_ =	shalt  }
0x85: {  	_ =	shalt  }
0x86: {  	_ =	shalt  }
0x87: {  	_ =	shalt  }
.Lfunc_end0:
.L_simem_size_0:
called_computation.1_lowered:
.L_overlay_start_0:
0x88: {  	s2 =	sld [smem:$0x3FD9]  }
0x89: {  	s3 =	sld [smem:$0x3FFE];
	_ =	sdelay $0x1  }
0x8a: {  	s1 =	srdreg.scid  }
0x8b: {  	s0 =	sand.u32 $0x1, s1  }
0x8c: {  	s17 =	sshll.u32 s0, $0xA;
	s2 =	sadd.s32 s3, s2  }
0x8d: {  	s2 =	sadd.s32 s2, s17  }
0x8e: {  	[smem:$0x3FB4] =	sst s2  }
0x8f: {  	_ = 	snop  }
0x90: {  	s2 =	sld [smem:$0x3FD0];
	(tm) =	ssettm $0x1  }
0x91: {  	s18 =	sld [smem:$0x3FFB];
	_ =	sdelay $0x3  }
0x92: {  	_ =	strace s18  }
0x93: {  	s3 =	sld [smem:$0x3FFC];
	_ =	sdelay $0x3  }
0x94: {  	_ =	strace s3  }
0x95: {  	s3 =	sld [smem:$0x3FFD];
	_ =	sdelay $0x3  }
0x96: {  	_ =	strace s3  }
0x97: {  	_ =	strace $0x8FFFFFFF  }
0x98: {  	s19 =	sld [smem:$0x3FDB];
	_ =	sdelay $0x1  }
0x99: {  	s4 =	simm.s32 $_scs_section_size  }
0x9a: {  	s5 =	simm.s32 $_size__tile_overlayer_lowered;
	s6 =	simm.s32 $_tile_overlayer_lowered  }
0x9b: {  	s22 =	simm.s32 $0x1BFF;
	s21 =	sshll.u32 s6, $0x1;
	s3 =	sadd.s32 s4, s19  }
0x9c: {  	s7 =	simm.s32 $0x0;
	s20 =	sshll.u32 s5, $0x1;
	s5 =	sadd.s32 s21, s3  }
0x9d: {  	[timem:s7], [sflag:s22] =	dma.local [hbm:s5], s20  }
0x9e: {  	_ =	swait.ge [sflag:s22], s20  }
0x9f: {  	s4 =	ssub.s32 $0x0, s20;
	[sflag:s22] =	ssyncset.done $0x0  }
0xa0: {  	[sflag:s22] =	ssyncadd.s32 s4;
	_ =	sdelay $0x1  }
0xa1: {  	s23 =	simm.s32 $0x1B8B  }
0xa2: {  	_ =	swait.ge [sflag:s23], $0x1  }
0xa3: {  	[sflag:s23] =	ssyncset.done $0x0  }
0xa4: {  	s25 =	simm.s32 $0x1B8E;
	s24 =	sld [smem:$0x3FFE];
	[sflag:s23] =	ssyncadd.s32 $0xFFFFFFFF  }
0xa5: {  	s26 =	simm.s32 $execute0_lowered;
	[smem:$0x3FD2] =	sst s25  }
0xa6: {  	s5 =	sshll.u32 s26, $0x1;
	_ =	strace $0x80000046;
	[dreg:$0x1] =	wrdreg $0xFFFFFFFF  }
0xa7: {  	s28 =	simm.s32 $_size_execute0_lowered;
	s3 =	sadd.s32 s3, s5;
	[dreg:$0x0] =	wrdreg $0x0  }
0xa8: {  	s5 =	sshll.u32 s28, $0x1;
	[dreg:$0x2] =	wrdreg s3  }
0xa9: {  	[dreg:$0x3] =	wrdreg s5  }
0xaa: {  	[dreg:$0x4] =	wrdreg $0xC0  }
0xab: {  	_ =	task [dreg:s7], $0x5FFFF  }
0xac: {  	[dreg:$0x1] =	wrdreg $0xFFFFFFFF  }
0xad: {  	[dreg:$0x0] =	wrdreg $0x60  }
0xae: {  	[dreg:$0x2] =	wrdreg s24  }
0xaf: {  	[dreg:$0x3] =	wrdreg s2  }
0xb0: {  	[dreg:$0x4] =	wrdreg $0x52000  }
0xb1: {  	[dreg:$0x5] =	wrdreg $0xA  }
0xb2: {  	_ =	task.clear_ibuf [dreg:s7], $0x6FFFF;
	_ =	strace $0x90000046  }
0xb3: {  	s29 =	simm.s32 $0xA;
	_ =	strace $0x80000048  }
0xb4: {  	_ =	swait.ge [sflag:s29], $0x1  }
0xb5: {  	[sflag:s29] =	ssyncadd.s32 $0xFFFFFFFF  }
0xb6: {  	_ =	strace $0x90000048  }
0xb7: {  	_ =	sfence  }
0xb8: {  	s30 =	sld [smem:$0x0];
	_ =	sdelay $0x2  }
0xb9: {  	s31 =	sshll.u32 s1, $0xD;
	s1 =	sshrl.u32 s1, $0x2  }
0xba: {  	s3 =	sand.u32 $0x4000, s31;
	s1 =	sadd.s32 s1, s30  }
0xbb: {  	s0 =	sor.u32 s3, s0;
	s1 =	sshll.u32 s1, $0x11  }
0xbc: {  	s0 =	sor.u32 s1, s0  }
0xbd: {  	s0 =	sadd.s32 $0x8F2B, s0  }
0xbe: {  	[sflag:s0] =	ssyncadd.remote.s32 $0x1  }
0xbf: {  	_ =	sfence.sel $0xFFFF  }
0xc0: {  	[dreg:$0x0] =	wrdreg $0xFFFFFFFF;
	(pc) =	sbr.abs _section_cstart, $3  }
0xc1: {  	[dreg:$0x1] =	wrdreg $0xFFFFFFFF  }
0xc2: {  	_ =	task.clear_ibuf [dreg:s7], $0x2FFFF;
	_ =	strace $0x9FFFFFFF  }
0xc3: {  	(tm) =	ssettm $0x7FFFFFFF  }
tec
execute0_lowered:
.L_overlay_start_1:
0x0: {  	(tag) =	ssettag $0x1  }
0x1: {  	s7 =	rddreg [dreg:$0x0]  }
0x2: {  	s2 =	rddreg [dreg:$0x1]  }
0x3: {  	s3 =	rddreg [dreg:$0x2]  }
0x4: {  	s0 =	rddreg [dreg:$0x3];
	s4 =	simm.s32 $0x0;
	s1 =	stileid.u32  }
0x5: {  	s5 =	srdreg.scid;
	s18 =	simm.s32 $0x80;
	s19 =	simm.s32 $0x50  }
0x6: {  	s20 =	simm.s32 $0x100;
	s21 =	simm.s32 $0x2900;
	s22 =	simm.s32 $0x2980  }
0x7: {  	[smem:$0x7FF] =	sst s4;
	s8 =	smul.u32 $0x14000, s1;
	s9 =	sand.u32 $0x1, s5  }
0x8: {  	s5 =	sadd.s32 $0xDA00, s7;
	s6 =	sadd.s32 $0x3C00, s7;
	s12 =	smul.u32 $0x50000, s1  }
0x9: {  	s28 =	smul.u32 $0x2710, s1;
	s29 =	sshll.u32 s1, $0x6;
	_ =	strace $0x80000047  }
0xa: {  	s10 =	smul.u32 $0x140000, s9;
	s23 =	sshll.u32 s9, $0x4;
	s24 =	ssub.s32 $0x2, s9  }
0xb: {  	s14 =	smul.u32 $0x27100, s9;
	s11 =	sshrl.u32 s8, $0x3;
	s26 =	sshrl.u32 s24, $0x1  }
0xc: {  	s12 =	sshrl.u32 s12, $0x2;
	s11 =	sadd.s32 s11, s7;
	s8 =	sadd.s32 s8, s10  }
0xd: {  	s10 =	sor.u32 s1, s23;
	s15 =	ssub.s32 s24, s26;
	s16 =	sadd.s32 s12, s3  }
0xe: {  	s14 =	sadd.s32 s28, s14;
	s23 =	simm.s32 $0x1;
	s24 =	simm.s32 $0x2A00  }
0xf: {  	s8 =	sshrl.u32 s8, $0x3;
	s25 =	smul.u32 $0x2710, s10;
	s17 =	sadd.s32 $0x50, s14  }
0x10: {  	s12 =	smax.u32 s15, $0x1;
	s16 =	sshrl.u32 s16, $0x3;
	s13 =	sadd.s32 s8, s7  }
0x11: {  	s7 =	sadd.s32 $0x34C00, s11;
	s8 =	sor.u32 $0x1C02, s29;
	s31 =	sshrl.u32 s17, $0x3  }
0x12: {  	s17 =	simm.s32 $0x2;
	s30 =	sshrl.u32 s25, $0x3;
	s11 =	sadd.s32 $0x5CC00, s13  }
0x13: {  	s13 =	sadd.s32 $0xA0, s14;
	s14 =	sadd.s32 s31, s2;
	s15 =	sadd.s32 s31, s6  }
0x14: {  	s25 =	simm.s32 $0x0;
	s9 =	sadd.s32 s6, s30;
	s10 =	sadd.s32 s2, s30  }
.LBB2_1:
0x15: {  	[spmem:s16], [sflag:s8] =	dma.local [hbm:s7], $0x2800  }
0x16: {  	_ =	swait.ge [sflag:s17], $0x2800  }
0x17: {  	[sflag:s17] =	ssyncset.done $0x0  }
0x18: {  	[sflag:s17] =	ssyncadd.s32 $0xFFFFD800  }
0x19: {  	[bflag:$0x0] =	sbarrier.arrive $0xFFFF  }
0x1a: {  	[tilespmem:s4], [sflag:$0x2] =	stream.linear.gather [hbm4b:s9+s4], $0x50, $0x38;
	[tilespmem:$0x19200] =	vst v63  }
0x1b: {  	_ =	swait.ge [sflag:s17], $0x50  }
0x1c: {  	[sflag:s17] =	ssyncset.done $0x0  }
0x1d: {  	[sflag:s17] =	ssyncadd.s32 $0xFFFFFFB0  }
0x1e: {  	[tilespmem:s18], [sflag:$0x2] =	stream.linear.gather [hbm4b:s10+s4], $0x50, $0x38;
	[tilespmem:$0x19200] =	vst v63  }
0x1f: {  	_ =	swait.ge [sflag:s17], $0x50  }
0x20: {  	[sflag:s17] =	ssyncset.done $0x0  }
0x21: {  	[sflag:s17] =	ssyncadd.s32 $0xFFFFFFB0  }
0x22: {  	[tilespmem:s20], [sflag:$0x1] =	stream.indirect.gather [hbm4b:s5+s19], $0x80, s4, s19, $0xb8;
	[tilespmem:$0x19200] =	vst v63  }
0x23: {  	s26 =	sadd.s32 $0x0, s15  }
0x24: {  	[tilespmem:s21], [sflag:$0x2] =	stream.linear.gather [hbm4b:s26+s4], $0x50, $0x38;
	[tilespmem:$0x19200] =	vst v63  }
0x25: {  	_ =	swait.ge [sflag:s17], $0x50  }
0x26: {  	[sflag:s17] =	ssyncset.done $0x0  }
0x27: {  	s30 =	sadd.s32 $0x0, s14;
	[sflag:s17] =	ssyncadd.s32 $0xFFFFFFB0  }
0x28: {  	[tilespmem:s22], [sflag:$0x2] =	stream.linear.gather [hbm4b:s30+s4], $0x50, $0x38;
	[tilespmem:$0x19200] =	vst v63  }
0x29: {  	_ =	swait.ge [sflag:s17], $0x50  }
0x2a: {  	[sflag:s17] =	ssyncset.done $0x0  }
0x2b: {  	[sflag:s17] =	ssyncadd.s32 $0xFFFFFFB0  }
0x2c: {  	_ =	swait.ge [sflag:s23], $0x2800  }
0x2d: {  	[sflag:s23] =	ssyncset.done $0x0  }
0x2e: {  	[sflag:s23] =	ssyncadd.s32 $0xFFFFD800  }
0x2f: {  	[tilespmem:s24], [sflag:$0x1] =	stream.indirect.gather [hbm4b:s5+s19], $0x80, s21, s19, $0xb8;
	[tilespmem:$0x19200] =	vst v63  }
0x30: {  	_ = 	snop  }
0x31: {  	[spmem:s3] =	stream.indirect.scatter.add.f32 [tilespmem:s20], [sflag:$0x2], $0x80, s18, s19, $0xb8;
	[tilespmem:$0x19200] =	vst v63  }
0x32: {  	_ =	swait.ge [sflag:s17], $0x2800  }
0x33: {  	s31 =	sshrl.u32 s13, $0x3;
	[sflag:s17] =	ssyncset.done $0x0  }
0x34: {  	s28 =	sadd.s32 s6, s31;
	[sflag:s17] =	ssyncadd.s32 $0xFFFFD800  }
0x35: {  	[tilespmem:s4], [sflag:$0x2] =	stream.linear.gather [hbm4b:s28+s4], $0x50, $0x38;
	[tilespmem:$0x19200] =	vst v63  }
0x36: {  	_ =	swait.ge [sflag:s17], $0x50  }
0x37: {  	[sflag:s17] =	ssyncset.done $0x0  }
0x38: {  	s26 =	sadd.s32 s2, s31;
	[sflag:s17] =	ssyncadd.s32 $0xFFFFFFB0  }
0x39: {  	[tilespmem:s18], [sflag:$0x2] =	stream.linear.gather [hbm4b:s26+s4], $0x50, $0x38;
	[tilespmem:$0x19200] =	vst v63  }
0x3a: {  	_ =	swait.ge [sflag:s17], $0x50  }
0x3b: {  	[sflag:s17] =	ssyncset.done $0x0  }
0x3c: {  	[sflag:s17] =	ssyncadd.s32 $0xFFFFFFB0  }
0x3d: {  	_ =	swait.ge [sflag:s23], $0x2800  }
0x3e: {  	[sflag:s23] =	ssyncset.done $0x0  }
0x3f: {  	[sflag:s23] =	ssyncadd.s32 $0xFFFFD800  }
0x40: {  	[tilespmem:s20], [sflag:$0x1] =	stream.indirect.gather [hbm4b:s5+s19], $0x80, s4, s19, $0xb8;
	[tilespmem:$0x19200] =	vst v63  }
0x41: {  	_ = 	snop  }
0x42: {  	[spmem:s3] =	stream.indirect.scatter.add.f32 [tilespmem:s24], [sflag:$0x2], $0x80, s22, s19, $0xb8;
	[tilespmem:$0x19200] =	vst v63  }
0x43: {  	_ =	swait.ge [sflag:s17], $0x2800  }
0x44: {  	s28 =	smov.u32 s13;
	s26 =	simm.s32 $0x14;
	[sflag:s17] =	ssyncset.done $0x0  }
.LBB2_2:
0x45: {  	p0 =	sne.s32 s26, $0x4C4;
	[sflag:s17] =	ssyncadd.s32 $0xFFFFD800;
	s28 =	sadd.s32 $0xA0, s28  }
0x46: {  	s29 =	sadd.s32 s26, s15;
	s30 =	smov.u32 s26;
	s26 =	sadd.s32 $0x14, s26  }
0x47: {  	[tilespmem:s21], [sflag:$0x2] =	stream.linear.gather [hbm4b:s29+s4], $0x50, $0x38;
	[tilespmem:$0x19200] =	vst v63  }
0x48: {  	_ =	swait.ge [sflag:s17], $0x50  }
0x49: {  	[sflag:s17] =	ssyncset.done $0x0  }
0x4a: {  	s29 =	sadd.s32 s30, s14;
	[sflag:s17] =	ssyncadd.s32 $0xFFFFFFB0  }
0x4b: {  	[tilespmem:s22], [sflag:$0x2] =	stream.linear.gather [hbm4b:s29+s4], $0x50, $0x38;
	[tilespmem:$0x19200] =	vst v63  }
0x4c: {  	_ =	swait.ge [sflag:s17], $0x50  }
0x4d: {  	[sflag:s17] =	ssyncset.done $0x0  }
0x4e: {  	[sflag:s17] =	ssyncadd.s32 $0xFFFFFFB0  }
0x4f: {  	_ =	swait.ge [sflag:s23], $0x2800  }
0x50: {  	[sflag:s23] =	ssyncset.done $0x0  }
0x51: {  	[sflag:s23] =	ssyncadd.s32 $0xFFFFD800  }
0x52: {  	[tilespmem:s24], [sflag:$0x1] =	stream.indirect.gather [hbm4b:s5+s19], $0x80, s21, s19, $0xb8;
	[tilespmem:$0x19200] =	vst v63  }
0x53: {  	_ = 	snop  }
0x54: {  	[spmem:s3] =	stream.indirect.scatter.add.f32 [tilespmem:s20], [sflag:$0x2], $0x80, s18, s19, $0xb8;
	[tilespmem:$0x19200] =	vst v63  }
0x55: {  	_ =	swait.ge [sflag:s17], $0x2800  }
0x56: {  	s29 =	sshrl.u32 s28, $0x3;
	[sflag:s17] =	ssyncset.done $0x0  }
0x57: {  	s30 =	sadd.s32 s6, s29;
	[sflag:s17] =	ssyncadd.s32 $0xFFFFD800  }
0x58: {  	[tilespmem:s4], [sflag:$0x2] =	stream.linear.gather [hbm4b:s30+s4], $0x50, $0x38;
	[tilespmem:$0x19200] =	vst v63  }
0x59: {  	_ =	swait.ge [sflag:s17], $0x50  }
0x5a: {  	[sflag:s17] =	ssyncset.done $0x0  }
0x5b: {  	s29 =	sadd.s32 s2, s29;
	[sflag:s17] =	ssyncadd.s32 $0xFFFFFFB0  }
0x5c: {  	[tilespmem:s18], [sflag:$0x2] =	stream.linear.gather [hbm4b:s29+s4], $0x50, $0x38;
	[tilespmem:$0x19200] =	vst v63  }
0x5d: {  	_ =	swait.ge [sflag:s17], $0x50  }
0x5e: {  	[sflag:s17] =	ssyncset.done $0x0  }
0x5f: {  	[sflag:s17] =	ssyncadd.s32 $0xFFFFFFB0  }
0x60: {  	_ =	swait.ge [sflag:s23], $0x2800  }
0x61: {  	[sflag:s23] =	ssyncset.done $0x0  }
0x62: {  	[sflag:s23] =	ssyncadd.s32 $0xFFFFD800  }
0x63: {  	[tilespmem:s20], [sflag:$0x1] =	stream.indirect.gather [hbm4b:s5+s19], $0x80, s4, s19, $0xb8;
	[tilespmem:$0x19200] =	vst v63  }
.Ltmp0:
0x64: {  	_ = 	snop;
	(pc) =	sbr.rel @p0 .LBB2_2-.Ltmp0, $4  }
0x65: {  	_ = 	snop  }
0x66: {  	[spmem:s3] =	stream.indirect.scatter.add.f32 [tilespmem:s24], [sflag:$0x2], $0x80, s22, s19, $0xb8;
	[tilespmem:$0x19200] =	vst v63  }
0x67: {  	_ =	swait.ge [sflag:s17], $0x2800  }
0x68: {  	[sflag:s17] =	ssyncset.done $0x0  }
0x69: {  	[sflag:s17] =	ssyncadd.s32 $0xFFFFD800  }
0x6a: {  	_ =	swait.ge [sflag:s23], $0x2800  }
0x6b: {  	[sflag:s23] =	ssyncset.done $0x0  }
0x6c: {  	[sflag:s23] =	ssyncadd.s32 $0xFFFFD800  }
0x6d: {  	[spmem:s3] =	stream.indirect.scatter.add.f32 [tilespmem:s20], [sflag:$0x2], $0x80, s18, s19, $0xb8;
	[tilespmem:$0x19200] =	vst v63  }
0x6e: {  	_ =	swait.ge [sflag:s17], $0x2800  }
0x6f: {  	s25 =	sadd.s32 $0x1, s25;
	[sflag:s17] =	ssyncset.done $0x0  }
0x70: {  	p0 =	sne.s32 s25, s12;
	[sflag:s17] =	ssyncadd.s32 $0xFFFFD800  }
.Ltmp1:
0x71: {  	[bflag:$0x0] =	sbarrier.arrive $0xFFFF;
	(pc) =	sbr.rel @p0 .LBB2_1-.Ltmp1, $4  }
0x72: {  	[hbm:s11], [sflag:s8] =	dma.local [spmem:s16], $0x2800  }
0x73: {  	_ =	swait.ge [sflag:s17], $0x2800  }
0x74: {  	[sflag:s17] =	ssyncset.done $0x0  }
0x75: {  	[sflag:s17] =	ssyncadd.s32 $0xFFFFD800  }
0x76: {  	_ =	sfence.sel $0x180000  }
0x77: {  	[bflag:$0x0] =	sbarrier.arrive $0xFFFF  }
0x78: {  	p0 =	sne.s32 s1, $0x0;
	_ =	strace $0x90000047  }
0x79: {  	s0 =	sadd.s32 @!p0 $0x100000, s0;
	[bflag:$0x2] =	sbarrier.arrive $0xFFFF  }
0x7a: {  	[sflag:s0] =	ssyncadd.tile.s32 @!p0 $0x1;
	_ =	shalt  }
.Lfunc_end2:
_tile_overlayer_lowered:
.L_overlay_start_2:
0x7b: {  	(tag) =	ssettag $0x2  }
0x7c: {  	s0 =	rddreg [dreg:$0x0];
	s2 =	stileid.u32  }
0x7d: {  	s1 =	rddreg [dreg:$0x1];
	p0 =	sne.s32 s2, $0x0  }
0x7e: {  	s3 =	rddreg [dreg:$0x2];
	[bflag:$0x3] =	sbarrier.arrive $0xFFFF;
	s2 =	simm.s32 @!p0 $0x1C02  }
0x7f: {  	[timem:s3], [sflag:s2] =	dma.local @!p0 [hbm:s0], s1  }
0x80: {  	s0 =	simm.s32 @!p0 $0x2  }
0x81: {  	_ =	swait.ge @!p0 [sflag:s0], s1  }
0x82: {  	s1 =	ssub.s32 @!p0 $0x0, s1;
	[sflag:s0] =	ssyncset.done @!p0 $0x0  }
0x83: {  	[sflag:s0] =	ssyncadd.s32 @!p0 s1  }
0x84: {  	[bflag:$0x3] =	sbarrier.arrive $0xFFFF  }
0x85: {  	_ =	shalt  }

// kernel: kernel.16.cloned.1.call-start
scs
__scs_entry_jumppad:
0x0: {  	(pc) =	sbr.rel $0x88, $3  }
0x1: {  	(tag) =	ssettag $0x0;
	lr =	simm.s32 $0x1  }
0x2: {  	[smem:$0x3F8D] =	sst lr;
	_ =	strace $0xD0000000  }
0x3: {  	_ = 	snop  }
0x4: {  	_ = 	snop  }
0x5: {  	_ = 	snop  }
0x6: {  	_ = 	snop  }
0x7: {  	_ = 	snop  }
__scs_overlays_trampoline_lowered:
0x8: {  	[smem:$0x3F9C] =	sst s0  }
0x9: {  	[smem:$0x3F9D] =	sst s1  }
0xa: {  	[smem:$0x3F9E] =	sst s2  }
0xb: {  	[smem:$0x3F9F] =	sst s3  }
0xc: {  	[smem:$0x3FA0] =	sst s4  }
0xd: {  	[smem:$0x3FA1] =	sst s5  }
0xe: {  	[smem:$0x3FA2] =	sst s6  }
0xf: {  	[smem:$0x3FA3] =	sst s7  }
0x10: {  	[smem:$0x3FA4] =	sst s8  }
0x11: {  	[smem:$0x3FA5] =	sst s9;
	s0 =	simm.s32 @!p0 $0x0  }
0x12: {  	s1 =	sld [smem:$0x3F8B];
	s0 =	simm.s32 @p0 $0x1  }
0x13: {  	[smem:$0x3FA6] =	sst s0;
	s0 =	simm.s32 @!p1 $0x0  }
0x14: {  	s2 =	sld [smem:$0x3F8A];
	s0 =	simm.s32 @p1 $0x1  }
0x15: {  	[smem:$0x3FA7] =	sst s0;
	s0 =	simm.s32 @!p2 $0x0  }
0x16: {  	s3 =	sld [smem:$0x3FDB];
	s0 =	simm.s32 @p2 $0x1  }
0x17: {  	s4 =	simm.s32 $0x1BF5;
	[smem:$0x3FA9] =	sst s0  }
0x18: {  	s0 =	sld [smem:$0x3F8C];
	_ =	swait.ge [sflag:s4], $0x0  }
0x19: {  	s7 =	sld [smem:$0x3F8D]  }
0x1a: {  	s8 =	sadd.s32 $0xFFFFE003, lr  }
0x1b: {  	s9 =	sadd.s32 $0xFFFFFEF7, lr;
	s5 =	simm.s32 $0xFFFFFFFF;
	p2 =	slt.u32 s8, $0xFFFFF086  }
0x1c: {  	p1 =	slt.u32 s9, $0xF7A;
	s5 =	simm.s32 @!p2 $0x0  }
0x1d: {  	s5 =	simm.s32 @p1 $0x1;
	p0 =	seq.s32 s7, s2  }
0x1e: {  	s7 =	smul.u32 @!p0 $0xF7A, s2;
	p2 =	seq.s32 @!p0 s5, $0x0  }
0x1f: {  	s9 =	smul.u32 $0xF7A, s1;
	s8 =	simm.s32 @!p0 $0x1BF5;
	p2 =	por !p2, p0  }
0x20: {  	[sflag:s8] =	ssyncset.s32 @!p0 $0xFFFFF086;
	s6 =	sadd.s32 @!p0 s3, s7;
	s7 =	simm.s32 @!p0 $0x108  }
0x21: {  	s3 =	sadd.s32 s3, s9;
	s6 =	sadd.s32 @!p0 $0x88, s6;
	s7 =	simm.s32 @p2 $0x1082  }
0x22: {  	[simem:s7], [sflag:s8] =	dma.local @!p0 [hbm:s6], $0xF7A  }
0x23: {  	s9 =	sor.u32 $0xD0000000, s2;
	s6 =	simm.s32 $0x108;
	_ =	swait.ge @!p0 [sflag:s8], $0x0  }
0x24: {  	s3 =	sadd.s32 $0x88, s3;
	s6 =	simm.s32 @!p1 $0x1082;
	[sflag:s4] =	ssyncset.s32 $0xFFFFF086  }
0x25: {  	[simem:s6], [sflag:s4] =	dma.local [hbm:s3], $0xF7A  }
0x26: {  	[smem:$0x3F8D] =	sst s1;
	(tag) =	ssettag s2;
	_ =	strace s9  }
0x27: {  	s1 =	sld [smem:$0x3F9D]  }
0x28: {  	s2 =	sld [smem:$0x3F9E]  }
0x29: {  	s4 =	sld [smem:$0x3FA0]  }
0x2a: {  	p0 =	seq.s32 s5, $0x0;
	s5 =	sld [smem:$0x3FA1]  }
0x2b: {  	s6 =	sld [smem:$0x3FA2]  }
0x2c: {  	s7 =	sld [smem:$0x3FA3]  }
0x2d: {  	s3 =	simm.s32 $0x108;
	s8 =	sld [smem:$0x3FA4]  }
0x2e: {  	s3 =	simm.s32 @!p0 $0x1082;
	s9 =	sld [smem:$0x3FA5]  }
0x2f: {  	lr =	sadd.s32 s0, s3;
	s0 =	sld [smem:$0x3F9C]  }
0x30: {  	s3 =	sld [smem:$0x3F9F]  }
0x31: {  	[smem:$0x3FA8] =	sst s10  }
0x32: {  	s10 =	sld [smem:$0x3FA6];
	_ =	sdelay $0x3  }
0x33: {  	p0 =	seq.s32 s10, $0x1;
	s10 =	sld [smem:$0x3FA8];
	_ =	sdelay $0x3  }
0x34: {  	[smem:$0x3FA8] =	sst s10  }
0x35: {  	s10 =	sld [smem:$0x3FA7];
	_ =	sdelay $0x3  }
0x36: {  	p1 =	seq.s32 s10, $0x1;
	s10 =	sld [smem:$0x3FA8];
	_ =	sdelay $0x3  }
0x37: {  	[smem:$0x3FA8] =	sst s10  }
0x38: {  	s10 =	sld [smem:$0x3FA9]  }
0x39: {  	_ = 	snop;
	(pc) =	sbr.ind lr, $3  }
0x3a: {  	_ = 	snop  }
0x3b: {  	_ = 	snop  }
0x3c: {  	p2 =	seq.s32 s10, $0x1;
	s10 =	sld [smem:$0x3FA8]  }
0x3d: {  	_ =	shalt  }
0x3e: {  	_ =	shalt  }
0x3f: {  	_ =	shalt  }
0x40: {  	_ =	shalt  }
0x41: {  	_ =	shalt  }
0x42: {  	_ =	shalt  }
0x43: {  	_ =	shalt  }
0x44: {  	_ =	shalt  }
0x45: {  	_ =	shalt  }
0x46: {  	_ =	shalt  }
0x47: {  	_ =	shalt  }
0x48: {  	_ =	shalt  }
0x49: {  	_ =	shalt  }
0x4a: {  	_ =	shalt  }
0x4b: {  	_ =	shalt  }
0x4c: {  	_ =	shalt  }
0x4d: {  	_ =	shalt  }
0x4e: {  	_ =	shalt  }
0x4f: {  	_ =	shalt  }
0x50: {  	_ =	shalt  }
0x51: {  	_ =	shalt  }
0x52: {  	_ =	shalt  }
0x53: {  	_ =	shalt  }
0x54: {  	_ =	shalt  }
0x55: {  	_ =	shalt  }
0x56: {  	_ =	shalt  }
0x57: {  	_ =	shalt  }
0x58: {  	_ =	shalt  }
0x59: {  	_ =	shalt  }
0x5a: {  	_ =	shalt  }
0x5b: {  	_ =	shalt  }
0x5c: {  	_ =	shalt  }
0x5d: {  	_ =	shalt  }
0x5e: {  	_ =	shalt  }
0x5f: {  	_ =	shalt  }
0x60: {  	_ =	shalt  }
0x61: {  	_ =	shalt  }
0x62: {  	_ =	shalt  }
0x63: {  	_ =	shalt  }
0x64: {  	_ =	shalt  }
0x65: {  	_ =	shalt  }
0x66: {  	_ =	shalt  }
0x67: {  	_ =	shalt  }
0x68: {  	_ =	shalt  }
0x69: {  	_ =	shalt  }
0x6a: {  	_ =	shalt  }
0x6b: {  	_ =	shalt  }
0x6c: {  	_ =	shalt  }
0x6d: {  	_ =	shalt  }
0x6e: {  	_ =	shalt  }
0x6f: {  	_ =	shalt  }
0x70: {  	_ =	shalt  }
0x71: {  	_ =	shalt  }
0x72: {  	_ =	shalt  }
0x73: {  	_ =	shalt  }
0x74: {  	_ =	shalt  }
0x75: {  	_ =	shalt  }
0x76: {  	_ =	shalt  }
0x77: {  	_ =	shalt  }
0x78: {  	_ =	shalt  }
0x79: {  	_ =	shalt  }
0x7a: {  	_ =	shalt  }
0x7b: {  	_ =	shalt  }
0x7c: {  	_ =	shalt  }
0x7d: {  	_ =	shalt  }
0x7e: {  	_ =	shalt  }
0x7f: {  	_ =	shalt  }
0x80: {  	_ =	shalt  }
0x81: {  	_ =	shalt  }
0x82: {  	_ =	shalt  }
0x83: {  	_ =	shalt  }
0x84: {  	_ =	shalt  }
0x85: {  	_ =	shalt  }
0x86: {  	_ =	shalt  }
0x87: {  	_ =	shalt  }
.Lfunc_end0:
.L_simem_size_0:
called_computation.2_lowered:
.L_overlay_start_0:
0x88: {  	s2 =	sld [smem:$0x3FD9]  }
0x89: {  	s3 =	sld [smem:$0x3FFE];
	_ =	sdelay $0x1  }
0x8a: {  	s1 =	srdreg.scid  }
0x8b: {  	s0 =	sand.u32 $0x1, s1  }
0x8c: {  	s17 =	sshll.u32 s0, $0xA;
	s2 =	sadd.s32 s3, s2  }
0x8d: {  	s2 =	sadd.s32 s2, s17  }
0x8e: {  	[smem:$0x3FB4] =	sst s2  }
0x8f: {  	_ = 	snop  }
0x90: {  	s2 =	sld [smem:$0x3FD0];
	(tm) =	ssettm $0x1  }
0x91: {  	s18 =	sld [smem:$0x3FFB];
	_ =	sdelay $0x3  }
0x92: {  	_ =	strace s18  }
0x93: {  	s3 =	sld [smem:$0x3FFC];
	_ =	sdelay $0x3  }
0x94: {  	_ =	strace s3  }
0x95: {  	s3 =	sld [smem:$0x3FFD];
	_ =	sdelay $0x3  }
0x96: {  	_ =	strace s3  }
0x97: {  	_ =	strace $0x8FFFFFFF  }
0x98: {  	s19 =	sld [smem:$0x3FDB];
	_ =	sdelay $0x1  }
0x99: {  	s4 =	simm.s32 $_scs_section_size  }
0x9a: {  	s5 =	simm.s32 $_size__tile_overlayer_lowered;
	s6 =	simm.s32 $_tile_overlayer_lowered  }
0x9b: {  	s22 =	simm.s32 $0x1BFF;
	s21 =	sshll.u32 s6, $0x1;
	s3 =	sadd.s32 s4, s19  }
0x9c: {  	s7 =	simm.s32 $0x0;
	s20 =	sshll.u32 s5, $0x1;
	s5 =	sadd.s32 s21, s3  }
0x9d: {  	[timem:s7], [sflag:s22] =	dma.local [hbm:s5], s20  }
0x9e: {  	_ =	swait.ge [sflag:s22], s20  }
0x9f: {  	s4 =	ssub.s32 $0x0, s20;
	[sflag:s22] =	ssyncset.done $0x0  }
0xa0: {  	[sflag:s22] =	ssyncadd.s32 s4;
	_ =	sdelay $0x1  }
0xa1: {  	s23 =	simm.s32 $0x1B8B  }
0xa2: {  	_ =	swait.ge [sflag:s23], $0x1  }
0xa3: {  	[sflag:s23] =	ssyncset.done $0x0  }
0xa4: {  	s25 =	simm.s32 $0x1B8E;
	s24 =	sld [smem:$0x3FFE];
	[sflag:s23] =	ssyncadd.s32 $0xFFFFFFFF  }
0xa5: {  	s26 =	simm.s32 $execute0_lowered;
	[smem:$0x3FD2] =	sst s25  }
0xa6: {  	s5 =	sshll.u32 s26, $0x1;
	_ =	strace $0x8000004C;
	[dreg:$0x1] =	wrdreg $0xFFFFFFFF  }
0xa7: {  	s28 =	simm.s32 $_size_execute0_lowered;
	s3 =	sadd.s32 s3, s5;
	[dreg:$0x0] =	wrdreg $0x0  }
0xa8: {  	s5 =	sshll.u32 s28, $0x1;
	[dreg:$0x2] =	wrdreg s3  }
0xa9: {  	[dreg:$0x3] =	wrdreg s5  }
0xaa: {  	[dreg:$0x4] =	wrdreg $0xC0  }
0xab: {  	_ =	task [dreg:s7], $0x5FFFF  }
0xac: {  	[dreg:$0x1] =	wrdreg $0xFFFFFFFF  }
0xad: {  	[dreg:$0x0] =	wrdreg $0x60  }
0xae: {  	[dreg:$0x2] =	wrdreg s24  }
0xaf: {  	[dreg:$0x3] =	wrdreg s2  }
0xb0: {  	[dreg:$0x4] =	wrdreg $0x52000  }
0xb1: {  	[dreg:$0x5] =	wrdreg $0x9  }
0xb2: {  	_ =	task.clear_ibuf [dreg:s7], $0x6FFFF;
	_ =	strace $0x9000004C  }
0xb3: {  	s29 =	simm.s32 $0x9;
	_ =	strace $0x8000004E  }
0xb4: {  	_ =	swait.ge [sflag:s29], $0x1  }
0xb5: {  	[sflag:s29] =	ssyncadd.s32 $0xFFFFFFFF  }
0xb6: {  	_ =	strace $0x9000004E  }
0xb7: {  	_ =	sfence  }
0xb8: {  	s30 =	sld [smem:$0x0];
	_ =	sdelay $0x2  }
0xb9: {  	s31 =	sshll.u32 s1, $0xD;
	s1 =	sshrl.u32 s1, $0x2  }
0xba: {  	s3 =	sand.u32 $0x4000, s31;
	s1 =	sadd.s32 s1, s30  }
0xbb: {  	s0 =	sor.u32 s3, s0;
	s1 =	sshll.u32 s1, $0x11  }
0xbc: {  	s0 =	sor.u32 s1, s0  }
0xbd: {  	s0 =	sadd.s32 $0x8F2B, s0  }
0xbe: {  	[sflag:s0] =	ssyncadd.remote.s32 $0x1  }
0xbf: {  	_ =	sfence.sel $0xFFFF  }
0xc0: {  	[dreg:$0x0] =	wrdreg $0xFFFFFFFF;
	(pc) =	sbr.abs _section_cstart, $3  }
0xc1: {  	[dreg:$0x1] =	wrdreg $0xFFFFFFFF  }
0xc2: {  	_ =	task.clear_ibuf [dreg:s7], $0x2FFFF;
	_ =	strace $0x9FFFFFFF  }
0xc3: {  	(tm) =	ssettm $0x7FFFFFFF  }
tec
execute0_lowered:
.L_overlay_start_1:
0x0: {  	(tag) =	ssettag $0x1  }
0x1: {  	s7 =	rddreg [dreg:$0x0]  }
0x2: {  	s2 =	rddreg [dreg:$0x1]  }
0x3: {  	s3 =	rddreg [dreg:$0x2]  }
0x4: {  	s0 =	rddreg [dreg:$0x3];
	s4 =	simm.s32 $0x0;
	s1 =	stileid.u32  }
0x5: {  	s5 =	srdreg.scid;
	s18 =	simm.s32 $0x80;
	s19 =	simm.s32 $0x50  }
0x6: {  	s20 =	simm.s32 $0x100;
	s21 =	simm.s32 $0x2900;
	s22 =	simm.s32 $0x2980  }
0x7: {  	[smem:$0x7FF] =	sst s4;
	s8 =	smul.u32 $0x14000, s1;
	s9 =	sand.u32 $0x1, s5  }
0x8: {  	s5 =	sadd.s32 $0xDA00, s7;
	s6 =	sadd.s32 $0x3C00, s7;
	s12 =	smul.u32 $0x50000, s1  }
0x9: {  	s28 =	smul.u32 $0x2710, s1;
	s29 =	sshll.u32 s1, $0x6;
	_ =	strace $0x8000004D  }
0xa: {  	s10 =	smul.u32 $0x140000, s9;
	s23 =	sshll.u32 s9, $0x4;
	s24 =	ssub.s32 $0x2, s9  }
0xb: {  	s14 =	smul.u32 $0x27100, s9;
	s11 =	sshrl.u32 s8, $0x3;
	s26 =	sshrl.u32 s24, $0x1  }
0xc: {  	s12 =	sshrl.u32 s12, $0x2;
	s11 =	sadd.s32 s11, s7;
	s8 =	sadd.s32 s8, s10  }
0xd: {  	s10 =	sor.u32 s1, s23;
	s15 =	ssub.s32 s24, s26;
	s16 =	sadd.s32 s12, s3  }
0xe: {  	s14 =	sadd.s32 s28, s14;
	s23 =	simm.s32 $0x1;
	s24 =	simm.s32 $0x2A00  }
0xf: {  	s8 =	sshrl.u32 s8, $0x3;
	s25 =	smul.u32 $0x2710, s10;
	s17 =	sadd.s32 $0x50, s14  }
0x10: {  	s12 =	smax.u32 s15, $0x1;
	s16 =	sshrl.u32 s16, $0x3;
	s13 =	sadd.s32 s8, s7  }
0x11: {  	s7 =	sadd.s32 $0x34C00, s11;
	s8 =	sor.u32 $0x1C02, s29;
	s31 =	sshrl.u32 s17, $0x3  }
0x12: {  	s17 =	simm.s32 $0x2;
	s30 =	sshrl.u32 s25, $0x3;
	s11 =	sadd.s32 $0x5CC00, s13  }
0x13: {  	s13 =	sadd.s32 $0xA0, s14;
	s14 =	sadd.s32 s31, s2;
	s15 =	sadd.s32 s31, s6  }
0x14: {  	s25 =	simm.s32 $0x0;
	s9 =	sadd.s32 s6, s30;
	s10 =	sadd.s32 s2, s30  }
.LBB2_1:
0x15: {  	[spmem:s16], [sflag:s8] =	dma.local [hbm:s7], $0x2800  }
0x16: {  	_ =	swait.ge [sflag:s17], $0x2800  }
0x17: {  	[sflag:s17] =	ssyncset.done $0x0  }
0x18: {  	[sflag:s17] =	ssyncadd.s32 $0xFFFFD800  }
0x19: {  	[bflag:$0x0] =	sbarrier.arrive $0xFFFF  }
0x1a: {  	[tilespmem:s4], [sflag:$0x2] =	stream.linear.gather [hbm4b:s9+s4], $0x50, $0x38;
	[tilespmem:$0x19200] =	vst v63  }
0x1b: {  	_ =	swait.ge [sflag:s17], $0x50  }
0x1c: {  	[sflag:s17] =	ssyncset.done $0x0  }
0x1d: {  	[sflag:s17] =	ssyncadd.s32 $0xFFFFFFB0  }
0x1e: {  	[tilespmem:s18], [sflag:$0x2] =	stream.linear.gather [hbm4b:s10+s4], $0x50, $0x38;
	[tilespmem:$0x19200] =	vst v63  }
0x1f: {  	_ =	swait.ge [sflag:s17], $0x50  }
0x20: {  	[sflag:s17] =	ssyncset.done $0x0  }
0x21: {  	[sflag:s17] =	ssyncadd.s32 $0xFFFFFFB0  }
0x22: {  	[tilespmem:s20], [sflag:$0x1] =	stream.indirect.gather [hbm4b:s5+s19], $0x80, s4, s19, $0xb8;
	[tilespmem:$0x19200] =	vst v63  }
0x23: {  	s26 =	sadd.s32 $0x0, s15  }
0x24: {  	[tilespmem:s21], [sflag:$0x2] =	stream.linear.gather [hbm4b:s26+s4], $0x50, $0x38;
	[tilespmem:$0x19200] =	vst v63  }
0x25: {  	_ =	swait.ge [sflag:s17], $0x50  }
0x26: {  	[sflag:s17] =	ssyncset.done $0x0  }
0x27: {  	s30 =	sadd.s32 $0x0, s14;
	[sflag:s17] =	ssyncadd.s32 $0xFFFFFFB0  }
0x28: {  	[tilespmem:s22], [sflag:$0x2] =	stream.linear.gather [hbm4b:s30+s4], $0x50, $0x38;
	[tilespmem:$0x19200] =	vst v63  }
0x29: {  	_ =	swait.ge [sflag:s17], $0x50  }
0x2a: {  	[sflag:s17] =	ssyncset.done $0x0  }
0x2b: {  	[sflag:s17] =	ssyncadd.s32 $0xFFFFFFB0  }
0x2c: {  	_ =	swait.ge [sflag:s23], $0x2800  }
0x2d: {  	[sflag:s23] =	ssyncset.done $0x0  }
0x2e: {  	[sflag:s23] =	ssyncadd.s32 $0xFFFFD800  }
0x2f: {  	[tilespmem:s24], [sflag:$0x1] =	stream.indirect.gather [hbm4b:s5+s19], $0x80, s21, s19, $0xb8;
	[tilespmem:$0x19200] =	vst v63  }
0x30: {  	_ = 	snop  }
0x31: {  	[spmem:s3] =	stream.indirect.scatter.add.f32 [tilespmem:s20], [sflag:$0x2], $0x80, s18, s19, $0xb8;
	[tilespmem:$0x19200] =	vst v63  }
0x32: {  	_ =	swait.ge [sflag:s17], $0x2800  }
0x33: {  	s31 =	sshrl.u32 s13, $0x3;
	[sflag:s17] =	ssyncset.done $0x0  }
0x34: {  	s28 =	sadd.s32 s6, s31;
	[sflag:s17] =	ssyncadd.s32 $0xFFFFD800  }
0x35: {  	[tilespmem:s4], [sflag:$0x2] =	stream.linear.gather [hbm4b:s28+s4], $0x50, $0x38;
	[tilespmem:$0x19200] =	vst v63  }
0x36: {  	_ =	swait.ge [sflag:s17], $0x50  }
0x37: {  	[sflag:s17] =	ssyncset.done $0x0  }
0x38: {  	s26 =	sadd.s32 s2, s31;
	[sflag:s17] =	ssyncadd.s32 $0xFFFFFFB0  }
0x39: {  	[tilespmem:s18], [sflag:$0x2] =	stream.linear.gather [hbm4b:s26+s4], $0x50, $0x38;
	[tilespmem:$0x19200] =	vst v63  }
0x3a: {  	_ =	swait.ge [sflag:s17], $0x50  }
0x3b: {  	[sflag:s17] =	ssyncset.done $0x0  }
0x3c: {  	[sflag:s17] =	ssyncadd.s32 $0xFFFFFFB0  }
0x3d: {  	_ =	swait.ge [sflag:s23], $0x2800  }
0x3e: {  	[sflag:s23] =	ssyncset.done $0x0  }
0x3f: {  	[sflag:s23] =	ssyncadd.s32 $0xFFFFD800  }
0x40: {  	[tilespmem:s20], [sflag:$0x1] =	stream.indirect.gather [hbm4b:s5+s19], $0x80, s4, s19, $0xb8;
	[tilespmem:$0x19200] =	vst v63  }
0x41: {  	_ = 	snop  }
0x42: {  	[spmem:s3] =	stream.indirect.scatter.add.f32 [tilespmem:s24], [sflag:$0x2], $0x80, s22, s19, $0xb8;
	[tilespmem:$0x19200] =	vst v63  }
0x43: {  	_ =	swait.ge [sflag:s17], $0x2800  }
0x44: {  	s28 =	smov.u32 s13;
	s26 =	simm.s32 $0x14;
	[sflag:s17] =	ssyncset.done $0x0  }
.LBB2_2:
0x45: {  	p0 =	sne.s32 s26, $0x4C4;
	[sflag:s17] =	ssyncadd.s32 $0xFFFFD800;
	s28 =	sadd.s32 $0xA0, s28  }
0x46: {  	s29 =	sadd.s32 s26, s15;
	s30 =	smov.u32 s26;
	s26 =	sadd.s32 $0x14, s26  }
0x47: {  	[tilespmem:s21], [sflag:$0x2] =	stream.linear.gather [hbm4b:s29+s4], $0x50, $0x38;
	[tilespmem:$0x19200] =	vst v63  }
0x48: {  	_ =	swait.ge [sflag:s17], $0x50  }
0x49: {  	[sflag:s17] =	ssyncset.done $0x0  }
0x4a: {  	s29 =	sadd.s32 s30, s14;
	[sflag:s17] =	ssyncadd.s32 $0xFFFFFFB0  }
0x4b: {  	[tilespmem:s22], [sflag:$0x2] =	stream.linear.gather [hbm4b:s29+s4], $0x50, $0x38;
	[tilespmem:$0x19200] =	vst v63  }
0x4c: {  	_ =	swait.ge [sflag:s17], $0x50  }
0x4d: {  	[sflag:s17] =	ssyncset.done $0x0  }
0x4e: {  	[sflag:s17] =	ssyncadd.s32 $0xFFFFFFB0  }
0x4f: {  	_ =	swait.ge [sflag:s23], $0x2800  }
0x50: {  	[sflag:s23] =	ssyncset.done $0x0  }
0x51: {  	[sflag:s23] =	ssyncadd.s32 $0xFFFFD800  }
0x52: {  	[tilespmem:s24], [sflag:$0x1] =	stream.indirect.gather [hbm4b:s5+s19], $0x80, s21, s19, $0xb8;
	[tilespmem:$0x19200] =	vst v63  }
0x53: {  	_ = 	snop  }
0x54: {  	[spmem:s3] =	stream.indirect.scatter.add.f32 [tilespmem:s20], [sflag:$0x2], $0x80, s18, s19, $0xb8;
	[tilespmem:$0x19200] =	vst v63  }
0x55: {  	_ =	swait.ge [sflag:s17], $0x2800  }
0x56: {  	s29 =	sshrl.u32 s28, $0x3;
	[sflag:s17] =	ssyncset.done $0x0  }
0x57: {  	s30 =	sadd.s32 s6, s29;
	[sflag:s17] =	ssyncadd.s32 $0xFFFFD800  }
0x58: {  	[tilespmem:s4], [sflag:$0x2] =	stream.linear.gather [hbm4b:s30+s4], $0x50, $0x38;
	[tilespmem:$0x19200] =	vst v63  }
0x59: {  	_ =	swait.ge [sflag:s17], $0x50  }
0x5a: {  	[sflag:s17] =	ssyncset.done $0x0  }
0x5b: {  	s29 =	sadd.s32 s2, s29;
	[sflag:s17] =	ssyncadd.s32 $0xFFFFFFB0  }
0x5c: {  	[tilespmem:s18], [sflag:$0x2] =	stream.linear.gather [hbm4b:s29+s4], $0x50, $0x38;
	[tilespmem:$0x19200] =	vst v63  }
0x5d: {  	_ =	swait.ge [sflag:s17], $0x50  }
0x5e: {  	[sflag:s17] =	ssyncset.done $0x0  }
0x5f: {  	[sflag:s17] =	ssyncadd.s32 $0xFFFFFFB0  }
0x60: {  	_ =	swait.ge [sflag:s23], $0x2800  }
0x61: {  	[sflag:s23] =	ssyncset.done $0x0  }
0x62: {  	[sflag:s23] =	ssyncadd.s32 $0xFFFFD800  }
0x63: {  	[tilespmem:s20], [sflag:$0x1] =	stream.indirect.gather [hbm4b:s5+s19], $0x80, s4, s19, $0xb8;
	[tilespmem:$0x19200] =	vst v63  }
.Ltmp0:
0x64: {  	_ = 	snop;
	(pc) =	sbr.rel @p0 .LBB2_2-.Ltmp0, $4  }
0x65: {  	_ = 	snop  }
0x66: {  	[spmem:s3] =	stream.indirect.scatter.add.f32 [tilespmem:s24], [sflag:$0x2], $0x80, s22, s19, $0xb8;
	[tilespmem:$0x19200] =	vst v63  }
0x67: {  	_ =	swait.ge [sflag:s17], $0x2800  }
0x68: {  	[sflag:s17] =	ssyncset.done $0x0  }
0x69: {  	[sflag:s17] =	ssyncadd.s32 $0xFFFFD800  }
0x6a: {  	_ =	swait.ge [sflag:s23], $0x2800  }
0x6b: {  	[sflag:s23] =	ssyncset.done $0x0  }
0x6c: {  	[sflag:s23] =	ssyncadd.s32 $0xFFFFD800  }
0x6d: {  	[spmem:s3] =	stream.indirect.scatter.add.f32 [tilespmem:s20], [sflag:$0x2], $0x80, s18, s19, $0xb8;
	[tilespmem:$0x19200] =	vst v63  }
0x6e: {  	_ =	swait.ge [sflag:s17], $0x2800  }
0x6f: {  	s25 =	sadd.s32 $0x1, s25;
	[sflag:s17] =	ssyncset.done $0x0  }
0x70: {  	p0 =	sne.s32 s25, s12;
	[sflag:s17] =	ssyncadd.s32 $0xFFFFD800  }
.Ltmp1:
0x71: {  	[bflag:$0x0] =	sbarrier.arrive $0xFFFF;
	(pc) =	sbr.rel @p0 .LBB2_1-.Ltmp1, $4  }
0x72: {  	[hbm:s11], [sflag:s8] =	dma.local [spmem:s16], $0x2800  }
0x73: {  	_ =	swait.ge [sflag:s17], $0x2800  }
0x74: {  	[sflag:s17] =	ssyncset.done $0x0  }
0x75: {  	[sflag:s17] =	ssyncadd.s32 $0xFFFFD800  }
0x76: {  	_ =	sfence.sel $0x180000  }
0x77: {  	[bflag:$0x0] =	sbarrier.arrive $0xFFFF  }
0x78: {  	p0 =	sne.s32 s1, $0x0;
	_ =	strace $0x9000004D  }
0x79: {  	s0 =	sadd.s32 @!p0 $0x100000, s0;
	[bflag:$0x2] =	sbarrier.arrive $0xFFFF  }
0x7a: {  	[sflag:s0] =	ssyncadd.tile.s32 @!p0 $0x1;
	_ =	shalt  }
.Lfunc_end2:
_tile_overlayer_lowered:
.L_overlay_start_2:
0x7b: {  	(tag) =	ssettag $0x2  }
0x7c: {  	s0 =	rddreg [dreg:$0x0];
	s2 =	stileid.u32  }
0x7d: {  	s1 =	rddreg [dreg:$0x1];
	p0 =	sne.s32 s2, $0x0  }
0x7e: {  	s3 =	rddreg [dreg:$0x2];
	[bflag:$0x3] =	sbarrier.arrive $0xFFFF;
	s2 =	simm.s32 @!p0 $0x1C02  }
0x7f: {  	[timem:s3], [sflag:s2] =	dma.local @!p0 [hbm:s0], s1  }
0x80: {  	s0 =	simm.s32 @!p0 $0x2  }
0x81: {  	_ =	swait.ge @!p0 [sflag:s0], s1  }
0x82: {  	s1 =	ssub.s32 @!p0 $0x0, s1;
	[sflag:s0] =	ssyncset.done @!p0 $0x0  }
0x83: {  	[sflag:s0] =	ssyncadd.s32 @!p0 s1  }
0x84: {  	[bflag:$0x3] =	sbarrier.arrive $0xFFFF  }
0x85: {  	_ =	shalt  }

// kernel: kernel.19.cloned.1.call-start
scs
__scs_entry_jumppad:
0x0: {  	(pc) =	sbr.rel $0x88, $3  }
0x1: {  	(tag) =	ssettag $0x0;
	lr =	simm.s32 $0x1  }
0x2: {  	[smem:$0x3F8D] =	sst lr;
	_ =	strace $0xD0000000  }
0x3: {  	_ = 	snop  }
0x4: {  	_ = 	snop  }
0x5: {  	_ = 	snop  }
0x6: {  	_ = 	snop  }
0x7: {  	_ = 	snop  }
__scs_overlays_trampoline_lowered:
0x8: {  	[smem:$0x3F9C] =	sst s0  }
0x9: {  	[smem:$0x3F9D] =	sst s1  }
0xa: {  	[smem:$0x3F9E] =	sst s2  }
0xb: {  	[smem:$0x3F9F] =	sst s3  }
0xc: {  	[smem:$0x3FA0] =	sst s4  }
0xd: {  	[smem:$0x3FA1] =	sst s5  }
0xe: {  	[smem:$0x3FA2] =	sst s6  }
0xf: {  	[smem:$0x3FA3] =	sst s7  }
0x10: {  	[smem:$0x3FA4] =	sst s8  }
0x11: {  	[smem:$0x3FA5] =	sst s9;
	s0 =	simm.s32 @!p0 $0x0  }
0x12: {  	s1 =	sld [smem:$0x3F8B];
	s0 =	simm.s32 @p0 $0x1  }
0x13: {  	[smem:$0x3FA6] =	sst s0;
	s0 =	simm.s32 @!p1 $0x0  }
0x14: {  	s2 =	sld [smem:$0x3F8A];
	s0 =	simm.s32 @p1 $0x1  }
0x15: {  	[smem:$0x3FA7] =	sst s0;
	s0 =	simm.s32 @!p2 $0x0  }
0x16: {  	s3 =	sld [smem:$0x3FDB];
	s0 =	simm.s32 @p2 $0x1  }
0x17: {  	s4 =	simm.s32 $0x1BF5;
	[smem:$0x3FA9] =	sst s0  }
0x18: {  	s0 =	sld [smem:$0x3F8C];
	_ =	swait.ge [sflag:s4], $0x0  }
0x19: {  	s7 =	sld [smem:$0x3F8D]  }
0x1a: {  	s8 =	sadd.s32 $0xFFFFE003, lr  }
0x1b: {  	s9 =	sadd.s32 $0xFFFFFEF7, lr;
	s5 =	simm.s32 $0xFFFFFFFF;
	p2 =	slt.u32 s8, $0xFFFFF086  }
0x1c: {  	p1 =	slt.u32 s9, $0xF7A;
	s5 =	simm.s32 @!p2 $0x0  }
0x1d: {  	s5 =	simm.s32 @p1 $0x1;
	p0 =	seq.s32 s7, s2  }
0x1e: {  	s7 =	smul.u32 @!p0 $0xF7A, s2;
	p2 =	seq.s32 @!p0 s5, $0x0  }
0x1f: {  	s9 =	smul.u32 $0xF7A, s1;
	s8 =	simm.s32 @!p0 $0x1BF5;
	p2 =	por !p2, p0  }
0x20: {  	[sflag:s8] =	ssyncset.s32 @!p0 $0xFFFFF086;
	s6 =	sadd.s32 @!p0 s3, s7;
	s7 =	simm.s32 @!p0 $0x108  }
0x21: {  	s3 =	sadd.s32 s3, s9;
	s6 =	sadd.s32 @!p0 $0x88, s6;
	s7 =	simm.s32 @p2 $0x1082  }
0x22: {  	[simem:s7], [sflag:s8] =	dma.local @!p0 [hbm:s6], $0xF7A  }
0x23: {  	s9 =	sor.u32 $0xD0000000, s2;
	s6 =	simm.s32 $0x108;
	_ =	swait.ge @!p0 [sflag:s8], $0x0  }
0x24: {  	s3 =	sadd.s32 $0x88, s3;
	s6 =	simm.s32 @!p1 $0x1082;
	[sflag:s4] =	ssyncset.s32 $0xFFFFF086  }
0x25: {  	[simem:s6], [sflag:s4] =	dma.local [hbm:s3], $0xF7A  }
0x26: {  	[smem:$0x3F8D] =	sst s1;
	(tag) =	ssettag s2;
	_ =	strace s9  }
0x27: {  	s1 =	sld [smem:$0x3F9D]  }
0x28: {  	s2 =	sld [smem:$0x3F9E]  }
0x29: {  	s4 =	sld [smem:$0x3FA0]  }
0x2a: {  	p0 =	seq.s32 s5, $0x0;
	s5 =	sld [smem:$0x3FA1]  }
0x2b: {  	s6 =	sld [smem:$0x3FA2]  }
0x2c: {  	s7 =	sld [smem:$0x3FA3]  }
0x2d: {  	s3 =	simm.s32 $0x108;
	s8 =	sld [smem:$0x3FA4]  }
0x2e: {  	s3 =	simm.s32 @!p0 $0x1082;
	s9 =	sld [smem:$0x3FA5]  }
0x2f: {  	lr =	sadd.s32 s0, s3;
	s0 =	sld [smem:$0x3F9C]  }
0x30: {  	s3 =	sld [smem:$0x3F9F]  }
0x31: {  	[smem:$0x3FA8] =	sst s10  }
0x32: {  	s10 =	sld [smem:$0x3FA6];
	_ =	sdelay $0x3  }
0x33: {  	p0 =	seq.s32 s10, $0x1;
	s10 =	sld [smem:$0x3FA8];
	_ =	sdelay $0x3  }
0x34: {  	[smem:$0x3FA8] =	sst s10  }
0x35: {  	s10 =	sld [smem:$0x3FA7];
	_ =	sdelay $0x3  }
0x36: {  	p1 =	seq.s32 s10, $0x1;
	s10 =	sld [smem:$0x3FA8];
	_ =	sdelay $0x3  }
0x37: {  	[smem:$0x3FA8] =	sst s10  }
0x38: {  	s10 =	sld [smem:$0x3FA9]  }
0x39: {  	_ = 	snop;
	(pc) =	sbr.ind lr, $3  }
0x3a: {  	_ = 	snop  }
0x3b: {  	_ = 	snop  }
0x3c: {  	p2 =	seq.s32 s10, $0x1;
	s10 =	sld [smem:$0x3FA8]  }
0x3d: {  	_ =	shalt  }
0x3e: {  	_ =	shalt  }
0x3f: {  	_ =	shalt  }
0x40: {  	_ =	shalt  }
0x41: {  	_ =	shalt  }
0x42: {  	_ =	shalt  }
0x43: {  	_ =	shalt  }
0x44: {  	_ =	shalt  }
0x45: {  	_ =	shalt  }
0x46: {  	_ =	shalt  }
0x47: {  	_ =	shalt  }
0x48: {  	_ =	shalt  }
0x49: {  	_ =	shalt  }
0x4a: {  	_ =	shalt  }
0x4b: {  	_ =	shalt  }
0x4c: {  	_ =	shalt  }
0x4d: {  	_ =	shalt  }
0x4e: {  	_ =	shalt  }
0x4f: {  	_ =	shalt  }
0x50: {  	_ =	shalt  }
0x51: {  	_ =	shalt  }
0x52: {  	_ =	shalt  }
0x53: {  	_ =	shalt  }
0x54: {  	_ =	shalt  }
0x55: {  	_ =	shalt  }
0x56: {  	_ =	shalt  }
0x57: {  	_ =	shalt  }
0x58: {  	_ =	shalt  }
0x59: {  	_ =	shalt  }
0x5a: {  	_ =	shalt  }
0x5b: {  	_ =	shalt  }
0x5c: {  	_ =	shalt  }
0x5d: {  	_ =	shalt  }
0x5e: {  	_ =	shalt  }
0x5f: {  	_ =	shalt  }
0x60: {  	_ =	shalt  }
0x61: {  	_ =	shalt  }
0x62: {  	_ =	shalt  }
0x63: {  	_ =	shalt  }
0x64: {  	_ =	shalt  }
0x65: {  	_ =	shalt  }
0x66: {  	_ =	shalt  }
0x67: {  	_ =	shalt  }
0x68: {  	_ =	shalt  }
0x69: {  	_ =	shalt  }
0x6a: {  	_ =	shalt  }
0x6b: {  	_ =	shalt  }
0x6c: {  	_ =	shalt  }
0x6d: {  	_ =	shalt  }
0x6e: {  	_ =	shalt  }
0x6f: {  	_ =	shalt  }
0x70: {  	_ =	shalt  }
0x71: {  	_ =	shalt  }
0x72: {  	_ =	shalt  }
0x73: {  	_ =	shalt  }
0x74: {  	_ =	shalt  }
0x75: {  	_ =	shalt  }
0x76: {  	_ =	shalt  }
0x77: {  	_ =	shalt  }
0x78: {  	_ =	shalt  }
0x79: {  	_ =	shalt  }
0x7a: {  	_ =	shalt  }
0x7b: {  	_ =	shalt  }
0x7c: {  	_ =	shalt  }
0x7d: {  	_ =	shalt  }
0x7e: {  	_ =	shalt  }
0x7f: {  	_ =	shalt  }
0x80: {  	_ =	shalt  }
0x81: {  	_ =	shalt  }
0x82: {  	_ =	shalt  }
0x83: {  	_ =	shalt  }
0x84: {  	_ =	shalt  }
0x85: {  	_ =	shalt  }
0x86: {  	_ =	shalt  }
0x87: {  	_ =	shalt  }
.Lfunc_end0:
.L_simem_size_0:
called_computation.3_lowered:
.L_overlay_start_0:
0x88: {  	s2 =	sld [smem:$0x3FD9]  }
0x89: {  	s3 =	sld [smem:$0x3FFE];
	_ =	sdelay $0x1  }
0x8a: {  	s1 =	srdreg.scid  }
0x8b: {  	s0 =	sand.u32 $0x1, s1  }
0x8c: {  	s17 =	sshll.u32 s0, $0xA;
	s2 =	sadd.s32 s3, s2  }
0x8d: {  	s2 =	sadd.s32 s2, s17  }
0x8e: {  	[smem:$0x3FB4] =	sst s2  }
0x8f: {  	_ = 	snop  }
0x90: {  	s2 =	sld [smem:$0x3FD0];
	(tm) =	ssettm $0x1  }
0x91: {  	s18 =	sld [smem:$0x3FFB];
	_ =	sdelay $0x3  }
0x92: {  	_ =	strace s18  }
0x93: {  	s3 =	sld [smem:$0x3FFC];
	_ =	sdelay $0x3  }
0x94: {  	_ =	strace s3  }
0x95: {  	s3 =	sld [smem:$0x3FFD];
	_ =	sdelay $0x3  }
0x96: {  	_ =	strace s3  }
0x97: {  	_ =	strace $0x8FFFFFFF  }
0x98: {  	s19 =	sld [smem:$0x3FDB];
	_ =	sdelay $0x1  }
0x99: {  	s4 =	simm.s32 $_scs_section_size  }
0x9a: {  	s5 =	simm.s32 $_size__tile_overlayer_lowered;
	s6 =	simm.s32 $_tile_overlayer_lowered  }
0x9b: {  	s22 =	simm.s32 $0x1BFF;
	s21 =	sshll.u32 s6, $0x1;
	s3 =	sadd.s32 s4, s19  }
0x9c: {  	s7 =	simm.s32 $0x0;
	s20 =	sshll.u32 s5, $0x1;
	s5 =	sadd.s32 s21, s3  }
0x9d: {  	[timem:s7], [sflag:s22] =	dma.local [hbm:s5], s20  }
0x9e: {  	_ =	swait.ge [sflag:s22], s20  }
0x9f: {  	s4 =	ssub.s32 $0x0, s20;
	[sflag:s22] =	ssyncset.done $0x0  }
0xa0: {  	[sflag:s22] =	ssyncadd.s32 s4;
	_ =	sdelay $0x1  }
0xa1: {  	s23 =	simm.s32 $0x1B8B  }
0xa2: {  	_ =	swait.ge [sflag:s23], $0x1  }
0xa3: {  	[sflag:s23] =	ssyncset.done $0x0  }
0xa4: {  	s25 =	simm.s32 $0x1B8E;
	s24 =	sld [smem:$0x3FFE];
	[sflag:s23] =	ssyncadd.s32 $0xFFFFFFFF  }
0xa5: {  	s26 =	simm.s32 $execute0_lowered;
	[smem:$0x3FD2] =	sst s25  }
0xa6: {  	s5 =	sshll.u32 s26, $0x1;
	_ =	strace $0x8000004F;
	[dreg:$0x1] =	wrdreg $0xFFFFFFFF  }
0xa7: {  	s28 =	simm.s32 $_size_execute0_lowered;
	s3 =	sadd.s32 s3, s5;
	[dreg:$0x0] =	wrdreg $0x0  }
0xa8: {  	s5 =	sshll.u32 s28, $0x1;
	[dreg:$0x2] =	wrdreg s3  }
0xa9: {  	[dreg:$0x3] =	wrdreg s5  }
0xaa: {  	[dreg:$0x4] =	wrdreg $0xC0  }
0xab: {  	_ =	task [dreg:s7], $0x5FFFF  }
0xac: {  	[dreg:$0x1] =	wrdreg $0xFFFFFFFF  }
0xad: {  	[dreg:$0x0] =	wrdreg $0x60  }
0xae: {  	[dreg:$0x2] =	wrdreg s24  }
0xaf: {  	[dreg:$0x3] =	wrdreg s2  }
0xb0: {  	[dreg:$0x4] =	wrdreg $0x52000  }
0xb1: {  	[dreg:$0x5] =	wrdreg $0x9  }
0xb2: {  	_ =	task.clear_ibuf [dreg:s7], $0x6FFFF;
	_ =	strace $0x9000004F  }
0xb3: {  	s29 =	simm.s32 $0x9;
	_ =	strace $0x80000051  }
0xb4: {  	_ =	swait.ge [sflag:s29], $0x1  }
0xb5: {  	[sflag:s29] =	ssyncadd.s32 $0xFFFFFFFF  }
0xb6: {  	_ =	strace $0x90000051  }
0xb7: {  	_ =	sfence  }
0xb8: {  	s30 =	sld [smem:$0x0];
	_ =	sdelay $0x2  }
0xb9: {  	s31 =	sshll.u32 s1, $0xD;
	s1 =	sshrl.u32 s1, $0x2  }
0xba: {  	s3 =	sand.u32 $0x4000, s31;
	s1 =	sadd.s32 s1, s30  }
0xbb: {  	s0 =	sor.u32 s3, s0;
	s1 =	sshll.u32 s1, $0x11  }
0xbc: {  	s0 =	sor.u32 s1, s0  }
0xbd: {  	s0 =	sadd.s32 $0x8F2B, s0  }
0xbe: {  	[sflag:s0] =	ssyncadd.remote.s32 $0x1  }
0xbf: {  	_ =	sfence.sel $0xFFFF  }
0xc0: {  	[dreg:$0x0] =	wrdreg $0xFFFFFFFF;
	(pc) =	sbr.abs _section_cstart, $3  }
0xc1: {  	[dreg:$0x1] =	wrdreg $0xFFFFFFFF  }
0xc2: {  	_ =	task.clear_ibuf [dreg:s7], $0x2FFFF;
	_ =	strace $0x9FFFFFFF  }
0xc3: {  	(tm) =	ssettm $0x7FFFFFFF  }
tec
execute0_lowered:
.L_overlay_start_1:
0x0: {  	(tag) =	ssettag $0x1  }
0x1: {  	s7 =	rddreg [dreg:$0x0]  }
0x2: {  	s2 =	rddreg [dreg:$0x1]  }
0x3: {  	s3 =	rddreg [dreg:$0x2]  }
0x4: {  	s0 =	rddreg [dreg:$0x3];
	s4 =	simm.s32 $0x0;
	s1 =	stileid.u32  }
0x5: {  	s5 =	srdreg.scid;
	s18 =	simm.s32 $0x80;
	s19 =	simm.s32 $0x50  }
0x6: {  	s20 =	simm.s32 $0x100;
	s21 =	simm.s32 $0x2900;
	s22 =	simm.s32 $0x2980  }
0x7: {  	[smem:$0x7FF] =	sst s4;
	s8 =	smul.u32 $0x14000, s1;
	s9 =	sand.u32 $0x1, s5  }
0x8: {  	s5 =	sadd.s32 $0xDA00, s7;
	s6 =	sadd.s32 $0x3C00, s7;
	s12 =	smul.u32 $0x50000, s1  }
0x9: {  	s28 =	smul.u32 $0x2710, s1;
	s29 =	sshll.u32 s1, $0x6;
	_ =	strace $0x80000050  }
0xa: {  	s10 =	smul.u32 $0x140000, s9;
	s23 =	sshll.u32 s9, $0x4;
	s24 =	ssub.s32 $0x2, s9  }
0xb: {  	s14 =	smul.u32 $0x27100, s9;
	s11 =	sshrl.u32 s8, $0x3;
	s26 =	sshrl.u32 s24, $0x1  }
0xc: {  	s12 =	sshrl.u32 s12, $0x2;
	s11 =	sadd.s32 s11, s7;
	s8 =	sadd.s32 s8, s10  }
0xd: {  	s10 =	sor.u32 s1, s23;
	s15 =	ssub.s32 s24, s26;
	s16 =	sadd.s32 s12, s3  }
0xe: {  	s14 =	sadd.s32 s28, s14;
	s23 =	simm.s32 $0x1;
	s24 =	simm.s32 $0x2A00  }
0xf: {  	s8 =	sshrl.u32 s8, $0x3;
	s25 =	smul.u32 $0x2710, s10;
	s17 =	sadd.s32 $0x50, s14  }
0x10: {  	s12 =	smax.u32 s15, $0x1;
	s16 =	sshrl.u32 s16, $0x3;
	s13 =	sadd.s32 s8, s7  }
0x11: {  	s7 =	sadd.s32 $0x34C00, s11;
	s8 =	sor.u32 $0x1C02, s29;
	s31 =	sshrl.u32 s17, $0x3  }
0x12: {  	s17 =	simm.s32 $0x2;
	s30 =	sshrl.u32 s25, $0x3;
	s11 =	sadd.s32 $0x5CC00, s13  }
0x13: {  	s13 =	sadd.s32 $0xA0, s14;
	s14 =	sadd.s32 s31, s2;
	s15 =	sadd.s32 s31, s6  }
0x14: {  	s25 =	simm.s32 $0x0;
	s9 =	sadd.s32 s6, s30;
	s10 =	sadd.s32 s2, s30  }
.LBB2_1:
0x15: {  	[spmem:s16], [sflag:s8] =	dma.local [hbm:s7], $0x2800  }
0x16: {  	_ =	swait.ge [sflag:s17], $0x2800  }
0x17: {  	[sflag:s17] =	ssyncset.done $0x0  }
0x18: {  	[sflag:s17] =	ssyncadd.s32 $0xFFFFD800  }
0x19: {  	[bflag:$0x0] =	sbarrier.arrive $0xFFFF  }
0x1a: {  	[tilespmem:s4], [sflag:$0x2] =	stream.linear.gather [hbm4b:s9+s4], $0x50, $0x38;
	[tilespmem:$0x19200] =	vst v63  }
0x1b: {  	_ =	swait.ge [sflag:s17], $0x50  }
0x1c: {  	[sflag:s17] =	ssyncset.done $0x0  }
0x1d: {  	[sflag:s17] =	ssyncadd.s32 $0xFFFFFFB0  }
0x1e: {  	[tilespmem:s18], [sflag:$0x2] =	stream.linear.gather [hbm4b:s10+s4], $0x50, $0x38;
	[tilespmem:$0x19200] =	vst v63  }
0x1f: {  	_ =	swait.ge [sflag:s17], $0x50  }
0x20: {  	[sflag:s17] =	ssyncset.done $0x0  }
0x21: {  	[sflag:s17] =	ssyncadd.s32 $0xFFFFFFB0  }
0x22: {  	[tilespmem:s20], [sflag:$0x1] =	stream.indirect.gather [hbm4b:s5+s19], $0x80, s4, s19, $0xb8;
	[tilespmem:$0x19200] =	vst v63  }
0x23: {  	s26 =	sadd.s32 $0x0, s15  }
0x24: {  	[tilespmem:s21], [sflag:$0x2] =	stream.linear.gather [hbm4b:s26+s4], $0x50, $0x38;
	[tilespmem:$0x19200] =	vst v63  }
0x25: {  	_ =	swait.ge [sflag:s17], $0x50  }
0x26: {  	[sflag:s17] =	ssyncset.done $0x0  }
0x27: {  	s30 =	sadd.s32 $0x0, s14;
	[sflag:s17] =	ssyncadd.s32 $0xFFFFFFB0  }
0x28: {  	[tilespmem:s22], [sflag:$0x2] =	stream.linear.gather [hbm4b:s30+s4], $0x50, $0x38;
	[tilespmem:$0x19200] =	vst v63  }
0x29: {  	_ =	swait.ge [sflag:s17], $0x50  }
0x2a: {  	[sflag:s17] =	ssyncset.done $0x0  }
0x2b: {  	[sflag:s17] =	ssyncadd.s32 $0xFFFFFFB0  }
0x2c: {  	_ =	swait.ge [sflag:s23], $0x2800  }
0x2d: {  	[sflag:s23] =	ssyncset.done $0x0  }
0x2e: {  	[sflag:s23] =	ssyncadd.s32 $0xFFFFD800  }
0x2f: {  	[tilespmem:s24], [sflag:$0x1] =	stream.indirect.gather [hbm4b:s5+s19], $0x80, s21, s19, $0xb8;
	[tilespmem:$0x19200] =	vst v63  }
0x30: {  	_ = 	snop  }
0x31: {  	[spmem:s3] =	stream.indirect.scatter.add.f32 [tilespmem:s20], [sflag:$0x2], $0x80, s18, s19, $0xb8;
	[tilespmem:$0x19200] =	vst v63  }
0x32: {  	_ =	swait.ge [sflag:s17], $0x2800  }
0x33: {  	s31 =	sshrl.u32 s13, $0x3;
	[sflag:s17] =	ssyncset.done $0x0  }
0x34: {  	s28 =	sadd.s32 s6, s31;
	[sflag:s17] =	ssyncadd.s32 $0xFFFFD800  }
0x35: {  	[tilespmem:s4], [sflag:$0x2] =	stream.linear.gather [hbm4b:s28+s4], $0x50, $0x38;
	[tilespmem:$0x19200] =	vst v63  }
0x36: {  	_ =	swait.ge [sflag:s17], $0x50  }
0x37: {  	[sflag:s17] =	ssyncset.done $0x0  }
0x38: {  	s26 =	sadd.s32 s2, s31;
	[sflag:s17] =	ssyncadd.s32 $0xFFFFFFB0  }
0x39: {  	[tilespmem:s18], [sflag:$0x2] =	stream.linear.gather [hbm4b:s26+s4], $0x50, $0x38;
	[tilespmem:$0x19200] =	vst v63  }
0x3a: {  	_ =	swait.ge [sflag:s17], $0x50  }
0x3b: {  	[sflag:s17] =	ssyncset.done $0x0  }
0x3c: {  	[sflag:s17] =	ssyncadd.s32 $0xFFFFFFB0  }
0x3d: {  	_ =	swait.ge [sflag:s23], $0x2800  }
0x3e: {  	[sflag:s23] =	ssyncset.done $0x0  }
0x3f: {  	[sflag:s23] =	ssyncadd.s32 $0xFFFFD800  }
0x40: {  	[tilespmem:s20], [sflag:$0x1] =	stream.indirect.gather [hbm4b:s5+s19], $0x80, s4, s19, $0xb8;
	[tilespmem:$0x19200] =	vst v63  }
0x41: {  	_ = 	snop  }
0x42: {  	[spmem:s3] =	stream.indirect.scatter.add.f32 [tilespmem:s24], [sflag:$0x2], $0x80, s22, s19, $0xb8;
	[tilespmem:$0x19200] =	vst v63  }
0x43: {  	_ =	swait.ge [sflag:s17], $0x2800  }
0x44: {  	s28 =	smov.u32 s13;
	s26 =	simm.s32 $0x14;
	[sflag:s17] =	ssyncset.done $0x0  }
.LBB2_2:
0x45: {  	p0 =	sne.s32 s26, $0x4C4;
	[sflag:s17] =	ssyncadd.s32 $0xFFFFD800;
	s28 =	sadd.s32 $0xA0, s28  }
0x46: {  	s29 =	sadd.s32 s26, s15;
	s30 =	smov.u32 s26;
	s26 =	sadd.s32 $0x14, s26  }
0x47: {  	[tilespmem:s21], [sflag:$0x2] =	stream.linear.gather [hbm4b:s29+s4], $0x50, $0x38;
	[tilespmem:$0x19200] =	vst v63  }
0x48: {  	_ =	swait.ge [sflag:s17], $0x50  }
0x49: {  	[sflag:s17] =	ssyncset.done $0x0  }
0x4a: {  	s29 =	sadd.s32 s30, s14;
	[sflag:s17] =	ssyncadd.s32 $0xFFFFFFB0  }
0x4b: {  	[tilespmem:s22], [sflag:$0x2] =	stream.linear.gather [hbm4b:s29+s4], $0x50, $0x38;
	[tilespmem:$0x19200] =	vst v63  }
0x4c: {  	_ =	swait.ge [sflag:s17], $0x50  }
0x4d: {  	[sflag:s17] =	ssyncset.done $0x0  }
0x4e: {  	[sflag:s17] =	ssyncadd.s32 $0xFFFFFFB0  }
0x4f: {  	_ =	swait.ge [sflag:s23], $0x2800  }
0x50: {  	[sflag:s23] =	ssyncset.done $0x0  }
0x51: {  	[sflag:s23] =	ssyncadd.s32 $0xFFFFD800  }
0x52: {  	[tilespmem:s24], [sflag:$0x1] =	stream.indirect.gather [hbm4b:s5+s19], $0x80, s21, s19, $0xb8;
	[tilespmem:$0x19200] =	vst v63  }
0x53: {  	_ = 	snop  }
0x54: {  	[spmem:s3] =	stream.indirect.scatter.add.f32 [tilespmem:s20], [sflag:$0x2], $0x80, s18, s19, $0xb8;
	[tilespmem:$0x19200] =	vst v63  }
0x55: {  	_ =	swait.ge [sflag:s17], $0x2800  }
0x56: {  	s29 =	sshrl.u32 s28, $0x3;
	[sflag:s17] =	ssyncset.done $0x0  }
0x57: {  	s30 =	sadd.s32 s6, s29;
	[sflag:s17] =	ssyncadd.s32 $0xFFFFD800  }
0x58: {  	[tilespmem:s4], [sflag:$0x2] =	stream.linear.gather [hbm4b:s30+s4], $0x50, $0x38;
	[tilespmem:$0x19200] =	vst v63  }
0x59: {  	_ =	swait.ge [sflag:s17], $0x50  }
0x5a: {  	[sflag:s17] =	ssyncset.done $0x0  }
0x5b: {  	s29 =	sadd.s32 s2, s29;
	[sflag:s17] =	ssyncadd.s32 $0xFFFFFFB0  }
0x5c: {  	[tilespmem:s18], [sflag:$0x2] =	stream.linear.gather [hbm4b:s29+s4], $0x50, $0x38;
	[tilespmem:$0x19200] =	vst v63  }
0x5d: {  	_ =	swait.ge [sflag:s17], $0x50  }
0x5e: {  	[sflag:s17] =	ssyncset.done $0x0  }
0x5f: {  	[sflag:s17] =	ssyncadd.s32 $0xFFFFFFB0  }
0x60: {  	_ =	swait.ge [sflag:s23], $0x2800  }
0x61: {  	[sflag:s23] =	ssyncset.done $0x0  }
0x62: {  	[sflag:s23] =	ssyncadd.s32 $0xFFFFD800  }
0x63: {  	[tilespmem:s20], [sflag:$0x1] =	stream.indirect.gather [hbm4b:s5+s19], $0x80, s4, s19, $0xb8;
	[tilespmem:$0x19200] =	vst v63  }
.Ltmp0:
0x64: {  	_ = 	snop;
	(pc) =	sbr.rel @p0 .LBB2_2-.Ltmp0, $4  }
0x65: {  	_ = 	snop  }
0x66: {  	[spmem:s3] =	stream.indirect.scatter.add.f32 [tilespmem:s24], [sflag:$0x2], $0x80, s22, s19, $0xb8;
	[tilespmem:$0x19200] =	vst v63  }
0x67: {  	_ =	swait.ge [sflag:s17], $0x2800  }
0x68: {  	[sflag:s17] =	ssyncset.done $0x0  }
0x69: {  	[sflag:s17] =	ssyncadd.s32 $0xFFFFD800  }
0x6a: {  	_ =	swait.ge [sflag:s23], $0x2800  }
0x6b: {  	[sflag:s23] =	ssyncset.done $0x0  }
0x6c: {  	[sflag:s23] =	ssyncadd.s32 $0xFFFFD800  }
0x6d: {  	[spmem:s3] =	stream.indirect.scatter.add.f32 [tilespmem:s20], [sflag:$0x2], $0x80, s18, s19, $0xb8;
	[tilespmem:$0x19200] =	vst v63  }
0x6e: {  	_ =	swait.ge [sflag:s17], $0x2800  }
0x6f: {  	s25 =	sadd.s32 $0x1, s25;
	[sflag:s17] =	ssyncset.done $0x0  }
0x70: {  	p0 =	sne.s32 s25, s12;
	[sflag:s17] =	ssyncadd.s32 $0xFFFFD800  }
.Ltmp1:
0x71: {  	[bflag:$0x0] =	sbarrier.arrive $0xFFFF;
	(pc) =	sbr.rel @p0 .LBB2_1-.Ltmp1, $4  }
0x72: {  	[hbm:s11], [sflag:s8] =	dma.local [spmem:s16], $0x2800  }
0x73: {  	_ =	swait.ge [sflag:s17], $0x2800  }
0x74: {  	[sflag:s17] =	ssyncset.done $0x0  }
0x75: {  	[sflag:s17] =	ssyncadd.s32 $0xFFFFD800  }
0x76: {  	_ =	sfence.sel $0x180000  }
0x77: {  	[bflag:$0x0] =	sbarrier.arrive $0xFFFF  }
0x78: {  	p0 =	sne.s32 s1, $0x0;
	_ =	strace $0x90000050  }
0x79: {  	s0 =	sadd.s32 @!p0 $0x100000, s0;
	[bflag:$0x2] =	sbarrier.arrive $0xFFFF  }
0x7a: {  	[sflag:s0] =	ssyncadd.tile.s32 @!p0 $0x1;
	_ =	shalt  }
.Lfunc_end2:
_tile_overlayer_lowered:
.L_overlay_start_2:
0x7b: {  	(tag) =	ssettag $0x2  }
0x7c: {  	s0 =	rddreg [dreg:$0x0];
	s2 =	stileid.u32  }
0x7d: {  	s1 =	rddreg [dreg:$0x1];
	p0 =	sne.s32 s2, $0x0  }
0x7e: {  	s3 =	rddreg [dreg:$0x2];
	[bflag:$0x3] =	sbarrier.arrive $0xFFFF;
	s2 =	simm.s32 @!p0 $0x1C02  }
0x7f: {  	[timem:s3], [sflag:s2] =	dma.local @!p0 [hbm:s0], s1  }
0x80: {  	s0 =	simm.s32 @!p0 $0x2  }
0x81: {  	_ =	swait.ge @!p0 [sflag:s0], s1  }
0x82: {  	s1 =	ssub.s32 @!p0 $0x0, s1;
	[sflag:s0] =	ssyncset.done @!p0 $0x0  }
0x83: {  	[sflag:s0] =	ssyncadd.s32 @!p0 s1  }
0x84: {  	[bflag:$0x3] =	sbarrier.arrive $0xFFFF  }
0x85: {  	_ =	shalt  }

</sc_bundles>
